<compile_context>
chip_gen: v7x
topology: tpu7x:2x2x1
jax: 0.10.2.dev20260603
libtpu: 0.0.44.dev20260713+nightly
codegen_flags: <defaults>
</compile_context>

<pallas_src>
import jax
import jax.numpy as jnp
from jax import lax
from jax.experimental import pallas as pl
from jax.experimental.pallas import tpu as pltpu
from jax.experimental.pallas import tpu_sc as plsc

N = 100000
E = 6400000
NPAD = 100352
R = NPAD // 128
NC, NS = 2, 16
NW = NC * NS
SLICE = NPAD // NS
CHUNK = 2000
NQ_U = E // (NW * CHUNK) // 4
NQ_V = E // (NS * CHUNK) // 4
PW = E // NW
PWV = E // NS

_mesh = plsc.VectorSubcoreMesh(core_axis_name="c", subcore_axis_name="s")
_f32 = jnp.float32
_i32 = jnp.int32
_PC = 1920
_PIECES = [(o, min(_PC, SLICE - o)) for o in range(0, SLICE, _PC)]


def _fill(buf, nwords, value):
    vec = jnp.full((16,), value, _f32)

    def body(i, carry):
        buf[pl.ds(i * 16, 16)] = vec
        return carry

    lax.fori_loop(0, nwords // 16, body, 0)


def _zero_shared(sh_ref, off, valv):
    _fill(valv, CHUNK, 0.0)
    for o, ln in _PIECES:
        pltpu.sync_copy(valv.at[pl.ds(0, ln)], sh_ref.at[pl.ds(off + o, ln)])


def _export_shared(sh_ref, off, valv, out_slot):
    for o, ln in _PIECES:
        pltpu.sync_copy(sh_ref.at[pl.ds(off + o, ln)], valv.at[pl.ds(0, ln)])
        pltpu.sync_copy(valv.at[pl.ds(0, ln)], out_slot.at[pl.ds(off + o, ln)])


def _pump(src_hbm, dst_hbm, acc_sh, table, sv, dv, vv, se, sd, ss,
          base, nquads):

    def gather(srcv, valv):
        def g(i, carry):
            for u in range(5):
                o = i * 80 + u * 16
                idx = srcv[pl.ds(o, 16)]
                valv[pl.ds(o, 16)] = plsc.load_gather(table, [idx])
            return carry

        lax.fori_loop(0, CHUNK // 80, g, 0)

    def quad(t, carry):
        for half in range(2):
            b0, b1 = 2 * half, 2 * half + 1
            ca = base + (4 * t + 2 * half) * CHUNK
            cb = ca + CHUNK

            @pl.when(t > 0)
            def _():
                pltpu.make_async_copy(vv[b0], acc_sh.at[dv[b0]], ss[b0]).wait()
                pltpu.make_async_copy(vv[b1], acc_sh.at[dv[b1]], ss[b1]).wait()

            pltpu.async_copy(src_hbm.at[pl.ds(ca, CHUNK)], sv[0], se[0])
            pltpu.async_copy(dst_hbm.at[pl.ds(ca, CHUNK)], dv[b0], sd[b0])
            pltpu.async_copy(src_hbm.at[pl.ds(cb, CHUNK)], sv[1], se[1])
            pltpu.async_copy(dst_hbm.at[pl.ds(cb, CHUNK)], dv[b1], sd[b1])
            pltpu.make_async_copy(
                src_hbm.at[pl.ds(ca, CHUNK)], sv[0], se[0]).wait()
            gather(sv[0], vv[b0])
            pltpu.make_async_copy(
                src_hbm.at[pl.ds(cb, CHUNK)], sv[1], se[1]).wait()
            gather(sv[1], vv[b1])
            pltpu.make_async_copy(
                dst_hbm.at[pl.ds(ca, CHUNK)], dv[b0], sd[b0]).wait()
            pltpu.async_copy(vv[b0], acc_sh.at[dv[b0]], ss[b0], add=True)
            pltpu.make_async_copy(
                dst_hbm.at[pl.ds(cb, CHUNK)], dv[b1], sd[b1]).wait()
            pltpu.async_copy(vv[b1], acc_sh.at[dv[b1]], ss[b1], add=True)
        return carry

    lax.fori_loop(0, nquads, quad, 0)
    for b in range(4):
        pltpu.make_async_copy(vv[b], acc_sh.at[dv[b]], ss[b]).wait()


def _sc_deg(dst_hbm, out_hbm, deg_sh, dv0, dv1, dv2, dv3, onesv, zbuf,
            d0, d1, d2, d3, s0, s1, s2, s3):
    cid = lax.axis_index("c")
    sid = lax.axis_index("s")
    wid = cid * NS + sid
    sl = pl.ds(sid * SLICE, SLICE)
    _fill(onesv, CHUNK, 1.0)
    _fill(zbuf, SLICE, 0.0)
    pltpu.sync_copy(zbuf, deg_sh.at[sl])
    plsc.subcore_barrier()
    base = wid * PW
    dv = (dv0, dv1, dv2, dv3)
    sd = (d0, d1, d2, d3)
    ss = (s0, s1, s2, s3)

    def quad(t, carry):
        for half in range(2):
            b0, b1 = 2 * half, 2 * half + 1
            ca = base + (4 * t + 2 * half) * CHUNK
            cb = ca + CHUNK

            @pl.when(t > 0)
            def _():
                pltpu.make_async_copy(
                    onesv, deg_sh.at[dv[b0]], ss[b0]).wait()
                pltpu.make_async_copy(
                    onesv, deg_sh.at[dv[b1]], ss[b1]).wait()

            pltpu.async_copy(dst_hbm.at[pl.ds(ca, CHUNK)], dv[b0], sd[b0])
            pltpu.async_copy(dst_hbm.at[pl.ds(cb, CHUNK)], dv[b1], sd[b1])
            pltpu.make_async_copy(
                dst_hbm.at[pl.ds(ca, CHUNK)], dv[b0], sd[b0]).wait()
            pltpu.async_copy(onesv, deg_sh.at[dv[b0]], ss[b0], add=True)
            pltpu.make_async_copy(
                dst_hbm.at[pl.ds(cb, CHUNK)], dv[b1], sd[b1]).wait()
            pltpu.async_copy(onesv, deg_sh.at[dv[b1]], ss[b1], add=True)
        return carry

    lax.fori_loop(0, NQ_U, quad, 0)
    for b in range(4):
        pltpu.make_async_copy(onesv, deg_sh.at[dv[b]], ss[b]).wait()
    plsc.subcore_barrier()
    pltpu.sync_copy(deg_sh.at[sl], zbuf)
    pltpu.sync_copy(zbuf, out_hbm.at[cid, sl])


def _sc_u(src_hbm, dst_hbm, p_hbm, out_hbm, u_sh, p_tile,
          sv0, sv1, dv0, dv1, dv2, dv3, vv0, vv1, vv2, vv3,
          e0, e1, d0, d1, d2, d3, s0, s1, s2, s3):
    cid = lax.axis_index("c")
    sid = lax.axis_index("s")
    wid = cid * NS + sid
    off = sid * SLICE
    _zero_shared(u_sh, off, vv0)
    pltpu.sync_copy(p_hbm, p_tile)
    plsc.subcore_barrier()
    _pump(src_hbm, dst_hbm, u_sh, p_tile,
          (sv0, sv1), (dv0, dv1, dv2, dv3), (vv0, vv1, vv2, vv3),
          (e0, e1), (d0, d1, d2, d3), (s0, s1, s2, s3),
          wid * PW, NQ_U)
    plsc.subcore_barrier()
    _export_shared(u_sh, off, vv0, out_hbm.at[cid])


def _sc_v(src_hbm, dst_hbm, q0_hbm, q1_hbm, out_hbm, v_sh, q_tile,
          sv0, sv1, dv0, dv1, dv2, dv3, vv0, vv1, vv2, vv3,
          e0, e1, d0, d1, d2, d3, s0, s1, s2, s3):
    cid = lax.axis_index("c")
    sid = lax.axis_index("s")
    off = sid * SLICE
    _zero_shared(v_sh, off, vv0)

    @pl.when(cid == 0)
    def _():
        pltpu.sync_copy(q0_hbm, q_tile)

    @pl.when(cid == 1)
    def _():
        pltpu.sync_copy(q1_hbm, q_tile)

    plsc.subcore_barrier()
    _pump(src_hbm, dst_hbm, v_sh, q_tile,
          (sv0, sv1), (dv0, dv1, dv2, dv3), (vv0, vv1, vv2, vv3),
          (e0, e1), (d0, d1, d2, d3), (s0, s1, s2, s3),
          sid * PWV, NQ_V)
    plsc.subcore_barrier()
    _export_shared(v_sh, off, vv0, out_hbm.at[cid])


def _tc_a(degp_ref, x_ref, dis_ref, p_ref):
    deg = degp_ref[0] + degp_ref[1] + 1.0
    dis = lax.rsqrt(deg)
    dis_ref[...] = dis
    p_ref[...] = dis * x_ref[...]


def _tc_b(up_ref, dis_ref, x_ref, w1_ref, b1_ref, w2_ref, b2_ref,
          q0_ref, q1_ref, base0_ref, base1_ref):
    dis = dis_ref[...]
    dis2 = dis * dis
    s = dis * (up_ref[0] + up_ref[1]) + dis2 * x_ref[...]
    acc0 = jnp.zeros_like(s)
    acc1 = jnp.zeros_like(s)
    for k in range(8):
        h = jnp.maximum(s * w1_ref[0, k] + b1_ref[k], 0.0)
        acc0 = acc0 + h * w2_ref[k, 0]
        acc1 = acc1 + h * w2_ref[k, 1]
    q0_ref[...] = dis * acc0
    q1_ref[...] = dis * acc1
    base0_ref[...] = dis2 * acc0 + b2_ref[0]
    base1_ref[...] = dis2 * acc1 + b2_ref[1]


def _tc_c(v_ref, dis_ref, base0_ref, base1_ref, o0_ref, o1_ref):
    dis = dis_ref[...]
    o0_ref[...] = dis * v_ref[0] + base0_ref[...]
    o1_ref[...] = dis * v_ref[1] + base1_ref[...]


_nodes = jax.ShapeDtypeStruct((R, 128), _f32)
_DMA = pltpu.SemaphoreType.DMA
_SC_PARAMS = pltpu.CompilerParams(needs_layout_passes=False)
_IDX4 = [pltpu.VMEM((CHUNK,), _i32)] * 4
_IDX2 = [pltpu.VMEM((CHUNK,), _i32)] * 2
_VAL4 = [pltpu.VMEM((CHUNK,), _f32)] * 4


def kernel(x, edge_index, W1, b1, W2, b2):
    ei = edge_index.astype(_i32)
    src = ei[0]
    dst = ei[1]
    xp = jnp.pad(x[:, 0], (0, NPAD - N))

    deg_p = pl.kernel(
        _sc_deg,
        out_type=jax.ShapeDtypeStruct((NC, NPAD), _f32),
        mesh=_mesh,
        compiler_params=_SC_PARAMS,
        scratch_types=[
            pltpu.VMEM_SHARED((NPAD,), _f32),
            *_IDX4,
            pltpu.VMEM((CHUNK,), _f32),
            pltpu.VMEM((SLICE,), _f32),
            *([_DMA] * 8),
        ],
    )(dst)

    dis, p = pl.pallas_call(
        _tc_a,
        out_shape=(_nodes, _nodes),
    )(deg_p.reshape(NC, R, 128), xp.reshape(R, 128))

    u_p = pl.kernel(
        _sc_u,
        out_type=jax.ShapeDtypeStruct((NC, NPAD), _f32),
        mesh=_mesh,
        compiler_params=_SC_PARAMS,
        scratch_types=[
            pltpu.VMEM_SHARED((NPAD,), _f32),
            pltpu.VMEM((NPAD,), _f32),
            *_IDX2, *_IDX4, *_VAL4,
            *([_DMA] * 10),
        ],
    )(src, dst, p.reshape(NPAD))

    smem = pl.BlockSpec(memory_space=pltpu.SMEM)
    vmem = pl.BlockSpec(memory_space=pltpu.VMEM)
    q0, q1, base0, base1 = pl.pallas_call(
        _tc_b,
        out_shape=(_nodes, _nodes, _nodes, _nodes),
        in_specs=[vmem, vmem, vmem, smem, smem, smem, smem],
    )(u_p.reshape(NC, R, 128), dis, xp.reshape(R, 128), W1, b1, W2, b2)

    v_out = pl.kernel(
        _sc_v,
        out_type=jax.ShapeDtypeStruct((NC, NPAD), _f32),
        mesh=_mesh,
        compiler_params=_SC_PARAMS,
        scratch_types=[
            pltpu.VMEM_SHARED((NPAD,), _f32),
            pltpu.VMEM((NPAD,), _f32),
            *_IDX2, *_IDX4, *_VAL4,
            *([_DMA] * 10),
        ],
    )(src, dst, q0.reshape(NPAD), q1.reshape(NPAD))

    o0, o1 = pl.pallas_call(
        _tc_c,
        out_shape=(_nodes, _nodes),
    )(v_out.reshape(NC, R, 128), dis, base0, base1)

    return jnp.stack([o0.reshape(NPAD)[:N], o1.reshape(NPAD)[:N]], axis=1)

# --- scband reference (transcript-rebuilt; emitter-appended) ---
"""Pipeline reference for scband-gnn-23819888624267 (READ-ONLY COPY).

The authoritative reference and input builder live on the scoring server;
editing this copy changes nothing except your own understanding.
"""

import jax, jax.numpy as jnp
import numpy as np

N_NODES = 100000
N_EDGES = 6400000


def glorot(key, shape):
    fan_in, fan_out = shape[0], shape[1]
    limit = float(np.sqrt(6.0 / (fan_in + fan_out)))
    return jax.random.uniform(key, shape, dtype=jnp.float32, minval=-limit, maxval=limit)


def setup_inputs(seed: int = 0) -> dict:
    key = jax.random.key(seed)
    k1, k2, k3 = jax.random.split(key, 3)
    x = jax.random.normal(k1, (N_NODES, 1), dtype=jnp.float32)
    edge_index = jax.random.randint(k2, (2, N_EDGES), 0, N_NODES, dtype=jnp.int64)
    kw1, kw2 = jax.random.split(k3)
    W1 = glorot(kw1, (1, 8))
    b1 = jnp.zeros((8,), dtype=jnp.float32)
    W2 = glorot(kw2, (8, 2))
    b2 = jnp.zeros((2,), dtype=jnp.float32)
    return {"x": x, "edge_index": edge_index, "W1": W1, "b1": b1, "W2": W2, "b2": b2}


def gcn_conv(x, src, dst, W, b, num_nodes):
    # x: [N, in], W: [in, out]; edges already include self-loops
    h = x @ W
    deg = jnp.zeros((num_nodes,), dtype=h.dtype).at[dst].add(1.0)
    deg_inv_sqrt = jnp.where(deg > 0, deg ** -0.5, 0.0)
    norm = deg_inv_sqrt[src] * deg_inv_sqrt[dst]
    msg = norm[:, None] * h[src]
    out = jnp.zeros((num_nodes, W.shape[1]), dtype=h.dtype).at[dst].add(msg)
    return out + b


def reference(x, edge_index, W1, b1, W2, b2):
    num_nodes = x.shape[0]
    loop = jnp.arange(num_nodes, dtype=edge_index.dtype)
    src = jnp.concatenate([edge_index[0], loop])
    dst = jnp.concatenate([edge_index[1], loop])
    h = gcn_conv(x, src, dst, W1, b1, num_nodes)
    h = jax.nn.relu(h)
    out = gcn_conv(h, src, dst, W2, b2, num_nodes)
    return out

if __name__ == "__main__":
    import jax
    _d = setup_inputs()
    print(jax.jit(kernel)(*tuple(_d.values())))

</pallas_src>

<mosaic_0001>
#map = affine_map<(d0, d1) -> (0)>
#map1 = affine_map<(d0, d1) -> (0, 0)>
module attributes {stable_mosaic.version = 14 : i64} {
  func.func @_sc_deg(%arg0: i32, %arg1: i32, %arg2: memref<6400000xi32, #tpu.memory_space<hbm>>, %arg3: memref<2x100352xf32, #tpu.memory_space<hbm>>, %arg4: memref<100352xf32, #tpu.memory_space<vmem_shared>>, %arg5: memref<2000xi32, #tpu.memory_space<vmem>>, %arg6: memref<2000xi32, #tpu.memory_space<vmem>>, %arg7: memref<2000xi32, #tpu.memory_space<vmem>>, %arg8: memref<2000xi32, #tpu.memory_space<vmem>>, %arg9: memref<2000xf32, #tpu.memory_space<vmem>>, %arg10: memref<6272xf32, #tpu.memory_space<vmem>>, %arg11: memref<!tpu.dma_semaphore, #tpu.memory_space<semaphore_mem>>, %arg12: memref<!tpu.dma_semaphore, #tpu.memory_space<semaphore_mem>>, %arg13: memref<!tpu.dma_semaphore, #tpu.memory_space<semaphore_mem>>, %arg14: memref<!tpu.dma_semaphore, #tpu.memory_space<semaphore_mem>>, %arg15: memref<!tpu.dma_semaphore, #tpu.memory_space<semaphore_mem>>, %arg16: memref<!tpu.dma_semaphore, #tpu.memory_space<semaphore_mem>>, %arg17: memref<!tpu.dma_semaphore, #tpu.memory_space<semaphore_mem>>, %arg18: memref<!tpu.dma_semaphore, #tpu.memory_space<semaphore_mem>>) attributes {dimension_semantics = [#tpu.dimension_semantics<core_parallel>, #tpu.dimension_semantics<subcore_parallel>], iteration_bounds = array<i64: 2, 16>, scalar_prefetch = 0 : i64, scratch_operands = 15 : i64, tpu.core_type = #tpu.core_type<sc_vector_subcore>, window_params = [{transform_indices = #map}, {transform_indices = #map1}]} {
    %mul3A = arith.constant 16 : i32
    %mul3A_0 = arith.muli %arg0, %mul3A : i32
    %add3A = arith.addi %mul3A_0, %arg1 : i32
    %mul3A_1 = arith.constant 6272 : i32
    %mul3A_2 = arith.muli %arg1, %mul3A_1 : i32
    %broadcast_in_dim3A = arith.constant 1.000000e+00 : f32
    %broadcast_in_dim3A_3 = vector.broadcast %broadcast_in_dim3A : f32 to vector<16xf32>
    %scan3A = arith.constant 0 : i32
    %scan3A_4 = arith.constant 0 : i32
    %scan3A_5 = arith.constant 125 : i32
    %scan3A_6 = arith.addi %scan3A_4, %scan3A_5 : i32
    %scan3A_7 = arith.constant 1 : i32
    scf.for %scan3A_33 = %scan3A_4 to %scan3A_6 step %scan3A_7  : i32 {
      %mul3A_34 = arith.constant 16 : i32
      %mul3A_35 = arith.muli %scan3A_33, %mul3A_34 : i32
      %swap3A = arith.index_cast %mul3A_35 : i32 to index
      %swap3A_36 = tpu.vector_load %arg9[%swap3A] {strides = array<i32>} : memref<2000xf32, #tpu.memory_space<vmem>>, vector<16xf32>,
      tpu.vector_store %arg9[%swap3A], %broadcast_in_dim3A_3 {strides = array<i32>} : memref<2000xf32, #tpu.memory_space<vmem>>, vector<16xf32>,
    }
    %scan3A_8 = arith.constant 125 : i32
    %broadcast_in_dim3A_9 = arith.constant 0.000000e+00 : f32
    %broadcast_in_dim3A_10 = vector.broadcast %broadcast_in_dim3A_9 : f32 to vector<16xf32>
    %scan3A_11 = arith.constant 0 : i32
    %scan3A_12 = arith.constant 0 : i32
    %scan3A_13 = arith.constant 392 : i32
    %scan3A_14 = arith.addi %scan3A_12, %scan3A_13 : i32
    %scan3A_15 = arith.constant 1 : i32
    scf.for %scan3A_33 = %scan3A_12 to %scan3A_14 step %scan3A_15  : i32 {
      %mul3A_34 = arith.constant 16 : i32
      %mul3A_35 = arith.muli %scan3A_33, %mul3A_34 : i32
      %swap3A = arith.index_cast %mul3A_35 : i32 to index
      %swap3A_36 = tpu.vector_load %arg10[%swap3A] {strides = array<i32>} : memref<6272xf32, #tpu.memory_space<vmem>>, vector<16xf32>,
      tpu.vector_store %arg10[%swap3A], %broadcast_in_dim3A_10 {strides = array<i32>} : memref<6272xf32, #tpu.memory_space<vmem>>, vector<16xf32>,
    }
    %scan3A_16 = arith.constant 392 : i32
    "tpu.region"() ({
      %run_scoped3A = tpu.sem_alloc : memref<!tpu.dma_semaphore, #tpu.memory_space<semaphore_mem>>
      %dma_start3A = tpu.memref_slice %arg4[%mul3A_2] : memref<100352xf32, #tpu.memory_space<vmem_shared>> -> memref<6272xf32, #tpu.memory_space<vmem_shared>>
      %dma_start3A_33 = tpu.memref_slice %arg4[%mul3A_2] : memref<100352xf32, #tpu.memory_space<vmem_shared>> -> memref<6272xf32, #tpu.memory_space<vmem_shared>>
      tpu.enqueue_dma source(%arg10 : memref<6272xf32, #tpu.memory_space<vmem>>) target(%dma_start3A_33 : memref<6272xf32, #tpu.memory_space<vmem_shared>>) target_semaphore(%run_scoped3A : memref<!tpu.dma_semaphore, #tpu.memory_space<semaphore_mem>>)
      %dma_wait3A_34 = tpu.memref_slice %arg4[%mul3A_2] : memref<100352xf32, #tpu.memory_space<vmem_shared>> -> memref<6272xf32, #tpu.memory_space<vmem_shared>>
      %dma_wait3A_35 = tpu.memref_slice %arg4[%mul3A_2] : memref<100352xf32, #tpu.memory_space<vmem_shared>> -> memref<6272xf32, #tpu.memory_space<vmem_shared>>
      tpu.wait_dma2 semaphore(%run_scoped3A : memref<!tpu.dma_semaphore, #tpu.memory_space<semaphore_mem>>) src(%arg10 : memref<6272xf32, #tpu.memory_space<vmem>>) dst(%dma_wait3A_35 : memref<6272xf32, #tpu.memory_space<vmem_shared>>)
      tpu.yield
    }) : () -> ()
    %barrier3A = arith.constant 0 : index
    tpu.barrier barrier_id(%barrier3A)
    %mul3A_17 = arith.constant 200000 : i32
    %mul3A_18 = arith.muli %add3A, %mul3A_17 : i32
    %scan3A_19 = arith.constant 0 : i32
    %scan3A_20 = arith.constant 0 : i32
    %scan3A_21 = arith.constant 25 : i32
    %scan3A_22 = arith.addi %scan3A_20, %scan3A_21 : i32
    %scan3A_23 = arith.constant 1 : i32
    scf.for %scan3A_33 = %scan3A_20 to %scan3A_22 step %scan3A_23  : i32 {
      %mul3A_34 = arith.constant 4 : i32
      %mul3A_35 = arith.muli %mul3A_34, %scan3A_33 : i32
      %add3A_36 = arith.constant 0 : i32
      %add3A_37 = arith.addi %mul3A_35, %add3A_36 : i32
      %mul3A_38 = arith.constant 2000 : i32
      %mul3A_39 = arith.muli %add3A_37, %mul3A_38 : i32
      %add3A_40 = arith.addi %mul3A_18, %mul3A_39 : i32
      %add3A_41 = arith.constant 2000 : i32
      %add3A_42 = arith.addi %add3A_40, %add3A_41 : i32
      %gt3A = arith.constant 0 : i32
      %gt3A_43 = arith.cmpi sgt, %scan3A_33, %gt3A : i32
      %convert_element_type3A = arith.extui %gt3A_43 : i1 to i32
      %cond3A = arith.constant 0 : i32
      %cond3A_44 = arith.cmpi ne, %convert_element_type3A, %cond3A : i32
      scf.if %cond3A_44 {
        %dma_wait3A_82 = arith.constant 0 : i32
        %dma_wait3A_83 = tpu.memref_slice %arg4[%dma_wait3A_82] : memref<100352xf32, #tpu.memory_space<vmem_shared>> -> memref<100352xf32, #tpu.memory_space<vmem_shared>>
        tpu.wait_indirect_dma semaphore(%arg15 : memref<!tpu.dma_semaphore, #tpu.memory_space<semaphore_mem>>) src(%arg9 : memref<2000xf32, #tpu.memory_space<vmem>>) dst(%dma_wait3A_83 : memref<100352xf32, #tpu.memory_space<vmem_shared>>)
        %dma_wait3A_84 = arith.constant 0 : i32
        %dma_wait3A_85 = tpu.memref_slice %arg4[%dma_wait3A_84] : memref<100352xf32, #tpu.memory_space<vmem_shared>> -> memref<100352xf32, #tpu.memory_space<vmem_shared>>
        tpu.wait_indirect_dma semaphore(%arg16 : memref<!tpu.dma_semaphore, #tpu.memory_space<semaphore_mem>>) src(%arg9 : memref<2000xf32, #tpu.memory_space<vmem>>) dst(%dma_wait3A_85 : memref<100352xf32, #tpu.memory_space<vmem_shared>>)
      } else {
      }
      %dma_start3A = tpu.memref_slice %arg2[%add3A_40] : memref<6400000xi32, #tpu.memory_space<hbm>> -> memref<2000xi32, #tpu.memory_space<hbm>>
      %dma_start3A_45 = tpu.memref_slice %arg2[%add3A_40] : memref<6400000xi32, #tpu.memory_space<hbm>> -> memref<2000xi32, #tpu.memory_space<hbm>>
      tpu.enqueue_dma source(%dma_start3A_45 : memref<2000xi32, #tpu.memory_space<hbm>>) target(%arg5 : memref<2000xi32, #tpu.memory_space<vmem>>) target_semaphore(%arg11 : memref<!tpu.dma_semaphore, #tpu.memory_space<semaphore_mem>>)
      %dma_start3A_46 = tpu.memref_slice %arg2[%add3A_42] : memref<6400000xi32, #tpu.memory_space<hbm>> -> memref<2000xi32, #tpu.memory_space<hbm>>
      %dma_start3A_47 = tpu.memref_slice %arg2[%add3A_42] : memref<6400000xi32, #tpu.memory_space<hbm>> -> memref<2000xi32, #tpu.memory_space<hbm>>
      tpu.enqueue_dma source(%dma_start3A_47 : memref<2000xi32, #tpu.memory_space<hbm>>) target(%arg6 : memref<2000xi32, #tpu.memory_space<vmem>>) target_semaphore(%arg12 : memref<!tpu.dma_semaphore, #tpu.memory_space<semaphore_mem>>)
      %dma_wait3A_48 = tpu.memref_slice %arg2[%add3A_40] : memref<6400000xi32, #tpu.memory_space<hbm>> -> memref<2000xi32, #tpu.memory_space<hbm>>
      %dma_wait3A_49 = tpu.memref_slice %arg2[%add3A_40] : memref<6400000xi32, #tpu.memory_space<hbm>> -> memref<2000xi32, #tpu.memory_space<hbm>>
      tpu.wait_dma2 semaphore(%arg11 : memref<!tpu.dma_semaphore, #tpu.memory_space<semaphore_mem>>) src(%dma_wait3A_49 : memref<2000xi32, #tpu.memory_space<hbm>>) dst(%arg5 : memref<2000xi32, #tpu.memory_space<vmem>>)
      %dma_start3A_50 = arith.constant 0 : i32
      %dma_start3A_51 = tpu.memref_slice %arg4[%dma_start3A_50] : memref<100352xf32, #tpu.memory_space<vmem_shared>> -> memref<100352xf32, #tpu.memory_space<vmem_shared>>
      tpu.enqueue_indirect_dma source(%arg9 : memref<2000xf32, #tpu.memory_space<vmem>>) target(%dma_start3A_51 : memref<100352xf32, #tpu.memory_space<vmem_shared>>) offsets(%arg5 : memref<2000xi32, #tpu.memory_space<vmem>>) semaphore(%arg15 : memref<!tpu.dma_semaphore, #tpu.memory_space<semaphore_mem>>) {add = true}
      %dma_wait3A_52 = tpu.memref_slice %arg2[%add3A_42] : memref<6400000xi32, #tpu.memory_space<hbm>> -> memref<2000xi32, #tpu.memory_space<hbm>>
      %dma_wait3A_53 = tpu.memref_slice %arg2[%add3A_42] : memref<6400000xi32, #tpu.memory_space<hbm>> -> memref<2000xi32, #tpu.memory_space<hbm>>
      tpu.wait_dma2 semaphore(%arg12 : memref<!tpu.dma_semaphore, #tpu.memory_space<semaphore_mem>>) src(%dma_wait3A_53 : memref<2000xi32, #tpu.memory_space<hbm>>) dst(%arg6 : memref<2000xi32, #tpu.memory_space<vmem>>)
      %dma_start3A_54 = arith.constant 0 : i32
      %dma_start3A_55 = tpu.memref_slice %arg4[%dma_start3A_54] : memref<100352xf32, #tpu.memory_space<vmem_shared>> -> memref<100352xf32, #tpu.memory_space<vmem_shared>>
      tpu.enqueue_indirect_dma source(%arg9 : memref<2000xf32, #tpu.memory_space<vmem>>) target(%dma_start3A_55 : memref<100352xf32, #tpu.memory_space<vmem_shared>>) offsets(%arg6 : memref<2000xi32, #tpu.memory_space<vmem>>) semaphore(%arg16 : memref<!tpu.dma_semaphore, #tpu.memory_space<semaphore_mem>>) {add = true}
      %mul3A_56 = arith.constant 4 : i32
      %mul3A_57 = arith.muli %mul3A_56, %scan3A_33 : i32
      %add3A_58 = arith.constant 2 : i32
      %add3A_59 = arith.addi %mul3A_57, %add3A_58 : i32
      %mul3A_60 = arith.constant 2000 : i32
      %mul3A_61 = arith.muli %add3A_59, %mul3A_60 : i32
      %add3A_62 = arith.addi %mul3A_18, %mul3A_61 : i32
      %add3A_63 = arith.constant 2000 : i32
      %add3A_64 = arith.addi %add3A_62, %add3A_63 : i32
      %gt3A_65 = arith.constant 0 : i32
      %gt3A_66 = arith.cmpi sgt, %scan3A_33, %gt3A_65 : i32
      %convert_element_type3A_67 = arith.extui %gt3A_66 : i1 to i32
      %cond3A_68 = arith.constant 0 : i32
      %cond3A_69 = arith.cmpi ne, %convert_element_type3A_67, %cond3A_68 : i32
      scf.if %cond3A_69 {
        %dma_wait3A_82 = arith.constant 0 : i32
        %dma_wait3A_83 = tpu.memref_slice %arg4[%dma_wait3A_82] : memref<100352xf32, #tpu.memory_space<vmem_shared>> -> memref<100352xf32, #tpu.memory_space<vmem_shared>>
        tpu.wait_indirect_dma semaphore(%arg17 : memref<!tpu.dma_semaphore, #tpu.memory_space<semaphore_mem>>) src(%arg9 : memref<2000xf32, #tpu.memory_space<vmem>>) dst(%dma_wait3A_83 : memref<100352xf32, #tpu.memory_space<vmem_shared>>)
        %dma_wait3A_84 = arith.constant 0 : i32
        %dma_wait3A_85 = tpu.memref_slice %arg4[%dma_wait3A_84] : memref<100352xf32, #tpu.memory_space<vmem_shared>> -> memref<100352xf32, #tpu.memory_space<vmem_shared>>
        tpu.wait_indirect_dma semaphore(%arg18 : memref<!tpu.dma_semaphore, #tpu.memory_space<semaphore_mem>>) src(%arg9 : memref<2000xf32, #tpu.memory_space<vmem>>) dst(%dma_wait3A_85 : memref<100352xf32, #tpu.memory_space<vmem_shared>>)
      } else {
      }
      %dma_start3A_70 = tpu.memref_slice %arg2[%add3A_62] : memref<6400000xi32, #tpu.memory_space<hbm>> -> memref<2000xi32, #tpu.memory_space<hbm>>
      %dma_start3A_71 = tpu.memref_slice %arg2[%add3A_62] : memref<6400000xi32, #tpu.memory_space<hbm>> -> memref<2000xi32, #tpu.memory_space<hbm>>
      tpu.enqueue_dma source(%dma_start3A_71 : memref<2000xi32, #tpu.memory_space<hbm>>) target(%arg7 : memref<2000xi32, #tpu.memory_space<vmem>>) target_semaphore(%arg13 : memref<!tpu.dma_semaphore, #tpu.memory_space<semaphore_mem>>)
      %dma_start3A_72 = tpu.memref_slice %arg2[%add3A_64] : memref<6400000xi32, #tpu.memory_space<hbm>> -> memref<2000xi32, #tpu.memory_space<hbm>>
      %dma_start3A_73 = tpu.memref_slice %arg2[%add3A_64] : memref<6400000xi32, #tpu.memory_space<hbm>> -> memref<2000xi32, #tpu.memory_space<hbm>>
      tpu.enqueue_dma source(%dma_start3A_73 : memref<2000xi32, #tpu.memory_space<hbm>>) target(%arg8 : memref<2000xi32, #tpu.memory_space<vmem>>) target_semaphore(%arg14 : memref<!tpu.dma_semaphore, #tpu.memory_space<semaphore_mem>>)
      %dma_wait3A_74 = tpu.memref_slice %arg2[%add3A_62] : memref<6400000xi32, #tpu.memory_space<hbm>> -> memref<2000xi32, #tpu.memory_space<hbm>>
      %dma_wait3A_75 = tpu.memref_slice %arg2[%add3A_62] : memref<6400000xi32, #tpu.memory_space<hbm>> -> memref<2000xi32, #tpu.memory_space<hbm>>
      tpu.wait_dma2 semaphore(%arg13 : memref<!tpu.dma_semaphore, #tpu.memory_space<semaphore_mem>>) src(%dma_wait3A_75 : memref<2000xi32, #tpu.memory_space<hbm>>) dst(%arg7 : memref<2000xi32, #tpu.memory_space<vmem>>)
      %dma_start3A_76 = arith.constant 0 : i32
      %dma_start3A_77 = tpu.memref_slice %arg4[%dma_start3A_76] : memref<100352xf32, #tpu.memory_space<vmem_shared>> -> memref<100352xf32, #tpu.memory_space<vmem_shared>>
      tpu.enqueue_indirect_dma source(%arg9 : memref<2000xf32, #tpu.memory_space<vmem>>) target(%dma_start3A_77 : memref<100352xf32, #tpu.memory_space<vmem_shared>>) offsets(%arg7 : memref<2000xi32, #tpu.memory_space<vmem>>) semaphore(%arg17 : memref<!tpu.dma_semaphore, #tpu.memory_space<semaphore_mem>>) {add = true}
      %dma_wait3A_78 = tpu.memref_slice %arg2[%add3A_64] : memref<6400000xi32, #tpu.memory_space<hbm>> -> memref<2000xi32, #tpu.memory_space<hbm>>
      %dma_wait3A_79 = tpu.memref_slice %arg2[%add3A_64] : memref<6400000xi32, #tpu.memory_space<hbm>> -> memref<2000xi32, #tpu.memory_space<hbm>>
      tpu.wait_dma2 semaphore(%arg14 : memref<!tpu.dma_semaphore, #tpu.memory_space<semaphore_mem>>) src(%dma_wait3A_79 : memref<2000xi32, #tpu.memory_space<hbm>>) dst(%arg8 : memref<2000xi32, #tpu.memory_space<vmem>>)
      %dma_start3A_80 = arith.constant 0 : i32
      %dma_start3A_81 = tpu.memref_slice %arg4[%dma_start3A_80] : memref<100352xf32, #tpu.memory_space<vmem_shared>> -> memref<100352xf32, #tpu.memory_space<vmem_shared>>
      tpu.enqueue_indirect_dma source(%arg9 : memref<2000xf32, #tpu.memory_space<vmem>>) target(%dma_start3A_81 : memref<100352xf32, #tpu.memory_space<vmem_shared>>) offsets(%arg8 : memref<2000xi32, #tpu.memory_space<vmem>>) semaphore(%arg18 : memref<!tpu.dma_semaphore, #tpu.memory_space<semaphore_mem>>) {add = true}
    }
    %scan3A_24 = arith.constant 25 : i32
    %dma_wait3A = arith.constant 0 : i32
    %dma_wait3A_25 = tpu.memref_slice %arg4[%dma_wait3A] : memref<100352xf32, #tpu.memory_space<vmem_shared>> -> memref<100352xf32, #tpu.memory_space<vmem_shared>>
    tpu.wait_indirect_dma semaphore(%arg15 : memref<!tpu.dma_semaphore, #tpu.memory_space<semaphore_mem>>) src(%arg9 : memref<2000xf32, #tpu.memory_space<vmem>>) dst(%dma_wait3A_25 : memref<100352xf32, #tpu.memory_space<vmem_shared>>)
    %dma_wait3A_26 = arith.constant 0 : i32
    %dma_wait3A_27 = tpu.memref_slice %arg4[%dma_wait3A_26] : memref<100352xf32, #tpu.memory_space<vmem_shared>> -> memref<100352xf32, #tpu.memory_space<vmem_shared>>
    tpu.wait_indirect_dma semaphore(%arg16 : memref<!tpu.dma_semaphore, #tpu.memory_space<semaphore_mem>>) src(%arg9 : memref<2000xf32, #tpu.memory_space<vmem>>) dst(%dma_wait3A_27 : memref<100352xf32, #tpu.memory_space<vmem_shared>>)
    %dma_wait3A_28 = arith.constant 0 : i32
    %dma_wait3A_29 = tpu.memref_slice %arg4[%dma_wait3A_28] : memref<100352xf32, #tpu.memory_space<vmem_shared>> -> memref<100352xf32, #tpu.memory_space<vmem_shared>>
    tpu.wait_indirect_dma semaphore(%arg17 : memref<!tpu.dma_semaphore, #tpu.memory_space<semaphore_mem>>) src(%arg9 : memref<2000xf32, #tpu.memory_space<vmem>>) dst(%dma_wait3A_29 : memref<100352xf32, #tpu.memory_space<vmem_shared>>)
    %dma_wait3A_30 = arith.constant 0 : i32
    %dma_wait3A_31 = tpu.memref_slice %arg4[%dma_wait3A_30] : memref<100352xf32, #tpu.memory_space<vmem_shared>> -> memref<100352xf32, #tpu.memory_space<vmem_shared>>
    tpu.wait_indirect_dma semaphore(%arg18 : memref<!tpu.dma_semaphore, #tpu.memory_space<semaphore_mem>>) src(%arg9 : memref<2000xf32, #tpu.memory_space<vmem>>) dst(%dma_wait3A_31 : memref<100352xf32, #tpu.memory_space<vmem_shared>>)
    %barrier3A_32 = arith.constant 0 : index
    tpu.barrier barrier_id(%barrier3A_32)
    "tpu.region"() ({
      %run_scoped3A = tpu.sem_alloc : memref<!tpu.dma_semaphore, #tpu.memory_space<semaphore_mem>>
      %dma_start3A = tpu.memref_slice %arg4[%mul3A_2] : memref<100352xf32, #tpu.memory_space<vmem_shared>> -> memref<6272xf32, #tpu.memory_space<vmem_shared>>
      %dma_start3A_33 = tpu.memref_slice %arg4[%mul3A_2] : memref<100352xf32, #tpu.memory_space<vmem_shared>> -> memref<6272xf32, #tpu.memory_space<vmem_shared>>
      tpu.enqueue_dma source(%dma_start3A_33 : memref<6272xf32, #tpu.memory_space<vmem_shared>>) target(%arg10 : memref<6272xf32, #tpu.memory_space<vmem>>) target_semaphore(%run_scoped3A : memref<!tpu.dma_semaphore, #tpu.memory_space<semaphore_mem>>)
      %dma_wait3A_34 = tpu.memref_slice %arg4[%mul3A_2] : memref<100352xf32, #tpu.memory_space<vmem_shared>> -> memref<6272xf32, #tpu.memory_space<vmem_shared>>
      %dma_wait3A_35 = tpu.memref_slice %arg4[%mul3A_2] : memref<100352xf32, #tpu.memory_space<vmem_shared>> -> memref<6272xf32, #tpu.memory_space<vmem_shared>>
      tpu.wait_dma2 semaphore(%run_scoped3A : memref<!tpu.dma_semaphore, #tpu.memory_space<semaphore_mem>>) src(%dma_wait3A_35 : memref<6272xf32, #tpu.memory_space<vmem_shared>>) dst(%arg10 : memref<6272xf32, #tpu.memory_space<vmem>>)
      tpu.yield
    }) : () -> ()
    "tpu.region"() ({
      %run_scoped3A = tpu.sem_alloc : memref<!tpu.dma_semaphore, #tpu.memory_space<semaphore_mem>>
      %dma_start3A = tpu.memref_slice %arg3[%arg0, %mul3A_2] : memref<2x100352xf32, #tpu.memory_space<hbm>> -> memref<1x6272xf32, #tpu.memory_space<hbm>>
      %dma_start3A_33 = tpu.memref_squeeze %dma_start3A : memref<1x6272xf32, #tpu.memory_space<hbm>> -> memref<6272xf32, #tpu.memory_space<hbm>>
      %dma_start3A_34 = tpu.memref_slice %arg3[%arg0, %mul3A_2] : memref<2x100352xf32, #tpu.memory_space<hbm>> -> memref<1x6272xf32, #tpu.memory_space<hbm>>
      %dma_start3A_35 = tpu.memref_squeeze %dma_start3A_34 : memref<1x6272xf32, #tpu.memory_space<hbm>> -> memref<6272xf32, #tpu.memory_space<hbm>>
      tpu.enqueue_dma source(%arg10 : memref<6272xf32, #tpu.memory_space<vmem>>) target(%dma_start3A_35 : memref<6272xf32, #tpu.memory_space<hbm>>) target_semaphore(%run_scoped3A : memref<!tpu.dma_semaphore, #tpu.memory_space<semaphore_mem>>)
      %dma_wait3A_36 = tpu.memref_slice %arg3[%arg0, %mul3A_2] : memref<2x100352xf32, #tpu.memory_space<hbm>> -> memref<1x6272xf32, #tpu.memory_space<hbm>>
      %dma_wait3A_37 = tpu.memref_squeeze %dma_wait3A_36 : memref<1x6272xf32, #tpu.memory_space<hbm>> -> memref<6272xf32, #tpu.memory_space<hbm>>
      %dma_wait3A_38 = tpu.memref_slice %arg3[%arg0, %mul3A_2] : memref<2x100352xf32, #tpu.memory_space<hbm>> -> memref<1x6272xf32, #tpu.memory_space<hbm>>
      %dma_wait3A_39 = tpu.memref_squeeze %dma_wait3A_38 : memref<1x6272xf32, #tpu.memory_space<hbm>> -> memref<6272xf32, #tpu.memory_space<hbm>>
      tpu.wait_dma2 semaphore(%run_scoped3A : memref<!tpu.dma_semaphore, #tpu.memory_space<semaphore_mem>>) src(%arg10 : memref<6272xf32, #tpu.memory_space<vmem>>) dst(%dma_wait3A_39 : memref<6272xf32, #tpu.memory_space<hbm>>)
      tpu.yield
    }) : () -> ()
    return
  }
}

#map = affine_map<(d0, d1) -> (0)>
#map1 = affine_map<(d0, d1) -> (0, 0)>
module attributes {stable_mosaic.version = 14 : i64} {
  func.func @_sc_v(%arg0: i32, %arg1: i32, %arg2: memref<6400000xi32, #tpu.memory_space<hbm>>, %arg3: memref<6400000xi32, #tpu.memory_space<hbm>>, %arg4: memref<100352xf32, #tpu.memory_space<hbm>>, %arg5: memref<100352xf32, #tpu.memory_space<hbm>>, %arg6: memref<2x100352xf32, #tpu.memory_space<hbm>>, %arg7: memref<100352xf32, #tpu.memory_space<vmem_shared>>, %arg8: memref<100352xf32, #tpu.memory_space<vmem>>, %arg9: memref<2000xi32, #tpu.memory_space<vmem>>, %arg10: memref<2000xi32, #tpu.memory_space<vmem>>, %arg11: memref<2000xi32, #tpu.memory_space<vmem>>, %arg12: memref<2000xi32, #tpu.memory_space<vmem>>, %arg13: memref<2000xi32, #tpu.memory_space<vmem>>, %arg14: memref<2000xi32, #tpu.memory_space<vmem>>, %arg15: memref<2000xf32, #tpu.memory_space<vmem>>, %arg16: memref<2000xf32, #tpu.memory_space<vmem>>, %arg17: memref<2000xf32, #tpu.memory_space<vmem>>, %arg18: memref<2000xf32, #tpu.memory_space<vmem>>, %arg19: memref<!tpu.dma_semaphore, #tpu.memory_space<semaphore_mem>>, %arg20: memref<!tpu.dma_semaphore, #tpu.memory_space<semaphore_mem>>, %arg21: memref<!tpu.dma_semaphore, #tpu.memory_space<semaphore_mem>>, %arg22: memref<!tpu.dma_semaphore, #tpu.memory_space<semaphore_mem>>, %arg23: memref<!tpu.dma_semaphore, #tpu.memory_space<semaphore_mem>>, %arg24: memref<!tpu.dma_semaphore, #tpu.memory_space<semaphore_mem>>, %arg25: memref<!tpu.dma_semaphore, #tpu.memory_space<semaphore_mem>>, %arg26: memref<!tpu.dma_semaphore, #tpu.memory_space<semaphore_mem>>, %arg27: memref<!tpu.dma_semaphore, #tpu.memory_space<semaphore_mem>>, %arg28: memref<!tpu.dma_semaphore, #tpu.memory_space<semaphore_mem>>) attributes {dimension_semantics = [#tpu.dimension_semantics<core_parallel>, #tpu.dimension_semantics<subcore_parallel>], iteration_bounds = array<i64: 2, 16>, scalar_prefetch = 0 : i64, scratch_operands = 22 : i64, tpu.core_type = #tpu.core_type<sc_vector_subcore>, window_params = [{transform_indices = #map}, {transform_indices = #map}, {transform_indices = #map}, {transform_indices = #map}, {transform_indices = #map1}]} {
    %mul3A = arith.constant 6272 : i32
    %mul3A_0 = arith.muli %arg1, %mul3A : i32
    %broadcast_in_dim3A = arith.constant 0.000000e+00 : f32
    %broadcast_in_dim3A_1 = vector.broadcast %broadcast_in_dim3A : f32 to vector<16xf32>
    %scan3A = arith.constant 0 : i32
    %scan3A_2 = arith.constant 0 : i32
    %scan3A_3 = arith.constant 125 : i32
    %scan3A_4 = arith.addi %scan3A_2, %scan3A_3 : i32
    %scan3A_5 = arith.constant 1 : i32
    scf.for %scan3A_53 = %scan3A_2 to %scan3A_4 step %scan3A_5  : i32 {
      %mul3A_54 = arith.constant 16 : i32
      %mul3A_55 = arith.muli %scan3A_53, %mul3A_54 : i32
      %swap3A = arith.index_cast %mul3A_55 : i32 to index
      %swap3A_56 = tpu.vector_load %arg15[%swap3A] {strides = array<i32>} : memref<2000xf32, #tpu.memory_space<vmem>>, vector<16xf32>,
      tpu.vector_store %arg15[%swap3A], %broadcast_in_dim3A_1 {strides = array<i32>} : memref<2000xf32, #tpu.memory_space<vmem>>, vector<16xf32>,
    }
    %scan3A_6 = arith.constant 125 : i32
    %add3A = arith.constant 0 : i32
    %add3A_7 = arith.addi %mul3A_0, %add3A : i32
    "tpu.region"() ({
      %run_scoped3A = tpu.sem_alloc : memref<!tpu.dma_semaphore, #tpu.memory_space<semaphore_mem>>
      %dma_start3A = arith.constant 0 : i32
      %dma_start3A_53 = tpu.memref_slice %arg15[%dma_start3A] : memref<2000xf32, #tpu.memory_space<vmem>> -> memref<1920xf32, #tpu.memory_space<vmem>>
      %dma_start3A_54 = tpu.memref_slice %arg7[%add3A_7] : memref<100352xf32, #tpu.memory_space<vmem_shared>> -> memref<1920xf32, #tpu.memory_space<vmem_shared>>
      %dma_start3A_55 = tpu.memref_slice %arg7[%add3A_7] : memref<100352xf32, #tpu.memory_space<vmem_shared>> -> memref<1920xf32, #tpu.memory_space<vmem_shared>>
      %dma_start3A_56 = arith.constant 0 : i32
      %dma_start3A_57 = tpu.memref_slice %arg15[%dma_start3A_56] : memref<2000xf32, #tpu.memory_space<vmem>> -> memref<1920xf32, #tpu.memory_space<vmem>>
      tpu.enqueue_dma source(%dma_start3A_57 : memref<1920xf32, #tpu.memory_space<vmem>>) target(%dma_start3A_55 : memref<1920xf32, #tpu.memory_space<vmem_shared>>) target_semaphore(%run_scoped3A : memref<!tpu.dma_semaphore, #tpu.memory_space<semaphore_mem>>)
      %dma_wait3A_58 = arith.constant 0 : i32
      %dma_wait3A_59 = tpu.memref_slice %arg15[%dma_wait3A_58] : memref<2000xf32, #tpu.memory_space<vmem>> -> memref<1920xf32, #tpu.memory_space<vmem>>
      %dma_wait3A_60 = tpu.memref_slice %arg7[%add3A_7] : memref<100352xf32, #tpu.memory_space<vmem_shared>> -> memref<1920xf32, #tpu.memory_space<vmem_shared>>
      %dma_wait3A_61 = tpu.memref_slice %arg7[%add3A_7] : memref<100352xf32, #tpu.memory_space<vmem_shared>> -> memref<1920xf32, #tpu.memory_space<vmem_shared>>
      %dma_wait3A_62 = arith.constant 0 : i32
      %dma_wait3A_63 = tpu.memref_slice %arg15[%dma_wait3A_62] : memref<2000xf32, #tpu.memory_space<vmem>> -> memref<1920xf32, #tpu.memory_space<vmem>>
      tpu.wait_dma2 semaphore(%run_scoped3A : memref<!tpu.dma_semaphore, #tpu.memory_space<semaphore_mem>>) src(%dma_wait3A_63 : memref<1920xf32, #tpu.memory_space<vmem>>) dst(%dma_wait3A_61 : memref<1920xf32, #tpu.memory_space<vmem_shared>>)
      tpu.yield
    }) : () -> ()
    %add3A_8 = arith.constant 1920 : i32
    %add3A_9 = arith.addi %mul3A_0, %add3A_8 : i32
    "tpu.region"() ({
      %run_scoped3A = tpu.sem_alloc : memref<!tpu.dma_semaphore, #tpu.memory_space<semaphore_mem>>
      %dma_start3A = arith.constant 0 : i32
      %dma_start3A_53 = tpu.memref_slice %arg15[%dma_start3A] : memref<2000xf32, #tpu.memory_space<vmem>> -> memref<1920xf32, #tpu.memory_space<vmem>>
      %dma_start3A_54 = tpu.memref_slice %arg7[%add3A_9] : memref<100352xf32, #tpu.memory_space<vmem_shared>> -> memref<1920xf32, #tpu.memory_space<vmem_shared>>
      %dma_start3A_55 = tpu.memref_slice %arg7[%add3A_9] : memref<100352xf32, #tpu.memory_space<vmem_shared>> -> memref<1920xf32, #tpu.memory_space<vmem_shared>>
      %dma_start3A_56 = arith.constant 0 : i32
      %dma_start3A_57 = tpu.memref_slice %arg15[%dma_start3A_56] : memref<2000xf32, #tpu.memory_space<vmem>> -> memref<1920xf32, #tpu.memory_space<vmem>>
      tpu.enqueue_dma source(%dma_start3A_57 : memref<1920xf32, #tpu.memory_space<vmem>>) target(%dma_start3A_55 : memref<1920xf32, #tpu.memory_space<vmem_shared>>) target_semaphore(%run_scoped3A : memref<!tpu.dma_semaphore, #tpu.memory_space<semaphore_mem>>)
      %dma_wait3A_58 = arith.constant 0 : i32
      %dma_wait3A_59 = tpu.memref_slice %arg15[%dma_wait3A_58] : memref<2000xf32, #tpu.memory_space<vmem>> -> memref<1920xf32, #tpu.memory_space<vmem>>
      %dma_wait3A_60 = tpu.memref_slice %arg7[%add3A_9] : memref<100352xf32, #tpu.memory_space<vmem_shared>> -> memref<1920xf32, #tpu.memory_space<vmem_shared>>
      %dma_wait3A_61 = tpu.memref_slice %arg7[%add3A_9] : memref<100352xf32, #tpu.memory_space<vmem_shared>> -> memref<1920xf32, #tpu.memory_space<vmem_shared>>
      %dma_wait3A_62 = arith.constant 0 : i32
      %dma_wait3A_63 = tpu.memref_slice %arg15[%dma_wait3A_62] : memref<2000xf32, #tpu.memory_space<vmem>> -> memref<1920xf32, #tpu.memory_space<vmem>>
      tpu.wait_dma2 semaphore(%run_scoped3A : memref<!tpu.dma_semaphore, #tpu.memory_space<semaphore_mem>>) src(%dma_wait3A_63 : memref<1920xf32, #tpu.memory_space<vmem>>) dst(%dma_wait3A_61 : memref<1920xf32, #tpu.memory_space<vmem_shared>>)
      tpu.yield
    }) : () -> ()
    %add3A_10 = arith.constant 3840 : i32
    %add3A_11 = arith.addi %mul3A_0, %add3A_10 : i32
    "tpu.region"() ({
      %run_scoped3A = tpu.sem_alloc : memref<!tpu.dma_semaphore, #tpu.memory_space<semaphore_mem>>
      %dma_start3A = arith.constant 0 : i32
      %dma_start3A_53 = tpu.memref_slice %arg15[%dma_start3A] : memref<2000xf32, #tpu.memory_space<vmem>> -> memref<1920xf32, #tpu.memory_space<vmem>>
      %dma_start3A_54 = tpu.memref_slice %arg7[%add3A_11] : memref<100352xf32, #tpu.memory_space<vmem_shared>> -> memref<1920xf32, #tpu.memory_space<vmem_shared>>
      %dma_start3A_55 = tpu.memref_slice %arg7[%add3A_11] : memref<100352xf32, #tpu.memory_space<vmem_shared>> -> memref<1920xf32, #tpu.memory_space<vmem_shared>>
      %dma_start3A_56 = arith.constant 0 : i32
      %dma_start3A_57 = tpu.memref_slice %arg15[%dma_start3A_56] : memref<2000xf32, #tpu.memory_space<vmem>> -> memref<1920xf32, #tpu.memory_space<vmem>>
      tpu.enqueue_dma source(%dma_start3A_57 : memref<1920xf32, #tpu.memory_space<vmem>>) target(%dma_start3A_55 : memref<1920xf32, #tpu.memory_space<vmem_shared>>) target_semaphore(%run_scoped3A : memref<!tpu.dma_semaphore, #tpu.memory_space<semaphore_mem>>)
      %dma_wait3A_58 = arith.constant 0 : i32
      %dma_wait3A_59 = tpu.memref_slice %arg15[%dma_wait3A_58] : memref<2000xf32, #tpu.memory_space<vmem>> -> memref<1920xf32, #tpu.memory_space<vmem>>
      %dma_wait3A_60 = tpu.memref_slice %arg7[%add3A_11] : memref<100352xf32, #tpu.memory_space<vmem_shared>> -> memref<1920xf32, #tpu.memory_space<vmem_shared>>
      %dma_wait3A_61 = tpu.memref_slice %arg7[%add3A_11] : memref<100352xf32, #tpu.memory_space<vmem_shared>> -> memref<1920xf32, #tpu.memory_space<vmem_shared>>
      %dma_wait3A_62 = arith.constant 0 : i32
      %dma_wait3A_63 = tpu.memref_slice %arg15[%dma_wait3A_62] : memref<2000xf32, #tpu.memory_space<vmem>> -> memref<1920xf32, #tpu.memory_space<vmem>>
      tpu.wait_dma2 semaphore(%run_scoped3A : memref<!tpu.dma_semaphore, #tpu.memory_space<semaphore_mem>>) src(%dma_wait3A_63 : memref<1920xf32, #tpu.memory_space<vmem>>) dst(%dma_wait3A_61 : memref<1920xf32, #tpu.memory_space<vmem_shared>>)
      tpu.yield
    }) : () -> ()
    %add3A_12 = arith.constant 5760 : i32
    %add3A_13 = arith.addi %mul3A_0, %add3A_12 : i32
    "tpu.region"() ({
      %run_scoped3A = tpu.sem_alloc : memref<!tpu.dma_semaphore, #tpu.memory_space<semaphore_mem>>
      %dma_start3A = arith.constant 0 : i32
      %dma_start3A_53 = tpu.memref_slice %arg15[%dma_start3A] : memref<2000xf32, #tpu.memory_space<vmem>> -> memref<512xf32, #tpu.memory_space<vmem>>
      %dma_start3A_54 = tpu.memref_slice %arg7[%add3A_13] : memref<100352xf32, #tpu.memory_space<vmem_shared>> -> memref<512xf32, #tpu.memory_space<vmem_shared>>
      %dma_start3A_55 = tpu.memref_slice %arg7[%add3A_13] : memref<100352xf32, #tpu.memory_space<vmem_shared>> -> memref<512xf32, #tpu.memory_space<vmem_shared>>
      %dma_start3A_56 = arith.constant 0 : i32
      %dma_start3A_57 = tpu.memref_slice %arg15[%dma_start3A_56] : memref<2000xf32, #tpu.memory_space<vmem>> -> memref<512xf32, #tpu.memory_space<vmem>>
      tpu.enqueue_dma source(%dma_start3A_57 : memref<512xf32, #tpu.memory_space<vmem>>) target(%dma_start3A_55 : memref<512xf32, #tpu.memory_space<vmem_shared>>) target_semaphore(%run_scoped3A : memref<!tpu.dma_semaphore, #tpu.memory_space<semaphore_mem>>)
      %dma_wait3A_58 = arith.constant 0 : i32
      %dma_wait3A_59 = tpu.memref_slice %arg15[%dma_wait3A_58] : memref<2000xf32, #tpu.memory_space<vmem>> -> memref<512xf32, #tpu.memory_space<vmem>>
      %dma_wait3A_60 = tpu.memref_slice %arg7[%add3A_13] : memref<100352xf32, #tpu.memory_space<vmem_shared>> -> memref<512xf32, #tpu.memory_space<vmem_shared>>
      %dma_wait3A_61 = tpu.memref_slice %arg7[%add3A_13] : memref<100352xf32, #tpu.memory_space<vmem_shared>> -> memref<512xf32, #tpu.memory_space<vmem_shared>>
      %dma_wait3A_62 = arith.constant 0 : i32
      %dma_wait3A_63 = tpu.memref_slice %arg15[%dma_wait3A_62] : memref<2000xf32, #tpu.memory_space<vmem>> -> memref<512xf32, #tpu.memory_space<vmem>>
      tpu.wait_dma2 semaphore(%run_scoped3A : memref<!tpu.dma_semaphore, #tpu.memory_space<semaphore_mem>>) src(%dma_wait3A_63 : memref<512xf32, #tpu.memory_space<vmem>>) dst(%dma_wait3A_61 : memref<512xf32, #tpu.memory_space<vmem_shared>>)
      tpu.yield
    }) : () -> ()
    %eq3A = arith.constant 0 : i32
    %eq3A_14 = arith.cmpi eq, %arg0, %eq3A : i32
    %convert_element_type3A = arith.extui %eq3A_14 : i1 to i32
    %cond3A = arith.constant 0 : i32
    %cond3A_15 = arith.cmpi ne, %convert_element_type3A, %cond3A : i32
    scf.if %cond3A_15 {
      "tpu.region"() ({
        %run_scoped3A = tpu.sem_alloc : memref<!tpu.dma_semaphore, #tpu.memory_space<semaphore_mem>>
        tpu.enqueue_dma source(%arg4 : memref<100352xf32, #tpu.memory_space<hbm>>) target(%arg8 : memref<100352xf32, #tpu.memory_space<vmem>>) target_semaphore(%run_scoped3A : memref<!tpu.dma_semaphore, #tpu.memory_space<semaphore_mem>>)
        tpu.wait_dma2 semaphore(%run_scoped3A : memref<!tpu.dma_semaphore, #tpu.memory_space<semaphore_mem>>) src(%arg4 : memref<100352xf32, #tpu.memory_space<hbm>>) dst(%arg8 : memref<100352xf32, #tpu.memory_space<vmem>>)
        tpu.yield
      }) : () -> ()
    } else {
    }
    %eq3A_16 = arith.constant 1 : i32
    %eq3A_17 = arith.cmpi eq, %arg0, %eq3A_16 : i32
    %convert_element_type3A_18 = arith.extui %eq3A_17 : i1 to i32
    %cond3A_19 = arith.constant 0 : i32
    %cond3A_20 = arith.cmpi ne, %convert_element_type3A_18, %cond3A_19 : i32
    scf.if %cond3A_20 {
      "tpu.region"() ({
        %run_scoped3A = tpu.sem_alloc : memref<!tpu.dma_semaphore, #tpu.memory_space<semaphore_mem>>
        tpu.enqueue_dma source(%arg5 : memref<100352xf32, #tpu.memory_space<hbm>>) target(%arg8 : memref<100352xf32, #tpu.memory_space<vmem>>) target_semaphore(%run_scoped3A : memref<!tpu.dma_semaphore, #tpu.memory_space<semaphore_mem>>)
        tpu.wait_dma2 semaphore(%run_scoped3A : memref<!tpu.dma_semaphore, #tpu.memory_space<semaphore_mem>>) src(%arg5 : memref<100352xf32, #tpu.memory_space<hbm>>) dst(%arg8 : memref<100352xf32, #tpu.memory_space<vmem>>)
        tpu.yield
      }) : () -> ()
    } else {
    }
    %barrier3A = arith.constant 0 : index
    tpu.barrier barrier_id(%barrier3A)
    %mul3A_21 = arith.constant 400000 : i32
    %mul3A_22 = arith.muli %arg1, %mul3A_21 : i32
    %scan3A_23 = arith.constant 0 : i32
    %scan3A_24 = arith.constant 0 : i32
    %scan3A_25 = arith.constant 50 : i32
    %scan3A_26 = arith.addi %scan3A_24, %scan3A_25 : i32
    %scan3A_27 = arith.constant 1 : i32
    scf.for %scan3A_53 = %scan3A_24 to %scan3A_26 step %scan3A_27  : i32 {
      %mul3A_54 = arith.constant 4 : i32
      %mul3A_55 = arith.muli %mul3A_54, %scan3A_53 : i32
      %add3A_56 = arith.constant 0 : i32
      %add3A_57 = arith.addi %mul3A_55, %add3A_56 : i32
      %mul3A_58 = arith.constant 2000 : i32
      %mul3A_59 = arith.muli %add3A_57, %mul3A_58 : i32
      %add3A_60 = arith.addi %mul3A_22, %mul3A_59 : i32
      %add3A_61 = arith.constant 2000 : i32
      %add3A_62 = arith.addi %add3A_60, %add3A_61 : i32
      %gt3A = arith.constant 0 : i32
      %gt3A_63 = arith.cmpi sgt, %scan3A_53, %gt3A : i32
      %convert_element_type3A_64 = arith.extui %gt3A_63 : i1 to i32
      %cond3A_65 = arith.constant 0 : i32
      %cond3A_66 = arith.cmpi ne, %convert_element_type3A_64, %cond3A_65 : i32
      scf.if %cond3A_66 {
        %dma_wait3A_144 = arith.constant 0 : i32
        %dma_wait3A_145 = tpu.memref_slice %arg7[%dma_wait3A_144] : memref<100352xf32, #tpu.memory_space<vmem_shared>> -> memref<100352xf32, #tpu.memory_space<vmem_shared>>
        tpu.wait_indirect_dma semaphore(%arg25 : memref<!tpu.dma_semaphore, #tpu.memory_space<semaphore_mem>>) src(%arg15 : memref<2000xf32, #tpu.memory_space<vmem>>) dst(%dma_wait3A_145 : memref<100352xf32, #tpu.memory_space<vmem_shared>>)
        %dma_wait3A_146 = arith.constant 0 : i32
        %dma_wait3A_147 = tpu.memref_slice %arg7[%dma_wait3A_146] : memref<100352xf32, #tpu.memory_space<vmem_shared>> -> memref<100352xf32, #tpu.memory_space<vmem_shared>>
        tpu.wait_indirect_dma semaphore(%arg26 : memref<!tpu.dma_semaphore, #tpu.memory_space<semaphore_mem>>) src(%arg16 : memref<2000xf32, #tpu.memory_space<vmem>>) dst(%dma_wait3A_147 : memref<100352xf32, #tpu.memory_space<vmem_shared>>)
      } else {
      }
      %dma_start3A = tpu.memref_slice %arg2[%add3A_60] : memref<6400000xi32, #tpu.memory_space<hbm>> -> memref<2000xi32, #tpu.memory_space<hbm>>
      %dma_start3A_67 = tpu.memref_slice %arg2[%add3A_60] : memref<6400000xi32, #tpu.memory_space<hbm>> -> memref<2000xi32, #tpu.memory_space<hbm>>
      tpu.enqueue_dma source(%dma_start3A_67 : memref<2000xi32, #tpu.memory_space<hbm>>) target(%arg9 : memref<2000xi32, #tpu.memory_space<vmem>>) target_semaphore(%arg19 : memref<!tpu.dma_semaphore, #tpu.memory_space<semaphore_mem>>)
      %dma_start3A_68 = tpu.memref_slice %arg3[%add3A_60] : memref<6400000xi32, #tpu.memory_space<hbm>> -> memref<2000xi32, #tpu.memory_space<hbm>>
      %dma_start3A_69 = tpu.memref_slice %arg3[%add3A_60] : memref<6400000xi32, #tpu.memory_space<hbm>> -> memref<2000xi32, #tpu.memory_space<hbm>>
      tpu.enqueue_dma source(%dma_start3A_69 : memref<2000xi32, #tpu.memory_space<hbm>>) target(%arg11 : memref<2000xi32, #tpu.memory_space<vmem>>) target_semaphore(%arg21 : memref<!tpu.dma_semaphore, #tpu.memory_space<semaphore_mem>>)
      %dma_start3A_70 = tpu.memref_slice %arg2[%add3A_62] : memref<6400000xi32, #tpu.memory_space<hbm>> -> memref<2000xi32, #tpu.memory_space<hbm>>
      %dma_start3A_71 = tpu.memref_slice %arg2[%add3A_62] : memref<6400000xi32, #tpu.memory_space<hbm>> -> memref<2000xi32, #tpu.memory_space<hbm>>
      tpu.enqueue_dma source(%dma_start3A_71 : memref<2000xi32, #tpu.memory_space<hbm>>) target(%arg10 : memref<2000xi32, #tpu.memory_space<vmem>>) target_semaphore(%arg20 : memref<!tpu.dma_semaphore, #tpu.memory_space<semaphore_mem>>)
      %dma_start3A_72 = tpu.memref_slice %arg3[%add3A_62] : memref<6400000xi32, #tpu.memory_space<hbm>> -> memref<2000xi32, #tpu.memory_space<hbm>>
      %dma_start3A_73 = tpu.memref_slice %arg3[%add3A_62] : memref<6400000xi32, #tpu.memory_space<hbm>> -> memref<2000xi32, #tpu.memory_space<hbm>>
      tpu.enqueue_dma source(%dma_start3A_73 : memref<2000xi32, #tpu.memory_space<hbm>>) target(%arg12 : memref<2000xi32, #tpu.memory_space<vmem>>) target_semaphore(%arg22 : memref<!tpu.dma_semaphore, #tpu.memory_space<semaphore_mem>>)
      %dma_wait3A_74 = tpu.memref_slice %arg2[%add3A_60] : memref<6400000xi32, #tpu.memory_space<hbm>> -> memref<2000xi32, #tpu.memory_space<hbm>>
      %dma_wait3A_75 = tpu.memref_slice %arg2[%add3A_60] : memref<6400000xi32, #tpu.memory_space<hbm>> -> memref<2000xi32, #tpu.memory_space<hbm>>
      tpu.wait_dma2 semaphore(%arg19 : memref<!tpu.dma_semaphore, #tpu.memory_space<semaphore_mem>>) src(%dma_wait3A_75 : memref<2000xi32, #tpu.memory_space<hbm>>) dst(%arg9 : memref<2000xi32, #tpu.memory_space<vmem>>)
      %scan3A_76 = arith.constant 0 : i32
      %scan3A_77 = arith.constant 0 : i32
      %scan3A_78 = arith.constant 25 : i32
      %scan3A_79 = arith.addi %scan3A_77, %scan3A_78 : i32
      %scan3A_80 = arith.constant 1 : i32
      scf.for %scan3A_144 = %scan3A_77 to %scan3A_79 step %scan3A_80  : i32 {
        %mul3A_145 = arith.constant 80 : i32
        %mul3A_146 = arith.muli %scan3A_144, %mul3A_145 : i32
        %add3A_147 = arith.constant 0 : i32
        %add3A_148 = arith.addi %mul3A_146, %add3A_147 : i32
        %get3A = arith.index_cast %add3A_148 : i32 to index
        %get3A_149 = tpu.vector_load %arg9[%get3A] {strides = array<i32>} : memref<2000xi32, #tpu.memory_space<vmem>>, vector<16xi32>,
        %gather3A = tpu.vector_load_idx %arg8[%get3A_149] : memref<100352xf32, #tpu.memory_space<vmem>>[vector<16xi32>], vector<16xf32>,
        %swap3A = arith.index_cast %add3A_148 : i32 to index
        %swap3A_150 = tpu.vector_load %arg15[%swap3A] {strides = array<i32>} : memref<2000xf32, #tpu.memory_space<vmem>>, vector<16xf32>,
        tpu.vector_store %arg15[%swap3A], %gather3A {strides = array<i32>} : memref<2000xf32, #tpu.memory_space<vmem>>, vector<16xf32>,
        %mul3A_151 = arith.constant 80 : i32
        %mul3A_152 = arith.muli %scan3A_144, %mul3A_151 : i32
        %add3A_153 = arith.constant 16 : i32
        %add3A_154 = arith.addi %mul3A_152, %add3A_153 : i32
        %get3A_155 = arith.index_cast %add3A_154 : i32 to index
        %get3A_156 = tpu.vector_load %arg9[%get3A_155] {strides = array<i32>} : memref<2000xi32, #tpu.memory_space<vmem>>, vector<16xi32>,
        %gather3A_157 = tpu.vector_load_idx %arg8[%get3A_156] : memref<100352xf32, #tpu.memory_space<vmem>>[vector<16xi32>], vector<16xf32>,
        %swap3A_158 = arith.index_cast %add3A_154 : i32 to index
        %swap3A_159 = tpu.vector_load %arg15[%swap3A_158] {strides = array<i32>} : memref<2000xf32, #tpu.memory_space<vmem>>, vector<16xf32>,
        tpu.vector_store %arg15[%swap3A_158], %gather3A_157 {strides = array<i32>} : memref<2000xf32, #tpu.memory_space<vmem>>, vector<16xf32>,
        %mul3A_160 = arith.constant 80 : i32
        %mul3A_161 = arith.muli %scan3A_144, %mul3A_160 : i32
        %add3A_162 = arith.constant 32 : i32
        %add3A_163 = arith.addi %mul3A_161, %add3A_162 : i32
        %get3A_164 = arith.index_cast %add3A_163 : i32 to index
        %get3A_165 = tpu.vector_load %arg9[%get3A_164] {strides = array<i32>} : memref<2000xi32, #tpu.memory_space<vmem>>, vector<16xi32>,
        %gather3A_166 = tpu.vector_load_idx %arg8[%get3A_165] : memref<100352xf32, #tpu.memory_space<vmem>>[vector<16xi32>], vector<16xf32>,
        %swap3A_167 = arith.index_cast %add3A_163 : i32 to index
        %swap3A_168 = tpu.vector_load %arg15[%swap3A_167] {strides = array<i32>} : memref<2000xf32, #tpu.memory_space<vmem>>, vector<16xf32>,
        tpu.vector_store %arg15[%swap3A_167], %gather3A_166 {strides = array<i32>} : memref<2000xf32, #tpu.memory_space<vmem>>, vector<16xf32>,
        %mul3A_169 = arith.constant 80 : i32
        %mul3A_170 = arith.muli %scan3A_144, %mul3A_169 : i32
        %add3A_171 = arith.constant 48 : i32
        %add3A_172 = arith.addi %mul3A_170, %add3A_171 : i32
        %get3A_173 = arith.index_cast %add3A_172 : i32 to index
        %get3A_174 = tpu.vector_load %arg9[%get3A_173] {strides = array<i32>} : memref<2000xi32, #tpu.memory_space<vmem>>, vector<16xi32>,
        %gather3A_175 = tpu.vector_load_idx %arg8[%get3A_174] : memref<100352xf32, #tpu.memory_space<vmem>>[vector<16xi32>], vector<16xf32>,
        %swap3A_176 = arith.index_cast %add3A_172 : i32 to index
        %swap3A_177 = tpu.vector_load %arg15[%swap3A_176] {strides = array<i32>} : memref<2000xf32, #tpu.memory_space<vmem>>, vector<16xf32>,
        tpu.vector_store %arg15[%swap3A_176], %gather3A_175 {strides = array<i32>} : memref<2000xf32, #tpu.memory_space<vmem>>, vector<16xf32>,
        %mul3A_178 = arith.constant 80 : i32
        %mul3A_179 = arith.muli %scan3A_144, %mul3A_178 : i32
        %add3A_180 = arith.constant 64 : i32
        %add3A_181 = arith.addi %mul3A_179, %add3A_180 : i32
        %get3A_182 = arith.index_cast %add3A_181 : i32 to index
        %get3A_183 = tpu.vector_load %arg9[%get3A_182] {strides = array<i32>} : memref<2000xi32, #tpu.memory_space<vmem>>, vector<16xi32>,
        %gather3A_184 = tpu.vector_load_idx %arg8[%get3A_183] : memref<100352xf32, #tpu.memory_space<vmem>>[vector<16xi32>], vector<16xf32>,
        %swap3A_185 = arith.index_cast %add3A_181 : i32 to index
        %swap3A_186 = tpu.vector_load %arg15[%swap3A_185] {strides = array<i32>} : memref<2000xf32, #tpu.memory_space<vmem>>, vector<16xf32>,
        tpu.vector_store %arg15[%swap3A_185], %gather3A_184 {strides = array<i32>} : memref<2000xf32, #tpu.memory_space<vmem>>, vector<16xf32>,
      }
      %scan3A_81 = arith.constant 25 : i32
      %dma_wait3A_82 = tpu.memref_slice %arg2[%add3A_62] : memref<6400000xi32, #tpu.memory_space<hbm>> -> memref<2000xi32, #tpu.memory_space<hbm>>
      %dma_wait3A_83 = tpu.memref_slice %arg2[%add3A_62] : memref<6400000xi32, #tpu.memory_space<hbm>> -> memref<2000xi32, #tpu.memory_space<hbm>>
      tpu.wait_dma2 semaphore(%arg20 : memref<!tpu.dma_semaphore, #tpu.memory_space<semaphore_mem>>) src(%dma_wait3A_83 : memref<2000xi32, #tpu.memory_space<hbm>>) dst(%arg10 : memref<2000xi32, #tpu.memory_space<vmem>>)
      %scan3A_84 = arith.constant 0 : i32
      %scan3A_85 = arith.constant 0 : i32
      %scan3A_86 = arith.constant 25 : i32
      %scan3A_87 = arith.addi %scan3A_85, %scan3A_86 : i32
      %scan3A_88 = arith.constant 1 : i32
      scf.for %scan3A_144 = %scan3A_85 to %scan3A_87 step %scan3A_88  : i32 {
        %mul3A_145 = arith.constant 80 : i32
        %mul3A_146 = arith.muli %scan3A_144, %mul3A_145 : i32
        %add3A_147 = arith.constant 0 : i32
        %add3A_148 = arith.addi %mul3A_146, %add3A_147 : i32
        %get3A = arith.index_cast %add3A_148 : i32 to index
        %get3A_149 = tpu.vector_load %arg10[%get3A] {strides = array<i32>} : memref<2000xi32, #tpu.memory_space<vmem>>, vector<16xi32>,
        %gather3A = tpu.vector_load_idx %arg8[%get3A_149] : memref<100352xf32, #tpu.memory_space<vmem>>[vector<16xi32>], vector<16xf32>,
        %swap3A = arith.index_cast %add3A_148 : i32 to index
        %swap3A_150 = tpu.vector_load %arg16[%swap3A] {strides = array<i32>} : memref<2000xf32, #tpu.memory_space<vmem>>, vector<16xf32>,
        tpu.vector_store %arg16[%swap3A], %gather3A {strides = array<i32>} : memref<2000xf32, #tpu.memory_space<vmem>>, vector<16xf32>,
        %mul3A_151 = arith.constant 80 : i32
        %mul3A_152 = arith.muli %scan3A_144, %mul3A_151 : i32
        %add3A_153 = arith.constant 16 : i32
        %add3A_154 = arith.addi %mul3A_152, %add3A_153 : i32
        %get3A_155 = arith.index_cast %add3A_154 : i32 to index
        %get3A_156 = tpu.vector_load %arg10[%get3A_155] {strides = array<i32>} : memref<2000xi32, #tpu.memory_space<vmem>>, vector<16xi32>,
        %gather3A_157 = tpu.vector_load_idx %arg8[%get3A_156] : memref<100352xf32, #tpu.memory_space<vmem>>[vector<16xi32>], vector<16xf32>,
        %swap3A_158 = arith.index_cast %add3A_154 : i32 to index
        %swap3A_159 = tpu.vector_load %arg16[%swap3A_158] {strides = array<i32>} : memref<2000xf32, #tpu.memory_space<vmem>>, vector<16xf32>,
        tpu.vector_store %arg16[%swap3A_158], %gather3A_157 {strides = array<i32>} : memref<2000xf32, #tpu.memory_space<vmem>>, vector<16xf32>,
        %mul3A_160 = arith.constant 80 : i32
        %mul3A_161 = arith.muli %scan3A_144, %mul3A_160 : i32
        %add3A_162 = arith.constant 32 : i32
        %add3A_163 = arith.addi %mul3A_161, %add3A_162 : i32
        %get3A_164 = arith.index_cast %add3A_163 : i32 to index
        %get3A_165 = tpu.vector_load %arg10[%get3A_164] {strides = array<i32>} : memref<2000xi32, #tpu.memory_space<vmem>>, vector<16xi32>,
        %gather3A_166 = tpu.vector_load_idx %arg8[%get3A_165] : memref<100352xf32, #tpu.memory_space<vmem>>[vector<16xi32>], vector<16xf32>,
        %swap3A_167 = arith.index_cast %add3A_163 : i32 to index
        %swap3A_168 = tpu.vector_load %arg16[%swap3A_167] {strides = array<i32>} : memref<2000xf32, #tpu.memory_space<vmem>>, vector<16xf32>,
        tpu.vector_store %arg16[%swap3A_167], %gather3A_166 {strides = array<i32>} : memref<2000xf32, #tpu.memory_space<vmem>>, vector<16xf32>,
        %mul3A_169 = arith.constant 80 : i32
        %mul3A_170 = arith.muli %scan3A_144, %mul3A_169 : i32
        %add3A_171 = arith.constant 48 : i32
        %add3A_172 = arith.addi %mul3A_170, %add3A_171 : i32
        %get3A_173 = arith.index_cast %add3A_172 : i32 to index
        %get3A_174 = tpu.vector_load %arg10[%get3A_173] {strides = array<i32>} : memref<2000xi32, #tpu.memory_space<vmem>>, vector<16xi32>,
        %gather3A_175 = tpu.vector_load_idx %arg8[%get3A_174] : memref<100352xf32, #tpu.memory_space<vmem>>[vector<16xi32>], vector<16xf32>,
        %swap3A_176 = arith.index_cast %add3A_172 : i32 to index
        %swap3A_177 = tpu.vector_load %arg16[%swap3A_176] {strides = array<i32>} : memref<2000xf32, #tpu.memory_space<vmem>>, vector<16xf32>,
        tpu.vector_store %arg16[%swap3A_176], %gather3A_175 {strides = array<i32>} : memref<2000xf32, #tpu.memory_space<vmem>>, vector<16xf32>,
        %mul3A_178 = arith.constant 80 : i32
        %mul3A_179 = arith.muli %scan3A_144, %mul3A_178 : i32
        %add3A_180 = arith.constant 64 : i32
        %add3A_181 = arith.addi %mul3A_179, %add3A_180 : i32
        %get3A_182 = arith.index_cast %add3A_181 : i32 to index
        %get3A_183 = tpu.vector_load %arg10[%get3A_182] {strides = array<i32>} : memref<2000xi32, #tpu.memory_space<vmem>>, vector<16xi32>,
        %gather3A_184 = tpu.vector_load_idx %arg8[%get3A_183] : memref<100352xf32, #tpu.memory_space<vmem>>[vector<16xi32>], vector<16xf32>,
        %swap3A_185 = arith.index_cast %add3A_181 : i32 to index
        %swap3A_186 = tpu.vector_load %arg16[%swap3A_185] {strides = array<i32>} : memref<2000xf32, #tpu.memory_space<vmem>>, vector<16xf32>,
        tpu.vector_store %arg16[%swap3A_185], %gather3A_184 {strides = array<i32>} : memref<2000xf32, #tpu.memory_space<vmem>>, vector<16xf32>,
      }
      %scan3A_89 = arith.constant 25 : i32
      %dma_wait3A_90 = tpu.memref_slice %arg3[%add3A_60] : memref<6400000xi32, #tpu.memory_space<hbm>> -> memref<2000xi32, #tpu.memory_space<hbm>>
      %dma_wait3A_91 = tpu.memref_slice %arg3[%add3A_60] : memref<6400000xi32, #tpu.memory_space<hbm>> -> memref<2000xi32, #tpu.memory_space<hbm>>
      tpu.wait_dma2 semaphore(%arg21 : memref<!tpu.dma_semaphore, #tpu.memory_space<semaphore_mem>>) src(%dma_wait3A_91 : memref<2000xi32, #tpu.memory_space<hbm>>) dst(%arg11 : memref<2000xi32, #tpu.memory_space<vmem>>)
      %dma_start3A_92 = arith.constant 0 : i32
      %dma_start3A_93 = tpu.memref_slice %arg7[%dma_start3A_92] : memref<100352xf32, #tpu.memory_space<vmem_shared>> -> memref<100352xf32, #tpu.memory_space<vmem_shared>>
      tpu.enqueue_indirect_dma source(%arg15 : memref<2000xf32, #tpu.memory_space<vmem>>) target(%dma_start3A_93 : memref<100352xf32, #tpu.memory_space<vmem_shared>>) offsets(%arg11 : memref<2000xi32, #tpu.memory_space<vmem>>) semaphore(%arg25 : memref<!tpu.dma_semaphore, #tpu.memory_space<semaphore_mem>>) {add = true}
      %dma_wait3A_94 = tpu.memref_slice %arg3[%add3A_62] : memref<6400000xi32, #tpu.memory_space<hbm>> -> memref<2000xi32, #tpu.memory_space<hbm>>
      %dma_wait3A_95 = tpu.memref_slice %arg3[%add3A_62] : memref<6400000xi32, #tpu.memory_space<hbm>> -> memref<2000xi32, #tpu.memory_space<hbm>>
      tpu.wait_dma2 semaphore(%arg22 : memref<!tpu.dma_semaphore, #tpu.memory_space<semaphore_mem>>) src(%dma_wait3A_95 : memref<2000xi32, #tpu.memory_space<hbm>>) dst(%arg12 : memref<2000xi32, #tpu.memory_space<vmem>>)
      %dma_start3A_96 = arith.constant 0 : i32
      %dma_start3A_97 = tpu.memref_slice %arg7[%dma_start3A_96] : memref<100352xf32, #tpu.memory_space<vmem_shared>> -> memref<100352xf32, #tpu.memory_space<vmem_shared>>
      tpu.enqueue_indirect_dma source(%arg16 : memref<2000xf32, #tpu.memory_space<vmem>>) target(%dma_start3A_97 : memref<100352xf32, #tpu.memory_space<vmem_shared>>) offsets(%arg12 : memref<2000xi32, #tpu.memory_space<vmem>>) semaphore(%arg26 : memref<!tpu.dma_semaphore, #tpu.memory_space<semaphore_mem>>) {add = true}
      %mul3A_98 = arith.constant 4 : i32
      %mul3A_99 = arith.muli %mul3A_98, %scan3A_53 : i32
      %add3A_100 = arith.constant 2 : i32
      %add3A_101 = arith.addi %mul3A_99, %add3A_100 : i32
      %mul3A_102 = arith.constant 2000 : i32
      %mul3A_103 = arith.muli %add3A_101, %mul3A_102 : i32
      %add3A_104 = arith.addi %mul3A_22, %mul3A_103 : i32
      %add3A_105 = arith.constant 2000 : i32
      %add3A_106 = arith.addi %add3A_104, %add3A_105 : i32
      %gt3A_107 = arith.constant 0 : i32
      %gt3A_108 = arith.cmpi sgt, %scan3A_53, %gt3A_107 : i32
      %convert_element_type3A_109 = arith.extui %gt3A_108 : i1 to i32
      %cond3A_110 = arith.constant 0 : i32
      %cond3A_111 = arith.cmpi ne, %convert_element_type3A_109, %cond3A_110 : i32
      scf.if %cond3A_111 {
        %dma_wait3A_144 = arith.constant 0 : i32
        %dma_wait3A_145 = tpu.memref_slice %arg7[%dma_wait3A_144] : memref<100352xf32, #tpu.memory_space<vmem_shared>> -> memref<100352xf32, #tpu.memory_space<vmem_shared>>
        tpu.wait_indirect_dma semaphore(%arg27 : memref<!tpu.dma_semaphore, #tpu.memory_space<semaphore_mem>>) src(%arg17 : memref<2000xf32, #tpu.memory_space<vmem>>) dst(%dma_wait3A_145 : memref<100352xf32, #tpu.memory_space<vmem_shared>>)
        %dma_wait3A_146 = arith.constant 0 : i32
        %dma_wait3A_147 = tpu.memref_slice %arg7[%dma_wait3A_146] : memref<100352xf32, #tpu.memory_space<vmem_shared>> -> memref<100352xf32, #tpu.memory_space<vmem_shared>>
        tpu.wait_indirect_dma semaphore(%arg28 : memref<!tpu.dma_semaphore, #tpu.memory_space<semaphore_mem>>) src(%arg18 : memref<2000xf32, #tpu.memory_space<vmem>>) dst(%dma_wait3A_147 : memref<100352xf32, #tpu.memory_space<vmem_shared>>)
      } else {
      }
      %dma_start3A_112 = tpu.memref_slice %arg2[%add3A_104] : memref<6400000xi32, #tpu.memory_space<hbm>> -> memref<2000xi32, #tpu.memory_space<hbm>>
      %dma_start3A_113 = tpu.memref_slice %arg2[%add3A_104] : memref<6400000xi32, #tpu.memory_space<hbm>> -> memref<2000xi32, #tpu.memory_space<hbm>>
      tpu.enqueue_dma source(%dma_start3A_113 : memref<2000xi32, #tpu.memory_space<hbm>>) target(%arg9 : memref<2000xi32, #tpu.memory_space<vmem>>) target_semaphore(%arg19 : memref<!tpu.dma_semaphore, #tpu.memory_space<semaphore_mem>>)
      %dma_start3A_114 = tpu.memref_slice %arg3[%add3A_104] : memref<6400000xi32, #tpu.memory_space<hbm>> -> memref<2000xi32, #tpu.memory_space<hbm>>
      %dma_start3A_115 = tpu.memref_slice %arg3[%add3A_104] : memref<6400000xi32, #tpu.memory_space<hbm>> -> memref<2000xi32, #tpu.memory_space<hbm>>
      tpu.enqueue_dma source(%dma_start3A_115 : memref<2000xi32, #tpu.memory_space<hbm>>) target(%arg13 : memref<2000xi32, #tpu.memory_space<vmem>>) target_semaphore(%arg23 : memref<!tpu.dma_semaphore, #tpu.memory_space<semaphore_mem>>)
      %dma_start3A_116 = tpu.memref_slice %arg2[%add3A_106] : memref<6400000xi32, #tpu.memory_space<hbm>> -> memref<2000xi32, #tpu.memory_space<hbm>>
      %dma_start3A_117 = tpu.memref_slice %arg2[%add3A_106] : memref<6400000xi32, #tpu.memory_space<hbm>> -> memref<2000xi32, #tpu.memory_space<hbm>>
      tpu.enqueue_dma source(%dma_start3A_117 : memref<2000xi32, #tpu.memory_space<hbm>>) target(%arg10 : memref<2000xi32, #tpu.memory_space<vmem>>) target_semaphore(%arg20 : memref<!tpu.dma_semaphore, #tpu.memory_space<semaphore_mem>>)
      %dma_start3A_118 = tpu.memref_slice %arg3[%add3A_106] : memref<6400000xi32, #tpu.memory_space<hbm>> -> memref<2000xi32, #tpu.memory_space<hbm>>
      %dma_start3A_119 = tpu.memref_slice %arg3[%add3A_106] : memref<6400000xi32, #tpu.memory_space<hbm>> -> memref<2000xi32, #tpu.memory_space<hbm>>
      tpu.enqueue_dma source(%dma_start3A_119 : memref<2000xi32, #tpu.memory_space<hbm>>) target(%arg14 : memref<2000xi32, #tpu.memory_space<vmem>>) target_semaphore(%arg24 : memref<!tpu.dma_semaphore, #tpu.memory_space<semaphore_mem>>)
      %dma_wait3A_120 = tpu.memref_slice %arg2[%add3A_104] : memref<6400000xi32, #tpu.memory_space<hbm>> -> memref<2000xi32, #tpu.memory_space<hbm>>
      %dma_wait3A_121 = tpu.memref_slice %arg2[%add3A_104] : memref<6400000xi32, #tpu.memory_space<hbm>> -> memref<2000xi32, #tpu.memory_space<hbm>>
      tpu.wait_dma2 semaphore(%arg19 : memref<!tpu.dma_semaphore, #tpu.memory_space<semaphore_mem>>) src(%dma_wait3A_121 : memref<2000xi32, #tpu.memory_space<hbm>>) dst(%arg9 : memref<2000xi32, #tpu.memory_space<vmem>>)
      %scan3A_122 = arith.constant 0 : i32
      %scan3A_123 = arith.constant 0 : i32
      %scan3A_124 = arith.constant 25 : i32
      %scan3A_125 = arith.addi %scan3A_123, %scan3A_124 : i32
      %scan3A_126 = arith.constant 1 : i32
      scf.for %scan3A_144 = %scan3A_123 to %scan3A_125 step %scan3A_126  : i32 {
        %mul3A_145 = arith.constant 80 : i32
        %mul3A_146 = arith.muli %scan3A_144, %mul3A_145 : i32
        %add3A_147 = arith.constant 0 : i32
        %add3A_148 = arith.addi %mul3A_146, %add3A_147 : i32
        %get3A = arith.index_cast %add3A_148 : i32 to index
        %get3A_149 = tpu.vector_load %arg9[%get3A] {strides = array<i32>} : memref<2000xi32, #tpu.memory_space<vmem>>, vector<16xi32>,
        %gather3A = tpu.vector_load_idx %arg8[%get3A_149] : memref<100352xf32, #tpu.memory_space<vmem>>[vector<16xi32>], vector<16xf32>,
        %swap3A = arith.index_cast %add3A_148 : i32 to index
        %swap3A_150 = tpu.vector_load %arg17[%swap3A] {strides = array<i32>} : memref<2000xf32, #tpu.memory_space<vmem>>, vector<16xf32>,
        tpu.vector_store %arg17[%swap3A], %gather3A {strides = array<i32>} : memref<2000xf32, #tpu.memory_space<vmem>>, vector<16xf32>,
        %mul3A_151 = arith.constant 80 : i32
        %mul3A_152 = arith.muli %scan3A_144, %mul3A_151 : i32
        %add3A_153 = arith.constant 16 : i32
        %add3A_154 = arith.addi %mul3A_152, %add3A_153 : i32
        %get3A_155 = arith.index_cast %add3A_154 : i32 to index
        %get3A_156 = tpu.vector_load %arg9[%get3A_155] {strides = array<i32>} : memref<2000xi32, #tpu.memory_space<vmem>>, vector<16xi32>,
        %gather3A_157 = tpu.vector_load_idx %arg8[%get3A_156] : memref<100352xf32, #tpu.memory_space<vmem>>[vector<16xi32>], vector<16xf32>,
        %swap3A_158 = arith.index_cast %add3A_154 : i32 to index
        %swap3A_159 = tpu.vector_load %arg17[%swap3A_158] {strides = array<i32>} : memref<2000xf32, #tpu.memory_space<vmem>>, vector<16xf32>,
        tpu.vector_store %arg17[%swap3A_158], %gather3A_157 {strides = array<i32>} : memref<2000xf32, #tpu.memory_space<vmem>>, vector<16xf32>,
        %mul3A_160 = arith.constant 80 : i32
        %mul3A_161 = arith.muli %scan3A_144, %mul3A_160 : i32
        %add3A_162 = arith.constant 32 : i32
        %add3A_163 = arith.addi %mul3A_161, %add3A_162 : i32
        %get3A_164 = arith.index_cast %add3A_163 : i32 to index
        %get3A_165 = tpu.vector_load %arg9[%get3A_164] {strides = array<i32>} : memref<2000xi32, #tpu.memory_space<vmem>>, vector<16xi32>,
        %gather3A_166 = tpu.vector_load_idx %arg8[%get3A_165] : memref<100352xf32, #tpu.memory_space<vmem>>[vector<16xi32>], vector<16xf32>,
        %swap3A_167 = arith.index_cast %add3A_163 : i32 to index
        %swap3A_168 = tpu.vector_load %arg17[%swap3A_167] {strides = array<i32>} : memref<2000xf32, #tpu.memory_space<vmem>>, vector<16xf32>,
        tpu.vector_store %arg17[%swap3A_167], %gather3A_166 {strides = array<i32>} : memref<2000xf32, #tpu.memory_space<vmem>>, vector<16xf32>,
        %mul3A_169 = arith.constant 80 : i32
        %mul3A_170 = arith.muli %scan3A_144, %mul3A_169 : i32
        %add3A_171 = arith.constant 48 : i32
        %add3A_172 = arith.addi %mul3A_170, %add3A_171 : i32
        %get3A_173 = arith.index_cast %add3A_172 : i32 to index
        %get3A_174 = tpu.vector_load %arg9[%get3A_173] {strides = array<i32>} : memref<2000xi32, #tpu.memory_space<vmem>>, vector<16xi32>,
        %gather3A_175 = tpu.vector_load_idx %arg8[%get3A_174] : memref<100352xf32, #tpu.memory_space<vmem>>[vector<16xi32>], vector<16xf32>,
        %swap3A_176 = arith.index_cast %add3A_172 : i32 to index
        %swap3A_177 = tpu.vector_load %arg17[%swap3A_176] {strides = array<i32>} : memref<2000xf32, #tpu.memory_space<vmem>>, vector<16xf32>,
        tpu.vector_store %arg17[%swap3A_176], %gather3A_175 {strides = array<i32>} : memref<2000xf32, #tpu.memory_space<vmem>>, vector<16xf32>,
        %mul3A_178 = arith.constant 80 : i32
        %mul3A_179 = arith.muli %scan3A_144, %mul3A_178 : i32
        %add3A_180 = arith.constant 64 : i32
        %add3A_181 = arith.addi %mul3A_179, %add3A_180 : i32
        %get3A_182 = arith.index_cast %add3A_181 : i32 to index
        %get3A_183 = tpu.vector_load %arg9[%get3A_182] {strides = array<i32>} : memref<2000xi32, #tpu.memory_space<vmem>>, vector<16xi32>,
        %gather3A_184 = tpu.vector_load_idx %arg8[%get3A_183] : memref<100352xf32, #tpu.memory_space<vmem>>[vector<16xi32>], vector<16xf32>,
        %swap3A_185 = arith.index_cast %add3A_181 : i32 to index
        %swap3A_186 = tpu.vector_load %arg17[%swap3A_185] {strides = array<i32>} : memref<2000xf32, #tpu.memory_space<vmem>>, vector<16xf32>,
        tpu.vector_store %arg17[%swap3A_185], %gather3A_184 {strides = array<i32>} : memref<2000xf32, #tpu.memory_space<vmem>>, vector<16xf32>,
      }
      %scan3A_127 = arith.constant 25 : i32
      %dma_wait3A_128 = tpu.memref_slice %arg2[%add3A_106] : memref<6400000xi32, #tpu.memory_space<hbm>> -> memref<2000xi32, #tpu.memory_space<hbm>>
      %dma_wait3A_129 = tpu.memref_slice %arg2[%add3A_106] : memref<6400000xi32, #tpu.memory_space<hbm>> -> memref<2000xi32, #tpu.memory_space<hbm>>
      tpu.wait_dma2 semaphore(%arg20 : memref<!tpu.dma_semaphore, #tpu.memory_space<semaphore_mem>>) src(%dma_wait3A_129 : memref<2000xi32, #tpu.memory_space<hbm>>) dst(%arg10 : memref<2000xi32, #tpu.memory_space<vmem>>)
      %scan3A_130 = arith.constant 0 : i32
      %scan3A_131 = arith.constant 0 : i32
      %scan3A_132 = arith.constant 25 : i32
      %scan3A_133 = arith.addi %scan3A_131, %scan3A_132 : i32
      %scan3A_134 = arith.constant 1 : i32
      scf.for %scan3A_144 = %scan3A_131 to %scan3A_133 step %scan3A_134  : i32 {
        %mul3A_145 = arith.constant 80 : i32
        %mul3A_146 = arith.muli %scan3A_144, %mul3A_145 : i32
        %add3A_147 = arith.constant 0 : i32
        %add3A_148 = arith.addi %mul3A_146, %add3A_147 : i32
        %get3A = arith.index_cast %add3A_148 : i32 to index
        %get3A_149 = tpu.vector_load %arg10[%get3A] {strides = array<i32>} : memref<2000xi32, #tpu.memory_space<vmem>>, vector<16xi32>,
        %gather3A = tpu.vector_load_idx %arg8[%get3A_149] : memref<100352xf32, #tpu.memory_space<vmem>>[vector<16xi32>], vector<16xf32>,
        %swap3A = arith.index_cast %add3A_148 : i32 to index
        %swap3A_150 = tpu.vector_load %arg18[%swap3A] {strides = array<i32>} : memref<2000xf32, #tpu.memory_space<vmem>>, vector<16xf32>,
        tpu.vector_store %arg18[%swap3A], %gather3A {strides = array<i32>} : memref<2000xf32, #tpu.memory_space<vmem>>, vector<16xf32>,
        %mul3A_151 = arith.constant 80 : i32
        %mul3A_152 = arith.muli %scan3A_144, %mul3A_151 : i32
        %add3A_153 = arith.constant 16 : i32
        %add3A_154 = arith.addi %mul3A_152, %add3A_153 : i32
        %get3A_155 = arith.index_cast %add3A_154 : i32 to index
        %get3A_156 = tpu.vector_load %arg10[%get3A_155] {strides = array<i32>} : memref<2000xi32, #tpu.memory_space<vmem>>, vector<16xi32>,
        %gather3A_157 = tpu.vector_load_idx %arg8[%get3A_156] : memref<100352xf32, #tpu.memory_space<vmem>>[vector<16xi32>], vector<16xf32>,
        %swap3A_158 = arith.index_cast %add3A_154 : i32 to index
        %swap3A_159 = tpu.vector_load %arg18[%swap3A_158] {strides = array<i32>} : memref<2000xf32, #tpu.memory_space<vmem>>, vector<16xf32>,
        tpu.vector_store %arg18[%swap3A_158], %gather3A_157 {strides = array<i32>} : memref<2000xf32, #tpu.memory_space<vmem>>, vector<16xf32>,
        %mul3A_160 = arith.constant 80 : i32
        %mul3A_161 = arith.muli %scan3A_144, %mul3A_160 : i32
        %add3A_162 = arith.constant 32 : i32
        %add3A_163 = arith.addi %mul3A_161, %add3A_162 : i32
        %get3A_164 = arith.index_cast %add3A_163 : i32 to index
        %get3A_165 = tpu.vector_load %arg10[%get3A_164] {strides = array<i32>} : memref<2000xi32, #tpu.memory_space<vmem>>, vector<16xi32>,
        %gather3A_166 = tpu.vector_load_idx %arg8[%get3A_165] : memref<100352xf32, #tpu.memory_space<vmem>>[vector<16xi32>], vector<16xf32>,
        %swap3A_167 = arith.index_cast %add3A_163 : i32 to index
        %swap3A_168 = tpu.vector_load %arg18[%swap3A_167] {strides = array<i32>} : memref<2000xf32, #tpu.memory_space<vmem>>, vector<16xf32>,
        tpu.vector_store %arg18[%swap3A_167], %gather3A_166 {strides = array<i32>} : memref<2000xf32, #tpu.memory_space<vmem>>, vector<16xf32>,
        %mul3A_169 = arith.constant 80 : i32
        %mul3A_170 = arith.muli %scan3A_144, %mul3A_169 : i32
        %add3A_171 = arith.constant 48 : i32
        %add3A_172 = arith.addi %mul3A_170, %add3A_171 : i32
        %get3A_173 = arith.index_cast %add3A_172 : i32 to index
        %get3A_174 = tpu.vector_load %arg10[%get3A_173] {strides = array<i32>} : memref<2000xi32, #tpu.memory_space<vmem>>, vector<16xi32>,
        %gather3A_175 = tpu.vector_load_idx %arg8[%get3A_174] : memref<100352xf32, #tpu.memory_space<vmem>>[vector<16xi32>], vector<16xf32>,
        %swap3A_176 = arith.index_cast %add3A_172 : i32 to index
        %swap3A_177 = tpu.vector_load %arg18[%swap3A_176] {strides = array<i32>} : memref<2000xf32, #tpu.memory_space<vmem>>, vector<16xf32>,
        tpu.vector_store %arg18[%swap3A_176], %gather3A_175 {strides = array<i32>} : memref<2000xf32, #tpu.memory_space<vmem>>, vector<16xf32>,
        %mul3A_178 = arith.constant 80 : i32
        %mul3A_179 = arith.muli %scan3A_144, %mul3A_178 : i32
        %add3A_180 = arith.constant 64 : i32
        %add3A_181 = arith.addi %mul3A_179, %add3A_180 : i32
        %get3A_182 = arith.index_cast %add3A_181 : i32 to index
        %get3A_183 = tpu.vector_load %arg10[%get3A_182] {strides = array<i32>} : memref<2000xi32, #tpu.memory_space<vmem>>, vector<16xi32>,
        %gather3A_184 = tpu.vector_load_idx %arg8[%get3A_183] : memref<100352xf32, #tpu.memory_space<vmem>>[vector<16xi32>], vector<16xf32>,
        %swap3A_185 = arith.index_cast %add3A_181 : i32 to index
        %swap3A_186 = tpu.vector_load %arg18[%swap3A_185] {strides = array<i32>} : memref<2000xf32, #tpu.memory_space<vmem>>, vector<16xf32>,
        tpu.vector_store %arg18[%swap3A_185], %gather3A_184 {strides = array<i32>} : memref<2000xf32, #tpu.memory_space<vmem>>, vector<16xf32>,
      }
      %scan3A_135 = arith.constant 25 : i32
      %dma_wait3A_136 = tpu.memref_slice %arg3[%add3A_104] : memref<6400000xi32, #tpu.memory_space<hbm>> -> memref<2000xi32, #tpu.memory_space<hbm>>
      %dma_wait3A_137 = tpu.memref_slice %arg3[%add3A_104] : memref<6400000xi32, #tpu.memory_space<hbm>> -> memref<2000xi32, #tpu.memory_space<hbm>>
      tpu.wait_dma2 semaphore(%arg23 : memref<!tpu.dma_semaphore, #tpu.memory_space<semaphore_mem>>) src(%dma_wait3A_137 : memref<2000xi32, #tpu.memory_space<hbm>>) dst(%arg13 : memref<2000xi32, #tpu.memory_space<vmem>>)
      %dma_start3A_138 = arith.constant 0 : i32
      %dma_start3A_139 = tpu.memref_slice %arg7[%dma_start3A_138] : memref<100352xf32, #tpu.memory_space<vmem_shared>> -> memref<100352xf32, #tpu.memory_space<vmem_shared>>
      tpu.enqueue_indirect_dma source(%arg17 : memref<2000xf32, #tpu.memory_space<vmem>>) target(%dma_start3A_139 : memref<100352xf32, #tpu.memory_space<vmem_shared>>) offsets(%arg13 : memref<2000xi32, #tpu.memory_space<vmem>>) semaphore(%arg27 : memref<!tpu.dma_semaphore, #tpu.memory_space<semaphore_mem>>) {add = true}
      %dma_wait3A_140 = tpu.memref_slice %arg3[%add3A_106] : memref<6400000xi32, #tpu.memory_space<hbm>> -> memref<2000xi32, #tpu.memory_space<hbm>>
      %dma_wait3A_141 = tpu.memref_slice %arg3[%add3A_106] : memref<6400000xi32, #tpu.memory_space<hbm>> -> memref<2000xi32, #tpu.memory_space<hbm>>
      tpu.wait_dma2 semaphore(%arg24 : memref<!tpu.dma_semaphore, #tpu.memory_space<semaphore_mem>>) src(%dma_wait3A_141 : memref<2000xi32, #tpu.memory_space<hbm>>) dst(%arg14 : memref<2000xi32, #tpu.memory_space<vmem>>)
      %dma_start3A_142 = arith.constant 0 : i32
      %dma_start3A_143 = tpu.memref_slice %arg7[%dma_start3A_142] : memref<100352xf32, #tpu.memory_space<vmem_shared>> -> memref<100352xf32, #tpu.memory_space<vmem_shared>>
      tpu.enqueue_indirect_dma source(%arg18 : memref<2000xf32, #tpu.memory_space<vmem>>) target(%dma_start3A_143 : memref<100352xf32, #tpu.memory_space<vmem_shared>>) offsets(%arg14 : memref<2000xi32, #tpu.memory_space<vmem>>) semaphore(%arg28 : memref<!tpu.dma_semaphore, #tpu.memory_space<semaphore_mem>>) {add = true}
    }
    %scan3A_28 = arith.constant 50 : i32
    %dma_wait3A = arith.constant 0 : i32
    %dma_wait3A_29 = tpu.memref_slice %arg7[%dma_wait3A] : memref<100352xf32, #tpu.memory_space<vmem_shared>> -> memref<100352xf32, #tpu.memory_space<vmem_shared>>
    tpu.wait_indirect_dma semaphore(%arg25 : memref<!tpu.dma_semaphore, #tpu.memory_space<semaphore_mem>>) src(%arg15 : memref<2000xf32, #tpu.memory_space<vmem>>) dst(%dma_wait3A_29 : memref<100352xf32, #tpu.memory_space<vmem_shared>>)
    %dma_wait3A_30 = arith.constant 0 : i32
    %dma_wait3A_31 = tpu.memref_slice %arg7[%dma_wait3A_30] : memref<100352xf32, #tpu.memory_space<vmem_shared>> -> memref<100352xf32, #tpu.memory_space<vmem_shared>>
    tpu.wait_indirect_dma semaphore(%arg26 : memref<!tpu.dma_semaphore, #tpu.memory_space<semaphore_mem>>) src(%arg16 : memref<2000xf32, #tpu.memory_space<vmem>>) dst(%dma_wait3A_31 : memref<100352xf32, #tpu.memory_space<vmem_shared>>)
    %dma_wait3A_32 = arith.constant 0 : i32
    %dma_wait3A_33 = tpu.memref_slice %arg7[%dma_wait3A_32] : memref<100352xf32, #tpu.memory_space<vmem_shared>> -> memref<100352xf32, #tpu.memory_space<vmem_shared>>
    tpu.wait_indirect_dma semaphore(%arg27 : memref<!tpu.dma_semaphore, #tpu.memory_space<semaphore_mem>>) src(%arg17 : memref<2000xf32, #tpu.memory_space<vmem>>) dst(%dma_wait3A_33 : memref<100352xf32, #tpu.memory_space<vmem_shared>>)
    %dma_wait3A_34 = arith.constant 0 : i32
    %dma_wait3A_35 = tpu.memref_slice %arg7[%dma_wait3A_34] : memref<100352xf32, #tpu.memory_space<vmem_shared>> -> memref<100352xf32, #tpu.memory_space<vmem_shared>>
    tpu.wait_indirect_dma semaphore(%arg28 : memref<!tpu.dma_semaphore, #tpu.memory_space<semaphore_mem>>) src(%arg18 : memref<2000xf32, #tpu.memory_space<vmem>>) dst(%dma_wait3A_35 : memref<100352xf32, #tpu.memory_space<vmem_shared>>)
    %barrier3A_36 = arith.constant 0 : index
    tpu.barrier barrier_id(%barrier3A_36)
    %add3A_37 = arith.constant 0 : i32
    %add3A_38 = arith.addi %mul3A_0, %add3A_37 : i32
    "tpu.region"() ({
      %run_scoped3A = tpu.sem_alloc : memref<!tpu.dma_semaphore, #tpu.memory_space<semaphore_mem>>
      %dma_start3A = arith.constant 0 : i32
      %dma_start3A_53 = tpu.memref_slice %arg15[%dma_start3A] : memref<2000xf32, #tpu.memory_space<vmem>> -> memref<1920xf32, #tpu.memory_space<vmem>>
      %dma_start3A_54 = tpu.memref_slice %arg7[%add3A_38] : memref<100352xf32, #tpu.memory_space<vmem_shared>> -> memref<1920xf32, #tpu.memory_space<vmem_shared>>
      %dma_start3A_55 = arith.constant 0 : i32
      %dma_start3A_56 = tpu.memref_slice %arg15[%dma_start3A_55] : memref<2000xf32, #tpu.memory_space<vmem>> -> memref<1920xf32, #tpu.memory_space<vmem>>
      %dma_start3A_57 = tpu.memref_slice %arg7[%add3A_38] : memref<100352xf32, #tpu.memory_space<vmem_shared>> -> memref<1920xf32, #tpu.memory_space<vmem_shared>>
      tpu.enqueue_dma source(%dma_start3A_57 : memref<1920xf32, #tpu.memory_space<vmem_shared>>) target(%dma_start3A_56 : memref<1920xf32, #tpu.memory_space<vmem>>) target_semaphore(%run_scoped3A : memref<!tpu.dma_semaphore, #tpu.memory_space<semaphore_mem>>)
      %dma_wait3A_58 = arith.constant 0 : i32
      %dma_wait3A_59 = tpu.memref_slice %arg15[%dma_wait3A_58] : memref<2000xf32, #tpu.memory_space<vmem>> -> memref<1920xf32, #tpu.memory_space<vmem>>
      %dma_wait3A_60 = tpu.memref_slice %arg7[%add3A_38] : memref<100352xf32, #tpu.memory_space<vmem_shared>> -> memref<1920xf32, #tpu.memory_space<vmem_shared>>
      %dma_wait3A_61 = arith.constant 0 : i32
      %dma_wait3A_62 = tpu.memref_slice %arg15[%dma_wait3A_61] : memref<2000xf32, #tpu.memory_space<vmem>> -> memref<1920xf32, #tpu.memory_space<vmem>>
      %dma_wait3A_63 = tpu.memref_slice %arg7[%add3A_38] : memref<100352xf32, #tpu.memory_space<vmem_shared>> -> memref<1920xf32, #tpu.memory_space<vmem_shared>>
      tpu.wait_dma2 semaphore(%run_scoped3A : memref<!tpu.dma_semaphore, #tpu.memory_space<semaphore_mem>>) src(%dma_wait3A_63 : memref<1920xf32, #tpu.memory_space<vmem_shared>>) dst(%dma_wait3A_62 : memref<1920xf32, #tpu.memory_space<vmem>>)
      tpu.yield
    }) : () -> ()
    %add3A_39 = arith.constant 0 : i32
    %add3A_40 = arith.addi %mul3A_0, %add3A_39 : i32
    "tpu.region"() ({
      %run_scoped3A = tpu.sem_alloc : memref<!tpu.dma_semaphore, #tpu.memory_space<semaphore_mem>>
      %dma_start3A = arith.constant 0 : i32
      %dma_start3A_53 = tpu.memref_slice %arg15[%dma_start3A] : memref<2000xf32, #tpu.memory_space<vmem>> -> memref<1920xf32, #tpu.memory_space<vmem>>
      %dma_start3A_54 = arith.constant 0 : i32
      %dma_start3A_55 = tpu.memref_slice %arg6[%arg0, %dma_start3A_54] : memref<2x100352xf32, #tpu.memory_space<hbm>> -> memref<1x100352xf32, #tpu.memory_space<hbm>>
      %dma_start3A_56 = tpu.memref_squeeze %dma_start3A_55 : memref<1x100352xf32, #tpu.memory_space<hbm>> -> memref<100352xf32, #tpu.memory_space<hbm>>
      %dma_start3A_57 = tpu.memref_slice %dma_start3A_56[%add3A_40] : memref<100352xf32, #tpu.memory_space<hbm>> -> memref<1920xf32, #tpu.memory_space<hbm>>
      %dma_start3A_58 = arith.constant 0 : i32
      %dma_start3A_59 = tpu.memref_slice %arg6[%arg0, %dma_start3A_58] : memref<2x100352xf32, #tpu.memory_space<hbm>> -> memref<1x100352xf32, #tpu.memory_space<hbm>>
      %dma_start3A_60 = tpu.memref_squeeze %dma_start3A_59 : memref<1x100352xf32, #tpu.memory_space<hbm>> -> memref<100352xf32, #tpu.memory_space<hbm>>
      %dma_start3A_61 = tpu.memref_slice %dma_start3A_60[%add3A_40] : memref<100352xf32, #tpu.memory_space<hbm>> -> memref<1920xf32, #tpu.memory_space<hbm>>
      %dma_start3A_62 = arith.constant 0 : i32
      %dma_start3A_63 = tpu.memref_slice %arg15[%dma_start3A_62] : memref<2000xf32, #tpu.memory_space<vmem>> -> memref<1920xf32, #tpu.memory_space<vmem>>
      tpu.enqueue_dma source(%dma_start3A_63 : memref<1920xf32, #tpu.memory_space<vmem>>) target(%dma_start3A_61 : memref<1920xf32, #tpu.memory_space<hbm>>) target_semaphore(%run_scoped3A : memref<!tpu.dma_semaphore, #tpu.memory_space<semaphore_mem>>)
      %dma_wait3A_64 = arith.constant 0 : i32
      %dma_wait3A_65 = tpu.memref_slice %arg15[%dma_wait3A_64] : memref<2000xf32, #tpu.memory_space<vmem>> -> memref<1920xf32, #tpu.memory_space<vmem>>
      %dma_wait3A_66 = arith.constant 0 : i32
      %dma_wait3A_67 = tpu.memref_slice %arg6[%arg0, %dma_wait3A_66] : memref<2x100352xf32, #tpu.memory_space<hbm>> -> memref<1x100352xf32, #tpu.memory_space<hbm>>
      %dma_wait3A_68 = tpu.memref_squeeze %dma_wait3A_67 : memref<1x100352xf32, #tpu.memory_space<hbm>> -> memref<100352xf32, #tpu.memory_space<hbm>>
      %dma_wait3A_69 = tpu.memref_slice %dma_wait3A_68[%add3A_40] : memref<100352xf32, #tpu.memory_space<hbm>> -> memref<1920xf32, #tpu.memory_space<hbm>>
      %dma_wait3A_70 = arith.constant 0 : i32
      %dma_wait3A_71 = tpu.memref_slice %arg6[%arg0, %dma_wait3A_70] : memref<2x100352xf32, #tpu.memory_space<hbm>> -> memref<1x100352xf32, #tpu.memory_space<hbm>>
      %dma_wait3A_72 = tpu.memref_squeeze %dma_wait3A_71 : memref<1x100352xf32, #tpu.memory_space<hbm>> -> memref<100352xf32, #tpu.memory_space<hbm>>
      %dma_wait3A_73 = tpu.memref_slice %dma_wait3A_72[%add3A_40] : memref<100352xf32, #tpu.memory_space<hbm>> -> memref<1920xf32, #tpu.memory_space<hbm>>
      %dma_wait3A_74 = arith.constant 0 : i32
      %dma_wait3A_75 = tpu.memref_slice %arg15[%dma_wait3A_74] : memref<2000xf32, #tpu.memory_space<vmem>> -> memref<1920xf32, #tpu.memory_space<vmem>>
      tpu.wait_dma2 semaphore(%run_scoped3A : memref<!tpu.dma_semaphore, #tpu.memory_space<semaphore_mem>>) src(%dma_wait3A_75 : memref<1920xf32, #tpu.memory_space<vmem>>) dst(%dma_wait3A_73 : memref<1920xf32, #tpu.memory_space<hbm>>)
      tpu.yield
    }) : () -> ()
    %add3A_41 = arith.constant 1920 : i32
    %add3A_42 = arith.addi %mul3A_0, %add3A_41 : i32
    "tpu.region"() ({
      %run_scoped3A = tpu.sem_alloc : memref<!tpu.dma_semaphore, #tpu.memory_space<semaphore_mem>>
      %dma_start3A = arith.constant 0 : i32
      %dma_start3A_53 = tpu.memref_slice %arg15[%dma_start3A] : memref<2000xf32, #tpu.memory_space<vmem>> -> memref<1920xf32, #tpu.memory_space<vmem>>
      %dma_start3A_54 = tpu.memref_slice %arg7[%add3A_42] : memref<100352xf32, #tpu.memory_space<vmem_shared>> -> memref<1920xf32, #tpu.memory_space<vmem_shared>>
      %dma_start3A_55 = arith.constant 0 : i32
      %dma_start3A_56 = tpu.memref_slice %arg15[%dma_start3A_55] : memref<2000xf32, #tpu.memory_space<vmem>> -> memref<1920xf32, #tpu.memory_space<vmem>>
      %dma_start3A_57 = tpu.memref_slice %arg7[%add3A_42] : memref<100352xf32, #tpu.memory_space<vmem_shared>> -> memref<1920xf32, #tpu.memory_space<vmem_shared>>
      tpu.enqueue_dma source(%dma_start3A_57 : memref<1920xf32, #tpu.memory_space<vmem_shared>>) target(%dma_start3A_56 : memref<1920xf32, #tpu.memory_space<vmem>>) target_semaphore(%run_scoped3A : memref<!tpu.dma_semaphore, #tpu.memory_space<semaphore_mem>>)
      %dma_wait3A_58 = arith.constant 0 : i32
      %dma_wait3A_59 = tpu.memref_slice %arg15[%dma_wait3A_58] : memref<2000xf32, #tpu.memory_space<vmem>> -> memref<1920xf32, #tpu.memory_space<vmem>>
      %dma_wait3A_60 = tpu.memref_slice %arg7[%add3A_42] : memref<100352xf32, #tpu.memory_space<vmem_shared>> -> memref<1920xf32, #tpu.memory_space<vmem_shared>>
      %dma_wait3A_61 = arith.constant 0 : i32
      %dma_wait3A_62 = tpu.memref_slice %arg15[%dma_wait3A_61] : memref<2000xf32, #tpu.memory_space<vmem>> -> memref<1920xf32, #tpu.memory_space<vmem>>
      %dma_wait3A_63 = tpu.memref_slice %arg7[%add3A_42] : memref<100352xf32, #tpu.memory_space<vmem_shared>> -> memref<1920xf32, #tpu.memory_space<vmem_shared>>
      tpu.wait_dma2 semaphore(%run_scoped3A : memref<!tpu.dma_semaphore, #tpu.memory_space<semaphore_mem>>) src(%dma_wait3A_63 : memref<1920xf32, #tpu.memory_space<vmem_shared>>) dst(%dma_wait3A_62 : memref<1920xf32, #tpu.memory_space<vmem>>)
      tpu.yield
    }) : () -> ()
    %add3A_43 = arith.constant 1920 : i32
    %add3A_44 = arith.addi %mul3A_0, %add3A_43 : i32
    "tpu.region"() ({
      %run_scoped3A = tpu.sem_alloc : memref<!tpu.dma_semaphore, #tpu.memory_space<semaphore_mem>>
      %dma_start3A = arith.constant 0 : i32
      %dma_start3A_53 = tpu.memref_slice %arg15[%dma_start3A] : memref<2000xf32, #tpu.memory_space<vmem>> -> memref<1920xf32, #tpu.memory_space<vmem>>
      %dma_start3A_54 = arith.constant 0 : i32
      %dma_start3A_55 = tpu.memref_slice %arg6[%arg0, %dma_start3A_54] : memref<2x100352xf32, #tpu.memory_space<hbm>> -> memref<1x100352xf32, #tpu.memory_space<hbm>>
      %dma_start3A_56 = tpu.memref_squeeze %dma_start3A_55 : memref<1x100352xf32, #tpu.memory_space<hbm>> -> memref<100352xf32, #tpu.memory_space<hbm>>
      %dma_start3A_57 = tpu.memref_slice %dma_start3A_56[%add3A_44] : memref<100352xf32, #tpu.memory_space<hbm>> -> memref<1920xf32, #tpu.memory_space<hbm>>
      %dma_start3A_58 = arith.constant 0 : i32
      %dma_start3A_59 = tpu.memref_slice %arg6[%arg0, %dma_start3A_58] : memref<2x100352xf32, #tpu.memory_space<hbm>> -> memref<1x100352xf32, #tpu.memory_space<hbm>>
      %dma_start3A_60 = tpu.memref_squeeze %dma_start3A_59 : memref<1x100352xf32, #tpu.memory_space<hbm>> -> memref<100352xf32, #tpu.memory_space<hbm>>
      %dma_start3A_61 = tpu.memref_slice %dma_start3A_60[%add3A_44] : memref<100352xf32, #tpu.memory_space<hbm>> -> memref<1920xf32, #tpu.memory_space<hbm>>
      %dma_start3A_62 = arith.constant 0 : i32
      %dma_start3A_63 = tpu.memref_slice %arg15[%dma_start3A_62] : memref<2000xf32, #tpu.memory_space<vmem>> -> memref<1920xf32, #tpu.memory_space<vmem>>
      tpu.enqueue_dma source(%dma_start3A_63 : memref<1920xf32, #tpu.memory_space<vmem>>) target(%dma_start3A_61 : memref<1920xf32, #tpu.memory_space<hbm>>) target_semaphore(%run_scoped3A : memref<!tpu.dma_semaphore, #tpu.memory_space<semaphore_mem>>)
      %dma_wait3A_64 = arith.constant 0 : i32
      %dma_wait3A_65 = tpu.memref_slice %arg15[%dma_wait3A_64] : memref<2000xf32, #tpu.memory_space<vmem>> -> memref<1920xf32, #tpu.memory_space<vmem>>
      %dma_wait3A_66 = arith.constant 0 : i32
      %dma_wait3A_67 = tpu.memref_slice %arg6[%arg0, %dma_wait3A_66] : memref<2x100352xf32, #tpu.memory_space<hbm>> -> memref<1x100352xf32, #tpu.memory_space<hbm>>
      %dma_wait3A_68 = tpu.memref_squeeze %dma_wait3A_67 : memref<1x100352xf32, #tpu.memory_space<hbm>> -> memref<100352xf32, #tpu.memory_space<hbm>>
      %dma_wait3A_69 = tpu.memref_slice %dma_wait3A_68[%add3A_44] : memref<100352xf32, #tpu.memory_space<hbm>> -> memref<1920xf32, #tpu.memory_space<hbm>>
      %dma_wait3A_70 = arith.constant 0 : i32
      %dma_wait3A_71 = tpu.memref_slice %arg6[%arg0, %dma_wait3A_70] : memref<2x100352xf32, #tpu.memory_space<hbm>> -> memref<1x100352xf32, #tpu.memory_space<hbm>>
      %dma_wait3A_72 = tpu.memref_squeeze %dma_wait3A_71 : memref<1x100352xf32, #tpu.memory_space<hbm>> -> memref<100352xf32, #tpu.memory_space<hbm>>
      %dma_wait3A_73 = tpu.memref_slice %dma_wait3A_72[%add3A_44] : memref<100352xf32, #tpu.memory_space<hbm>> -> memref<1920xf32, #tpu.memory_space<hbm>>
      %dma_wait3A_74 = arith.constant 0 : i32
      %dma_wait3A_75 = tpu.memref_slice %arg15[%dma_wait3A_74] : memref<2000xf32, #tpu.memory_space<vmem>> -> memref<1920xf32, #tpu.memory_space<vmem>>
      tpu.wait_dma2 semaphore(%run_scoped3A : memref<!tpu.dma_semaphore, #tpu.memory_space<semaphore_mem>>) src(%dma_wait3A_75 : memref<1920xf32, #tpu.memory_space<vmem>>) dst(%dma_wait3A_73 : memref<1920xf32, #tpu.memory_space<hbm>>)
      tpu.yield
    }) : () -> ()
    %add3A_45 = arith.constant 3840 : i32
    %add3A_46 = arith.addi %mul3A_0, %add3A_45 : i32
    "tpu.region"() ({
      %run_scoped3A = tpu.sem_alloc : memref<!tpu.dma_semaphore, #tpu.memory_space<semaphore_mem>>
      %dma_start3A = arith.constant 0 : i32
      %dma_start3A_53 = tpu.memref_slice %arg15[%dma_start3A] : memref<2000xf32, #tpu.memory_space<vmem>> -> memref<1920xf32, #tpu.memory_space<vmem>>
      %dma_start3A_54 = tpu.memref_slice %arg7[%add3A_46] : memref<100352xf32, #tpu.memory_space<vmem_shared>> -> memref<1920xf32, #tpu.memory_space<vmem_shared>>
      %dma_start3A_55 = arith.constant 0 : i32
      %dma_start3A_56 = tpu.memref_slice %arg15[%dma_start3A_55] : memref<2000xf32, #tpu.memory_space<vmem>> -> memref<1920xf32, #tpu.memory_space<vmem>>
      %dma_start3A_57 = tpu.memref_slice %arg7[%add3A_46] : memref<100352xf32, #tpu.memory_space<vmem_shared>> -> memref<1920xf32, #tpu.memory_space<vmem_shared>>
      tpu.enqueue_dma source(%dma_start3A_57 : memref<1920xf32, #tpu.memory_space<vmem_shared>>) target(%dma_start3A_56 : memref<1920xf32, #tpu.memory_space<vmem>>) target_semaphore(%run_scoped3A : memref<!tpu.dma_semaphore, #tpu.memory_space<semaphore_mem>>)
      %dma_wait3A_58 = arith.constant 0 : i32
      %dma_wait3A_59 = tpu.memref_slice %arg15[%dma_wait3A_58] : memref<2000xf32, #tpu.memory_space<vmem>> -> memref<1920xf32, #tpu.memory_space<vmem>>
      %dma_wait3A_60 = tpu.memref_slice %arg7[%add3A_46] : memref<100352xf32, #tpu.memory_space<vmem_shared>> -> memref<1920xf32, #tpu.memory_space<vmem_shared>>
      %dma_wait3A_61 = arith.constant 0 : i32
      %dma_wait3A_62 = tpu.memref_slice %arg15[%dma_wait3A_61] : memref<2000xf32, #tpu.memory_space<vmem>> -> memref<1920xf32, #tpu.memory_space<vmem>>
      %dma_wait3A_63 = tpu.memref_slice %arg7[%add3A_46] : memref<100352xf32, #tpu.memory_space<vmem_shared>> -> memref<1920xf32, #tpu.memory_space<vmem_shared>>
      tpu.wait_dma2 semaphore(%run_scoped3A : memref<!tpu.dma_semaphore, #tpu.memory_space<semaphore_mem>>) src(%dma_wait3A_63 : memref<1920xf32, #tpu.memory_space<vmem_shared>>) dst(%dma_wait3A_62 : memref<1920xf32, #tpu.memory_space<vmem>>)
      tpu.yield
    }) : () -> ()
    %add3A_47 = arith.constant 3840 : i32
    %add3A_48 = arith.addi %mul3A_0, %add3A_47 : i32
    "tpu.region"() ({
      %run_scoped3A = tpu.sem_alloc : memref<!tpu.dma_semaphore, #tpu.memory_space<semaphore_mem>>
      %dma_start3A = arith.constant 0 : i32
      %dma_start3A_53 = tpu.memref_slice %arg15[%dma_start3A] : memref<2000xf32, #tpu.memory_space<vmem>> -> memref<1920xf32, #tpu.memory_space<vmem>>
      %dma_start3A_54 = arith.constant 0 : i32
      %dma_start3A_55 = tpu.memref_slice %arg6[%arg0, %dma_start3A_54] : memref<2x100352xf32, #tpu.memory_space<hbm>> -> memref<1x100352xf32, #tpu.memory_space<hbm>>
      %dma_start3A_56 = tpu.memref_squeeze %dma_start3A_55 : memref<1x100352xf32, #tpu.memory_space<hbm>> -> memref<100352xf32, #tpu.memory_space<hbm>>
      %dma_start3A_57 = tpu.memref_slice %dma_start3A_56[%add3A_48] : memref<100352xf32, #tpu.memory_space<hbm>> -> memref<1920xf32, #tpu.memory_space<hbm>>
      %dma_start3A_58 = arith.constant 0 : i32
      %dma_start3A_59 = tpu.memref_slice %arg6[%arg0, %dma_start3A_58] : memref<2x100352xf32, #tpu.memory_space<hbm>> -> memref<1x100352xf32, #tpu.memory_space<hbm>>
      %dma_start3A_60 = tpu.memref_squeeze %dma_start3A_59 : memref<1x100352xf32, #tpu.memory_space<hbm>> -> memref<100352xf32, #tpu.memory_space<hbm>>
      %dma_start3A_61 = tpu.memref_slice %dma_start3A_60[%add3A_48] : memref<100352xf32, #tpu.memory_space<hbm>> -> memref<1920xf32, #tpu.memory_space<hbm>>
      %dma_start3A_62 = arith.constant 0 : i32
      %dma_start3A_63 = tpu.memref_slice %arg15[%dma_start3A_62] : memref<2000xf32, #tpu.memory_space<vmem>> -> memref<1920xf32, #tpu.memory_space<vmem>>
      tpu.enqueue_dma source(%dma_start3A_63 : memref<1920xf32, #tpu.memory_space<vmem>>) target(%dma_start3A_61 : memref<1920xf32, #tpu.memory_space<hbm>>) target_semaphore(%run_scoped3A : memref<!tpu.dma_semaphore, #tpu.memory_space<semaphore_mem>>)
      %dma_wait3A_64 = arith.constant 0 : i32
      %dma_wait3A_65 = tpu.memref_slice %arg15[%dma_wait3A_64] : memref<2000xf32, #tpu.memory_space<vmem>> -> memref<1920xf32, #tpu.memory_space<vmem>>
      %dma_wait3A_66 = arith.constant 0 : i32
      %dma_wait3A_67 = tpu.memref_slice %arg6[%arg0, %dma_wait3A_66] : memref<2x100352xf32, #tpu.memory_space<hbm>> -> memref<1x100352xf32, #tpu.memory_space<hbm>>
      %dma_wait3A_68 = tpu.memref_squeeze %dma_wait3A_67 : memref<1x100352xf32, #tpu.memory_space<hbm>> -> memref<100352xf32, #tpu.memory_space<hbm>>
      %dma_wait3A_69 = tpu.memref_slice %dma_wait3A_68[%add3A_48] : memref<100352xf32, #tpu.memory_space<hbm>> -> memref<1920xf32, #tpu.memory_space<hbm>>
      %dma_wait3A_70 = arith.constant 0 : i32
      %dma_wait3A_71 = tpu.memref_slice %arg6[%arg0, %dma_wait3A_70] : memref<2x100352xf32, #tpu.memory_space<hbm>> -> memref<1x100352xf32, #tpu.memory_space<hbm>>
      %dma_wait3A_72 = tpu.memref_squeeze %dma_wait3A_71 : memref<1x100352xf32, #tpu.memory_space<hbm>> -> memref<100352xf32, #tpu.memory_space<hbm>>
      %dma_wait3A_73 = tpu.memref_slice %dma_wait3A_72[%add3A_48] : memref<100352xf32, #tpu.memory_space<hbm>> -> memref<1920xf32, #tpu.memory_space<hbm>>
      %dma_wait3A_74 = arith.constant 0 : i32
      %dma_wait3A_75 = tpu.memref_slice %arg15[%dma_wait3A_74] : memref<2000xf32, #tpu.memory_space<vmem>> -> memref<1920xf32, #tpu.memory_space<vmem>>
      tpu.wait_dma2 semaphore(%run_scoped3A : memref<!tpu.dma_semaphore, #tpu.memory_space<semaphore_mem>>) src(%dma_wait3A_75 : memref<1920xf32, #tpu.memory_space<vmem>>) dst(%dma_wait3A_73 : memref<1920xf32, #tpu.memory_space<hbm>>)
      tpu.yield
    }) : () -> ()
    %add3A_49 = arith.constant 5760 : i32
    %add3A_50 = arith.addi %mul3A_0, %add3A_49 : i32
    "tpu.region"() ({
      %run_scoped3A = tpu.sem_alloc : memref<!tpu.dma_semaphore, #tpu.memory_space<semaphore_mem>>
      %dma_start3A = arith.constant 0 : i32
      %dma_start3A_53 = tpu.memref_slice %arg15[%dma_start3A] : memref<2000xf32, #tpu.memory_space<vmem>> -> memref<512xf32, #tpu.memory_space<vmem>>
      %dma_start3A_54 = tpu.memref_slice %arg7[%add3A_50] : memref<100352xf32, #tpu.memory_space<vmem_shared>> -> memref<512xf32, #tpu.memory_space<vmem_shared>>
      %dma_start3A_55 = arith.constant 0 : i32
      %dma_start3A_56 = tpu.memref_slice %arg15[%dma_start3A_55] : memref<2000xf32, #tpu.memory_space<vmem>> -> memref<512xf32, #tpu.memory_space<vmem>>
      %dma_start3A_57 = tpu.memref_slice %arg7[%add3A_50] : memref<100352xf32, #tpu.memory_space<vmem_shared>> -> memref<512xf32, #tpu.memory_space<vmem_shared>>
      tpu.enqueue_dma source(%dma_start3A_57 : memref<512xf32, #tpu.memory_space<vmem_shared>>) target(%dma_start3A_56 : memref<512xf32, #tpu.memory_space<vmem>>) target_semaphore(%run_scoped3A : memref<!tpu.dma_semaphore, #tpu.memory_space<semaphore_mem>>)
      %dma_wait3A_58 = arith.constant 0 : i32
      %dma_wait3A_59 = tpu.memref_slice %arg15[%dma_wait3A_58] : memref<2000xf32, #tpu.memory_space<vmem>> -> memref<512xf32, #tpu.memory_space<vmem>>
      %dma_wait3A_60 = tpu.memref_slice %arg7[%add3A_50] : memref<100352xf32, #tpu.memory_space<vmem_shared>> -> memref<512xf32, #tpu.memory_space<vmem_shared>>
      %dma_wait3A_61 = arith.constant 0 : i32
      %dma_wait3A_62 = tpu.memref_slice %arg15[%dma_wait3A_61] : memref<2000xf32, #tpu.memory_space<vmem>> -> memref<512xf32, #tpu.memory_space<vmem>>
      %dma_wait3A_63 = tpu.memref_slice %arg7[%add3A_50] : memref<100352xf32, #tpu.memory_space<vmem_shared>> -> memref<512xf32, #tpu.memory_space<vmem_shared>>
      tpu.wait_dma2 semaphore(%run_scoped3A : memref<!tpu.dma_semaphore, #tpu.memory_space<semaphore_mem>>) src(%dma_wait3A_63 : memref<512xf32, #tpu.memory_space<vmem_shared>>) dst(%dma_wait3A_62 : memref<512xf32, #tpu.memory_space<vmem>>)
      tpu.yield
    }) : () -> ()
    %add3A_51 = arith.constant 5760 : i32
    %add3A_52 = arith.addi %mul3A_0, %add3A_51 : i32
    "tpu.region"() ({
      %run_scoped3A = tpu.sem_alloc : memref<!tpu.dma_semaphore, #tpu.memory_space<semaphore_mem>>
      %dma_start3A = arith.constant 0 : i32
      %dma_start3A_53 = tpu.memref_slice %arg15[%dma_start3A] : memref<2000xf32, #tpu.memory_space<vmem>> -> memref<512xf32, #tpu.memory_space<vmem>>
      %dma_start3A_54 = arith.constant 0 : i32
      %dma_start3A_55 = tpu.memref_slice %arg6[%arg0, %dma_start3A_54] : memref<2x100352xf32, #tpu.memory_space<hbm>> -> memref<1x100352xf32, #tpu.memory_space<hbm>>
      %dma_start3A_56 = tpu.memref_squeeze %dma_start3A_55 : memref<1x100352xf32, #tpu.memory_space<hbm>> -> memref<100352xf32, #tpu.memory_space<hbm>>
      %dma_start3A_57 = tpu.memref_slice %dma_start3A_56[%add3A_52] : memref<100352xf32, #tpu.memory_space<hbm>> -> memref<512xf32, #tpu.memory_space<hbm>>
      %dma_start3A_58 = arith.constant 0 : i32
      %dma_start3A_59 = tpu.memref_slice %arg6[%arg0, %dma_start3A_58] : memref<2x100352xf32, #tpu.memory_space<hbm>> -> memref<1x100352xf32, #tpu.memory_space<hbm>>
      %dma_start3A_60 = tpu.memref_squeeze %dma_start3A_59 : memref<1x100352xf32, #tpu.memory_space<hbm>> -> memref<100352xf32, #tpu.memory_space<hbm>>
      %dma_start3A_61 = tpu.memref_slice %dma_start3A_60[%add3A_52] : memref<100352xf32, #tpu.memory_space<hbm>> -> memref<512xf32, #tpu.memory_space<hbm>>
      %dma_start3A_62 = arith.constant 0 : i32
      %dma_start3A_63 = tpu.memref_slice %arg15[%dma_start3A_62] : memref<2000xf32, #tpu.memory_space<vmem>> -> memref<512xf32, #tpu.memory_space<vmem>>
      tpu.enqueue_dma source(%dma_start3A_63 : memref<512xf32, #tpu.memory_space<vmem>>) target(%dma_start3A_61 : memref<512xf32, #tpu.memory_space<hbm>>) target_semaphore(%run_scoped3A : memref<!tpu.dma_semaphore, #tpu.memory_space<semaphore_mem>>)
      %dma_wait3A_64 = arith.constant 0 : i32
      %dma_wait3A_65 = tpu.memref_slice %arg15[%dma_wait3A_64] : memref<2000xf32, #tpu.memory_space<vmem>> -> memref<512xf32, #tpu.memory_space<vmem>>
      %dma_wait3A_66 = arith.constant 0 : i32
      %dma_wait3A_67 = tpu.memref_slice %arg6[%arg0, %dma_wait3A_66] : memref<2x100352xf32, #tpu.memory_space<hbm>> -> memref<1x100352xf32, #tpu.memory_space<hbm>>
      %dma_wait3A_68 = tpu.memref_squeeze %dma_wait3A_67 : memref<1x100352xf32, #tpu.memory_space<hbm>> -> memref<100352xf32, #tpu.memory_space<hbm>>
      %dma_wait3A_69 = tpu.memref_slice %dma_wait3A_68[%add3A_52] : memref<100352xf32, #tpu.memory_space<hbm>> -> memref<512xf32, #tpu.memory_space<hbm>>
      %dma_wait3A_70 = arith.constant 0 : i32
      %dma_wait3A_71 = tpu.memref_slice %arg6[%arg0, %dma_wait3A_70] : memref<2x100352xf32, #tpu.memory_space<hbm>> -> memref<1x100352xf32, #tpu.memory_space<hbm>>
      %dma_wait3A_72 = tpu.memref_squeeze %dma_wait3A_71 : memref<1x100352xf32, #tpu.memory_space<hbm>> -> memref<100352xf32, #tpu.memory_space<hbm>>
      %dma_wait3A_73 = tpu.memref_slice %dma_wait3A_72[%add3A_52] : memref<100352xf32, #tpu.memory_space<hbm>> -> memref<512xf32, #tpu.memory_space<hbm>>
      %dma_wait3A_74 = arith.constant 0 : i32
      %dma_wait3A_75 = tpu.memref_slice %arg15[%dma_wait3A_74] : memref<2000xf32, #tpu.memory_space<vmem>> -> memref<512xf32, #tpu.memory_space<vmem>>
      tpu.wait_dma2 semaphore(%run_scoped3A : memref<!tpu.dma_semaphore, #tpu.memory_space<semaphore_mem>>) src(%dma_wait3A_75 : memref<512xf32, #tpu.memory_space<vmem>>) dst(%dma_wait3A_73 : memref<512xf32, #tpu.memory_space<hbm>>)
      tpu.yield
    }) : () -> ()
    return
  }
}

#map = affine_map<(d0, d1) -> (0)>
#map1 = affine_map<(d0, d1) -> (0, 0)>
module attributes {stable_mosaic.version = 14 : i64} {
  func.func @_sc_u(%arg0: i32, %arg1: i32, %arg2: memref<6400000xi32, #tpu.memory_space<hbm>>, %arg3: memref<6400000xi32, #tpu.memory_space<hbm>>, %arg4: memref<100352xf32, #tpu.memory_space<hbm>>, %arg5: memref<2x100352xf32, #tpu.memory_space<hbm>>, %arg6: memref<100352xf32, #tpu.memory_space<vmem_shared>>, %arg7: memref<100352xf32, #tpu.memory_space<vmem>>, %arg8: memref<2000xi32, #tpu.memory_space<vmem>>, %arg9: memref<2000xi32, #tpu.memory_space<vmem>>, %arg10: memref<2000xi32, #tpu.memory_space<vmem>>, %arg11: memref<2000xi32, #tpu.memory_space<vmem>>, %arg12: memref<2000xi32, #tpu.memory_space<vmem>>, %arg13: memref<2000xi32, #tpu.memory_space<vmem>>, %arg14: memref<2000xf32, #tpu.memory_space<vmem>>, %arg15: memref<2000xf32, #tpu.memory_space<vmem>>, %arg16: memref<2000xf32, #tpu.memory_space<vmem>>, %arg17: memref<2000xf32, #tpu.memory_space<vmem>>, %arg18: memref<!tpu.dma_semaphore, #tpu.memory_space<semaphore_mem>>, %arg19: memref<!tpu.dma_semaphore, #tpu.memory_space<semaphore_mem>>, %arg20: memref<!tpu.dma_semaphore, #tpu.memory_space<semaphore_mem>>, %arg21: memref<!tpu.dma_semaphore, #tpu.memory_space<semaphore_mem>>, %arg22: memref<!tpu.dma_semaphore, #tpu.memory_space<semaphore_mem>>, %arg23: memref<!tpu.dma_semaphore, #tpu.memory_space<semaphore_mem>>, %arg24: memref<!tpu.dma_semaphore, #tpu.memory_space<semaphore_mem>>, %arg25: memref<!tpu.dma_semaphore, #tpu.memory_space<semaphore_mem>>, %arg26: memref<!tpu.dma_semaphore, #tpu.memory_space<semaphore_mem>>, %arg27: memref<!tpu.dma_semaphore, #tpu.memory_space<semaphore_mem>>) attributes {dimension_semantics = [#tpu.dimension_semantics<core_parallel>, #tpu.dimension_semantics<subcore_parallel>], iteration_bounds = array<i64: 2, 16>, scalar_prefetch = 0 : i64, scratch_operands = 22 : i64, tpu.core_type = #tpu.core_type<sc_vector_subcore>, window_params = [{transform_indices = #map}, {transform_indices = #map}, {transform_indices = #map}, {transform_indices = #map1}]} {
    %mul3A = arith.constant 16 : i32
    %mul3A_0 = arith.muli %arg0, %mul3A : i32
    %add3A = arith.addi %mul3A_0, %arg1 : i32
    %mul3A_1 = arith.constant 6272 : i32
    %mul3A_2 = arith.muli %arg1, %mul3A_1 : i32
    %broadcast_in_dim3A = arith.constant 0.000000e+00 : f32
    %broadcast_in_dim3A_3 = vector.broadcast %broadcast_in_dim3A : f32 to vector<16xf32>
    %scan3A = arith.constant 0 : i32
    %scan3A_4 = arith.constant 0 : i32
    %scan3A_5 = arith.constant 125 : i32
    %scan3A_6 = arith.addi %scan3A_4, %scan3A_5 : i32
    %scan3A_7 = arith.constant 1 : i32
    scf.for %scan3A_49 = %scan3A_4 to %scan3A_6 step %scan3A_7  : i32 {
      %mul3A_50 = arith.constant 16 : i32
      %mul3A_51 = arith.muli %scan3A_49, %mul3A_50 : i32
      %swap3A = arith.index_cast %mul3A_51 : i32 to index
      %swap3A_52 = tpu.vector_load %arg14[%swap3A] {strides = array<i32>} : memref<2000xf32, #tpu.memory_space<vmem>>, vector<16xf32>,
      tpu.vector_store %arg14[%swap3A], %broadcast_in_dim3A_3 {strides = array<i32>} : memref<2000xf32, #tpu.memory_space<vmem>>, vector<16xf32>,
    }
    %scan3A_8 = arith.constant 125 : i32
    %add3A_9 = arith.constant 0 : i32
    %add3A_10 = arith.addi %mul3A_2, %add3A_9 : i32
    "tpu.region"() ({
      %run_scoped3A = tpu.sem_alloc : memref<!tpu.dma_semaphore, #tpu.memory_space<semaphore_mem>>
      %dma_start3A = arith.constant 0 : i32
      %dma_start3A_49 = tpu.memref_slice %arg14[%dma_start3A] : memref<2000xf32, #tpu.memory_space<vmem>> -> memref<1920xf32, #tpu.memory_space<vmem>>
      %dma_start3A_50 = tpu.memref_slice %arg6[%add3A_10] : memref<100352xf32, #tpu.memory_space<vmem_shared>> -> memref<1920xf32, #tpu.memory_space<vmem_shared>>
      %dma_start3A_51 = tpu.memref_slice %arg6[%add3A_10] : memref<100352xf32, #tpu.memory_space<vmem_shared>> -> memref<1920xf32, #tpu.memory_space<vmem_shared>>
      %dma_start3A_52 = arith.constant 0 : i32
      %dma_start3A_53 = tpu.memref_slice %arg14[%dma_start3A_52] : memref<2000xf32, #tpu.memory_space<vmem>> -> memref<1920xf32, #tpu.memory_space<vmem>>
      tpu.enqueue_dma source(%dma_start3A_53 : memref<1920xf32, #tpu.memory_space<vmem>>) target(%dma_start3A_51 : memref<1920xf32, #tpu.memory_space<vmem_shared>>) target_semaphore(%run_scoped3A : memref<!tpu.dma_semaphore, #tpu.memory_space<semaphore_mem>>)
      %dma_wait3A_54 = arith.constant 0 : i32
      %dma_wait3A_55 = tpu.memref_slice %arg14[%dma_wait3A_54] : memref<2000xf32, #tpu.memory_space<vmem>> -> memref<1920xf32, #tpu.memory_space<vmem>>
      %dma_wait3A_56 = tpu.memref_slice %arg6[%add3A_10] : memref<100352xf32, #tpu.memory_space<vmem_shared>> -> memref<1920xf32, #tpu.memory_space<vmem_shared>>
      %dma_wait3A_57 = tpu.memref_slice %arg6[%add3A_10] : memref<100352xf32, #tpu.memory_space<vmem_shared>> -> memref<1920xf32, #tpu.memory_space<vmem_shared>>
      %dma_wait3A_58 = arith.constant 0 : i32
      %dma_wait3A_59 = tpu.memref_slice %arg14[%dma_wait3A_58] : memref<2000xf32, #tpu.memory_space<vmem>> -> memref<1920xf32, #tpu.memory_space<vmem>>
      tpu.wait_dma2 semaphore(%run_scoped3A : memref<!tpu.dma_semaphore, #tpu.memory_space<semaphore_mem>>) src(%dma_wait3A_59 : memref<1920xf32, #tpu.memory_space<vmem>>) dst(%dma_wait3A_57 : memref<1920xf32, #tpu.memory_space<vmem_shared>>)
      tpu.yield
    }) : () -> ()
    %add3A_11 = arith.constant 1920 : i32
    %add3A_12 = arith.addi %mul3A_2, %add3A_11 : i32
    "tpu.region"() ({
      %run_scoped3A = tpu.sem_alloc : memref<!tpu.dma_semaphore, #tpu.memory_space<semaphore_mem>>
      %dma_start3A = arith.constant 0 : i32
      %dma_start3A_49 = tpu.memref_slice %arg14[%dma_start3A] : memref<2000xf32, #tpu.memory_space<vmem>> -> memref<1920xf32, #tpu.memory_space<vmem>>
      %dma_start3A_50 = tpu.memref_slice %arg6[%add3A_12] : memref<100352xf32, #tpu.memory_space<vmem_shared>> -> memref<1920xf32, #tpu.memory_space<vmem_shared>>
      %dma_start3A_51 = tpu.memref_slice %arg6[%add3A_12] : memref<100352xf32, #tpu.memory_space<vmem_shared>> -> memref<1920xf32, #tpu.memory_space<vmem_shared>>
      %dma_start3A_52 = arith.constant 0 : i32
      %dma_start3A_53 = tpu.memref_slice %arg14[%dma_start3A_52] : memref<2000xf32, #tpu.memory_space<vmem>> -> memref<1920xf32, #tpu.memory_space<vmem>>
      tpu.enqueue_dma source(%dma_start3A_53 : memref<1920xf32, #tpu.memory_space<vmem>>) target(%dma_start3A_51 : memref<1920xf32, #tpu.memory_space<vmem_shared>>) target_semaphore(%run_scoped3A : memref<!tpu.dma_semaphore, #tpu.memory_space<semaphore_mem>>)
      %dma_wait3A_54 = arith.constant 0 : i32
      %dma_wait3A_55 = tpu.memref_slice %arg14[%dma_wait3A_54] : memref<2000xf32, #tpu.memory_space<vmem>> -> memref<1920xf32, #tpu.memory_space<vmem>>
      %dma_wait3A_56 = tpu.memref_slice %arg6[%add3A_12] : memref<100352xf32, #tpu.memory_space<vmem_shared>> -> memref<1920xf32, #tpu.memory_space<vmem_shared>>
      %dma_wait3A_57 = tpu.memref_slice %arg6[%add3A_12] : memref<100352xf32, #tpu.memory_space<vmem_shared>> -> memref<1920xf32, #tpu.memory_space<vmem_shared>>
      %dma_wait3A_58 = arith.constant 0 : i32
      %dma_wait3A_59 = tpu.memref_slice %arg14[%dma_wait3A_58] : memref<2000xf32, #tpu.memory_space<vmem>> -> memref<1920xf32, #tpu.memory_space<vmem>>
      tpu.wait_dma2 semaphore(%run_scoped3A : memref<!tpu.dma_semaphore, #tpu.memory_space<semaphore_mem>>) src(%dma_wait3A_59 : memref<1920xf32, #tpu.memory_space<vmem>>) dst(%dma_wait3A_57 : memref<1920xf32, #tpu.memory_space<vmem_shared>>)
      tpu.yield
    }) : () -> ()
    %add3A_13 = arith.constant 3840 : i32
    %add3A_14 = arith.addi %mul3A_2, %add3A_13 : i32
    "tpu.region"() ({
      %run_scoped3A = tpu.sem_alloc : memref<!tpu.dma_semaphore, #tpu.memory_space<semaphore_mem>>
      %dma_start3A = arith.constant 0 : i32
      %dma_start3A_49 = tpu.memref_slice %arg14[%dma_start3A] : memref<2000xf32, #tpu.memory_space<vmem>> -> memref<1920xf32, #tpu.memory_space<vmem>>
      %dma_start3A_50 = tpu.memref_slice %arg6[%add3A_14] : memref<100352xf32, #tpu.memory_space<vmem_shared>> -> memref<1920xf32, #tpu.memory_space<vmem_shared>>
      %dma_start3A_51 = tpu.memref_slice %arg6[%add3A_14] : memref<100352xf32, #tpu.memory_space<vmem_shared>> -> memref<1920xf32, #tpu.memory_space<vmem_shared>>
      %dma_start3A_52 = arith.constant 0 : i32
      %dma_start3A_53 = tpu.memref_slice %arg14[%dma_start3A_52] : memref<2000xf32, #tpu.memory_space<vmem>> -> memref<1920xf32, #tpu.memory_space<vmem>>
      tpu.enqueue_dma source(%dma_start3A_53 : memref<1920xf32, #tpu.memory_space<vmem>>) target(%dma_start3A_51 : memref<1920xf32, #tpu.memory_space<vmem_shared>>) target_semaphore(%run_scoped3A : memref<!tpu.dma_semaphore, #tpu.memory_space<semaphore_mem>>)
      %dma_wait3A_54 = arith.constant 0 : i32
      %dma_wait3A_55 = tpu.memref_slice %arg14[%dma_wait3A_54] : memref<2000xf32, #tpu.memory_space<vmem>> -> memref<1920xf32, #tpu.memory_space<vmem>>
      %dma_wait3A_56 = tpu.memref_slice %arg6[%add3A_14] : memref<100352xf32, #tpu.memory_space<vmem_shared>> -> memref<1920xf32, #tpu.memory_space<vmem_shared>>
      %dma_wait3A_57 = tpu.memref_slice %arg6[%add3A_14] : memref<100352xf32, #tpu.memory_space<vmem_shared>> -> memref<1920xf32, #tpu.memory_space<vmem_shared>>
      %dma_wait3A_58 = arith.constant 0 : i32
      %dma_wait3A_59 = tpu.memref_slice %arg14[%dma_wait3A_58] : memref<2000xf32, #tpu.memory_space<vmem>> -> memref<1920xf32, #tpu.memory_space<vmem>>
      tpu.wait_dma2 semaphore(%run_scoped3A : memref<!tpu.dma_semaphore, #tpu.memory_space<semaphore_mem>>) src(%dma_wait3A_59 : memref<1920xf32, #tpu.memory_space<vmem>>) dst(%dma_wait3A_57 : memref<1920xf32, #tpu.memory_space<vmem_shared>>)
      tpu.yield
    }) : () -> ()
    %add3A_15 = arith.constant 5760 : i32
    %add3A_16 = arith.addi %mul3A_2, %add3A_15 : i32
    "tpu.region"() ({
      %run_scoped3A = tpu.sem_alloc : memref<!tpu.dma_semaphore, #tpu.memory_space<semaphore_mem>>
      %dma_start3A = arith.constant 0 : i32
      %dma_start3A_49 = tpu.memref_slice %arg14[%dma_start3A] : memref<2000xf32, #tpu.memory_space<vmem>> -> memref<512xf32, #tpu.memory_space<vmem>>
      %dma_start3A_50 = tpu.memref_slice %arg6[%add3A_16] : memref<100352xf32, #tpu.memory_space<vmem_shared>> -> memref<512xf32, #tpu.memory_space<vmem_shared>>
      %dma_start3A_51 = tpu.memref_slice %arg6[%add3A_16] : memref<100352xf32, #tpu.memory_space<vmem_shared>> -> memref<512xf32, #tpu.memory_space<vmem_shared>>
      %dma_start3A_52 = arith.constant 0 : i32
      %dma_start3A_53 = tpu.memref_slice %arg14[%dma_start3A_52] : memref<2000xf32, #tpu.memory_space<vmem>> -> memref<512xf32, #tpu.memory_space<vmem>>
      tpu.enqueue_dma source(%dma_start3A_53 : memref<512xf32, #tpu.memory_space<vmem>>) target(%dma_start3A_51 : memref<512xf32, #tpu.memory_space<vmem_shared>>) target_semaphore(%run_scoped3A : memref<!tpu.dma_semaphore, #tpu.memory_space<semaphore_mem>>)
      %dma_wait3A_54 = arith.constant 0 : i32
      %dma_wait3A_55 = tpu.memref_slice %arg14[%dma_wait3A_54] : memref<2000xf32, #tpu.memory_space<vmem>> -> memref<512xf32, #tpu.memory_space<vmem>>
      %dma_wait3A_56 = tpu.memref_slice %arg6[%add3A_16] : memref<100352xf32, #tpu.memory_space<vmem_shared>> -> memref<512xf32, #tpu.memory_space<vmem_shared>>
      %dma_wait3A_57 = tpu.memref_slice %arg6[%add3A_16] : memref<100352xf32, #tpu.memory_space<vmem_shared>> -> memref<512xf32, #tpu.memory_space<vmem_shared>>
      %dma_wait3A_58 = arith.constant 0 : i32
      %dma_wait3A_59 = tpu.memref_slice %arg14[%dma_wait3A_58] : memref<2000xf32, #tpu.memory_space<vmem>> -> memref<512xf32, #tpu.memory_space<vmem>>
      tpu.wait_dma2 semaphore(%run_scoped3A : memref<!tpu.dma_semaphore, #tpu.memory_space<semaphore_mem>>) src(%dma_wait3A_59 : memref<512xf32, #tpu.memory_space<vmem>>) dst(%dma_wait3A_57 : memref<512xf32, #tpu.memory_space<vmem_shared>>)
      tpu.yield
    }) : () -> ()
    "tpu.region"() ({
      %run_scoped3A = tpu.sem_alloc : memref<!tpu.dma_semaphore, #tpu.memory_space<semaphore_mem>>
      tpu.enqueue_dma source(%arg4 : memref<100352xf32, #tpu.memory_space<hbm>>) target(%arg7 : memref<100352xf32, #tpu.memory_space<vmem>>) target_semaphore(%run_scoped3A : memref<!tpu.dma_semaphore, #tpu.memory_space<semaphore_mem>>)
      tpu.wait_dma2 semaphore(%run_scoped3A : memref<!tpu.dma_semaphore, #tpu.memory_space<semaphore_mem>>) src(%arg4 : memref<100352xf32, #tpu.memory_space<hbm>>) dst(%arg7 : memref<100352xf32, #tpu.memory_space<vmem>>)
      tpu.yield
    }) : () -> ()
    %barrier3A = arith.constant 0 : index
    tpu.barrier barrier_id(%barrier3A)
    %mul3A_17 = arith.constant 200000 : i32
    %mul3A_18 = arith.muli %add3A, %mul3A_17 : i32
    %scan3A_19 = arith.constant 0 : i32
    %scan3A_20 = arith.constant 0 : i32
    %scan3A_21 = arith.constant 25 : i32
    %scan3A_22 = arith.addi %scan3A_20, %scan3A_21 : i32
    %scan3A_23 = arith.constant 1 : i32
    scf.for %scan3A_49 = %scan3A_20 to %scan3A_22 step %scan3A_23  : i32 {
      %mul3A_50 = arith.constant 4 : i32
      %mul3A_51 = arith.muli %mul3A_50, %scan3A_49 : i32
      %add3A_52 = arith.constant 0 : i32
      %add3A_53 = arith.addi %mul3A_51, %add3A_52 : i32
      %mul3A_54 = arith.constant 2000 : i32
      %mul3A_55 = arith.muli %add3A_53, %mul3A_54 : i32
      %add3A_56 = arith.addi %mul3A_18, %mul3A_55 : i32
      %add3A_57 = arith.constant 2000 : i32
      %add3A_58 = arith.addi %add3A_56, %add3A_57 : i32
      %gt3A = arith.constant 0 : i32
      %gt3A_59 = arith.cmpi sgt, %scan3A_49, %gt3A : i32
      %convert_element_type3A = arith.extui %gt3A_59 : i1 to i32
      %cond3A = arith.constant 0 : i32
      %cond3A_60 = arith.cmpi ne, %convert_element_type3A, %cond3A : i32
      scf.if %cond3A_60 {
        %dma_wait3A_138 = arith.constant 0 : i32
        %dma_wait3A_139 = tpu.memref_slice %arg6[%dma_wait3A_138] : memref<100352xf32, #tpu.memory_space<vmem_shared>> -> memref<100352xf32, #tpu.memory_space<vmem_shared>>
        tpu.wait_indirect_dma semaphore(%arg24 : memref<!tpu.dma_semaphore, #tpu.memory_space<semaphore_mem>>) src(%arg14 : memref<2000xf32, #tpu.memory_space<vmem>>) dst(%dma_wait3A_139 : memref<100352xf32, #tpu.memory_space<vmem_shared>>)
        %dma_wait3A_140 = arith.constant 0 : i32
        %dma_wait3A_141 = tpu.memref_slice %arg6[%dma_wait3A_140] : memref<100352xf32, #tpu.memory_space<vmem_shared>> -> memref<100352xf32, #tpu.memory_space<vmem_shared>>
        tpu.wait_indirect_dma semaphore(%arg25 : memref<!tpu.dma_semaphore, #tpu.memory_space<semaphore_mem>>) src(%arg15 : memref<2000xf32, #tpu.memory_space<vmem>>) dst(%dma_wait3A_141 : memref<100352xf32, #tpu.memory_space<vmem_shared>>)
      } else {
      }
      %dma_start3A = tpu.memref_slice %arg2[%add3A_56] : memref<6400000xi32, #tpu.memory_space<hbm>> -> memref<2000xi32, #tpu.memory_space<hbm>>
      %dma_start3A_61 = tpu.memref_slice %arg2[%add3A_56] : memref<6400000xi32, #tpu.memory_space<hbm>> -> memref<2000xi32, #tpu.memory_space<hbm>>
      tpu.enqueue_dma source(%dma_start3A_61 : memref<2000xi32, #tpu.memory_space<hbm>>) target(%arg8 : memref<2000xi32, #tpu.memory_space<vmem>>) target_semaphore(%arg18 : memref<!tpu.dma_semaphore, #tpu.memory_space<semaphore_mem>>)
      %dma_start3A_62 = tpu.memref_slice %arg3[%add3A_56] : memref<6400000xi32, #tpu.memory_space<hbm>> -> memref<2000xi32, #tpu.memory_space<hbm>>
      %dma_start3A_63 = tpu.memref_slice %arg3[%add3A_56] : memref<6400000xi32, #tpu.memory_space<hbm>> -> memref<2000xi32, #tpu.memory_space<hbm>>
      tpu.enqueue_dma source(%dma_start3A_63 : memref<2000xi32, #tpu.memory_space<hbm>>) target(%arg10 : memref<2000xi32, #tpu.memory_space<vmem>>) target_semaphore(%arg20 : memref<!tpu.dma_semaphore, #tpu.memory_space<semaphore_mem>>)
      %dma_start3A_64 = tpu.memref_slice %arg2[%add3A_58] : memref<6400000xi32, #tpu.memory_space<hbm>> -> memref<2000xi32, #tpu.memory_space<hbm>>
      %dma_start3A_65 = tpu.memref_slice %arg2[%add3A_58] : memref<6400000xi32, #tpu.memory_space<hbm>> -> memref<2000xi32, #tpu.memory_space<hbm>>
      tpu.enqueue_dma source(%dma_start3A_65 : memref<2000xi32, #tpu.memory_space<hbm>>) target(%arg9 : memref<2000xi32, #tpu.memory_space<vmem>>) target_semaphore(%arg19 : memref<!tpu.dma_semaphore, #tpu.memory_space<semaphore_mem>>)
      %dma_start3A_66 = tpu.memref_slice %arg3[%add3A_58] : memref<6400000xi32, #tpu.memory_space<hbm>> -> memref<2000xi32, #tpu.memory_space<hbm>>
      %dma_start3A_67 = tpu.memref_slice %arg3[%add3A_58] : memref<6400000xi32, #tpu.memory_space<hbm>> -> memref<2000xi32, #tpu.memory_space<hbm>>
      tpu.enqueue_dma source(%dma_start3A_67 : memref<2000xi32, #tpu.memory_space<hbm>>) target(%arg11 : memref<2000xi32, #tpu.memory_space<vmem>>) target_semaphore(%arg21 : memref<!tpu.dma_semaphore, #tpu.memory_space<semaphore_mem>>)
      %dma_wait3A_68 = tpu.memref_slice %arg2[%add3A_56] : memref<6400000xi32, #tpu.memory_space<hbm>> -> memref<2000xi32, #tpu.memory_space<hbm>>
      %dma_wait3A_69 = tpu.memref_slice %arg2[%add3A_56] : memref<6400000xi32, #tpu.memory_space<hbm>> -> memref<2000xi32, #tpu.memory_space<hbm>>
      tpu.wait_dma2 semaphore(%arg18 : memref<!tpu.dma_semaphore, #tpu.memory_space<semaphore_mem>>) src(%dma_wait3A_69 : memref<2000xi32, #tpu.memory_space<hbm>>) dst(%arg8 : memref<2000xi32, #tpu.memory_space<vmem>>)
      %scan3A_70 = arith.constant 0 : i32
      %scan3A_71 = arith.constant 0 : i32
      %scan3A_72 = arith.constant 25 : i32
      %scan3A_73 = arith.addi %scan3A_71, %scan3A_72 : i32
      %scan3A_74 = arith.constant 1 : i32
      scf.for %scan3A_138 = %scan3A_71 to %scan3A_73 step %scan3A_74  : i32 {
        %mul3A_139 = arith.constant 80 : i32
        %mul3A_140 = arith.muli %scan3A_138, %mul3A_139 : i32
        %add3A_141 = arith.constant 0 : i32
        %add3A_142 = arith.addi %mul3A_140, %add3A_141 : i32
        %get3A = arith.index_cast %add3A_142 : i32 to index
        %get3A_143 = tpu.vector_load %arg8[%get3A] {strides = array<i32>} : memref<2000xi32, #tpu.memory_space<vmem>>, vector<16xi32>,
        %gather3A = tpu.vector_load_idx %arg7[%get3A_143] : memref<100352xf32, #tpu.memory_space<vmem>>[vector<16xi32>], vector<16xf32>,
        %swap3A = arith.index_cast %add3A_142 : i32 to index
        %swap3A_144 = tpu.vector_load %arg14[%swap3A] {strides = array<i32>} : memref<2000xf32, #tpu.memory_space<vmem>>, vector<16xf32>,
        tpu.vector_store %arg14[%swap3A], %gather3A {strides = array<i32>} : memref<2000xf32, #tpu.memory_space<vmem>>, vector<16xf32>,
        %mul3A_145 = arith.constant 80 : i32
        %mul3A_146 = arith.muli %scan3A_138, %mul3A_145 : i32
        %add3A_147 = arith.constant 16 : i32
        %add3A_148 = arith.addi %mul3A_146, %add3A_147 : i32
        %get3A_149 = arith.index_cast %add3A_148 : i32 to index
        %get3A_150 = tpu.vector_load %arg8[%get3A_149] {strides = array<i32>} : memref<2000xi32, #tpu.memory_space<vmem>>, vector<16xi32>,
        %gather3A_151 = tpu.vector_load_idx %arg7[%get3A_150] : memref<100352xf32, #tpu.memory_space<vmem>>[vector<16xi32>], vector<16xf32>,
        %swap3A_152 = arith.index_cast %add3A_148 : i32 to index
        %swap3A_153 = tpu.vector_load %arg14[%swap3A_152] {strides = array<i32>} : memref<2000xf32, #tpu.memory_space<vmem>>, vector<16xf32>,
        tpu.vector_store %arg14[%swap3A_152], %gather3A_151 {strides = array<i32>} : memref<2000xf32, #tpu.memory_space<vmem>>, vector<16xf32>,
        %mul3A_154 = arith.constant 80 : i32
        %mul3A_155 = arith.muli %scan3A_138, %mul3A_154 : i32
        %add3A_156 = arith.constant 32 : i32
        %add3A_157 = arith.addi %mul3A_155, %add3A_156 : i32
        %get3A_158 = arith.index_cast %add3A_157 : i32 to index
        %get3A_159 = tpu.vector_load %arg8[%get3A_158] {strides = array<i32>} : memref<2000xi32, #tpu.memory_space<vmem>>, vector<16xi32>,
        %gather3A_160 = tpu.vector_load_idx %arg7[%get3A_159] : memref<100352xf32, #tpu.memory_space<vmem>>[vector<16xi32>], vector<16xf32>,
        %swap3A_161 = arith.index_cast %add3A_157 : i32 to index
        %swap3A_162 = tpu.vector_load %arg14[%swap3A_161] {strides = array<i32>} : memref<2000xf32, #tpu.memory_space<vmem>>, vector<16xf32>,
        tpu.vector_store %arg14[%swap3A_161], %gather3A_160 {strides = array<i32>} : memref<2000xf32, #tpu.memory_space<vmem>>, vector<16xf32>,
        %mul3A_163 = arith.constant 80 : i32
        %mul3A_164 = arith.muli %scan3A_138, %mul3A_163 : i32
        %add3A_165 = arith.constant 48 : i32
        %add3A_166 = arith.addi %mul3A_164, %add3A_165 : i32
        %get3A_167 = arith.index_cast %add3A_166 : i32 to index
        %get3A_168 = tpu.vector_load %arg8[%get3A_167] {strides = array<i32>} : memref<2000xi32, #tpu.memory_space<vmem>>, vector<16xi32>,
        %gather3A_169 = tpu.vector_load_idx %arg7[%get3A_168] : memref<100352xf32, #tpu.memory_space<vmem>>[vector<16xi32>], vector<16xf32>,
        %swap3A_170 = arith.index_cast %add3A_166 : i32 to index
        %swap3A_171 = tpu.vector_load %arg14[%swap3A_170] {strides = array<i32>} : memref<2000xf32, #tpu.memory_space<vmem>>, vector<16xf32>,
        tpu.vector_store %arg14[%swap3A_170], %gather3A_169 {strides = array<i32>} : memref<2000xf32, #tpu.memory_space<vmem>>, vector<16xf32>,
        %mul3A_172 = arith.constant 80 : i32
        %mul3A_173 = arith.muli %scan3A_138, %mul3A_172 : i32
        %add3A_174 = arith.constant 64 : i32
        %add3A_175 = arith.addi %mul3A_173, %add3A_174 : i32
        %get3A_176 = arith.index_cast %add3A_175 : i32 to index
        %get3A_177 = tpu.vector_load %arg8[%get3A_176] {strides = array<i32>} : memref<2000xi32, #tpu.memory_space<vmem>>, vector<16xi32>,
        %gather3A_178 = tpu.vector_load_idx %arg7[%get3A_177] : memref<100352xf32, #tpu.memory_space<vmem>>[vector<16xi32>], vector<16xf32>,
        %swap3A_179 = arith.index_cast %add3A_175 : i32 to index
        %swap3A_180 = tpu.vector_load %arg14[%swap3A_179] {strides = array<i32>} : memref<2000xf32, #tpu.memory_space<vmem>>, vector<16xf32>,
        tpu.vector_store %arg14[%swap3A_179], %gather3A_178 {strides = array<i32>} : memref<2000xf32, #tpu.memory_space<vmem>>, vector<16xf32>,
      }
      %scan3A_75 = arith.constant 25 : i32
      %dma_wait3A_76 = tpu.memref_slice %arg2[%add3A_58] : memref<6400000xi32, #tpu.memory_space<hbm>> -> memref<2000xi32, #tpu.memory_space<hbm>>
      %dma_wait3A_77 = tpu.memref_slice %arg2[%add3A_58] : memref<6400000xi32, #tpu.memory_space<hbm>> -> memref<2000xi32, #tpu.memory_space<hbm>>
      tpu.wait_dma2 semaphore(%arg19 : memref<!tpu.dma_semaphore, #tpu.memory_space<semaphore_mem>>) src(%dma_wait3A_77 : memref<2000xi32, #tpu.memory_space<hbm>>) dst(%arg9 : memref<2000xi32, #tpu.memory_space<vmem>>)
      %scan3A_78 = arith.constant 0 : i32
      %scan3A_79 = arith.constant 0 : i32
      %scan3A_80 = arith.constant 25 : i32
      %scan3A_81 = arith.addi %scan3A_79, %scan3A_80 : i32
      %scan3A_82 = arith.constant 1 : i32
      scf.for %scan3A_138 = %scan3A_79 to %scan3A_81 step %scan3A_82  : i32 {
        %mul3A_139 = arith.constant 80 : i32
        %mul3A_140 = arith.muli %scan3A_138, %mul3A_139 : i32
        %add3A_141 = arith.constant 0 : i32
        %add3A_142 = arith.addi %mul3A_140, %add3A_141 : i32
        %get3A = arith.index_cast %add3A_142 : i32 to index
        %get3A_143 = tpu.vector_load %arg9[%get3A] {strides = array<i32>} : memref<2000xi32, #tpu.memory_space<vmem>>, vector<16xi32>,
        %gather3A = tpu.vector_load_idx %arg7[%get3A_143] : memref<100352xf32, #tpu.memory_space<vmem>>[vector<16xi32>], vector<16xf32>,
        %swap3A = arith.index_cast %add3A_142 : i32 to index
        %swap3A_144 = tpu.vector_load %arg15[%swap3A] {strides = array<i32>} : memref<2000xf32, #tpu.memory_space<vmem>>, vector<16xf32>,
        tpu.vector_store %arg15[%swap3A], %gather3A {strides = array<i32>} : memref<2000xf32, #tpu.memory_space<vmem>>, vector<16xf32>,
        %mul3A_145 = arith.constant 80 : i32
        %mul3A_146 = arith.muli %scan3A_138, %mul3A_145 : i32
        %add3A_147 = arith.constant 16 : i32
        %add3A_148 = arith.addi %mul3A_146, %add3A_147 : i32
        %get3A_149 = arith.index_cast %add3A_148 : i32 to index
        %get3A_150 = tpu.vector_load %arg9[%get3A_149] {strides = array<i32>} : memref<2000xi32, #tpu.memory_space<vmem>>, vector<16xi32>,
        %gather3A_151 = tpu.vector_load_idx %arg7[%get3A_150] : memref<100352xf32, #tpu.memory_space<vmem>>[vector<16xi32>], vector<16xf32>,
        %swap3A_152 = arith.index_cast %add3A_148 : i32 to index
        %swap3A_153 = tpu.vector_load %arg15[%swap3A_152] {strides = array<i32>} : memref<2000xf32, #tpu.memory_space<vmem>>, vector<16xf32>,
        tpu.vector_store %arg15[%swap3A_152], %gather3A_151 {strides = array<i32>} : memref<2000xf32, #tpu.memory_space<vmem>>, vector<16xf32>,
        %mul3A_154 = arith.constant 80 : i32
        %mul3A_155 = arith.muli %scan3A_138, %mul3A_154 : i32
        %add3A_156 = arith.constant 32 : i32
        %add3A_157 = arith.addi %mul3A_155, %add3A_156 : i32
        %get3A_158 = arith.index_cast %add3A_157 : i32 to index
        %get3A_159 = tpu.vector_load %arg9[%get3A_158] {strides = array<i32>} : memref<2000xi32, #tpu.memory_space<vmem>>, vector<16xi32>,
        %gather3A_160 = tpu.vector_load_idx %arg7[%get3A_159] : memref<100352xf32, #tpu.memory_space<vmem>>[vector<16xi32>], vector<16xf32>,
        %swap3A_161 = arith.index_cast %add3A_157 : i32 to index
        %swap3A_162 = tpu.vector_load %arg15[%swap3A_161] {strides = array<i32>} : memref<2000xf32, #tpu.memory_space<vmem>>, vector<16xf32>,
        tpu.vector_store %arg15[%swap3A_161], %gather3A_160 {strides = array<i32>} : memref<2000xf32, #tpu.memory_space<vmem>>, vector<16xf32>,
        %mul3A_163 = arith.constant 80 : i32
        %mul3A_164 = arith.muli %scan3A_138, %mul3A_163 : i32
        %add3A_165 = arith.constant 48 : i32
        %add3A_166 = arith.addi %mul3A_164, %add3A_165 : i32
        %get3A_167 = arith.index_cast %add3A_166 : i32 to index
        %get3A_168 = tpu.vector_load %arg9[%get3A_167] {strides = array<i32>} : memref<2000xi32, #tpu.memory_space<vmem>>, vector<16xi32>,
        %gather3A_169 = tpu.vector_load_idx %arg7[%get3A_168] : memref<100352xf32, #tpu.memory_space<vmem>>[vector<16xi32>], vector<16xf32>,
        %swap3A_170 = arith.index_cast %add3A_166 : i32 to index
        %swap3A_171 = tpu.vector_load %arg15[%swap3A_170] {strides = array<i32>} : memref<2000xf32, #tpu.memory_space<vmem>>, vector<16xf32>,
        tpu.vector_store %arg15[%swap3A_170], %gather3A_169 {strides = array<i32>} : memref<2000xf32, #tpu.memory_space<vmem>>, vector<16xf32>,
        %mul3A_172 = arith.constant 80 : i32
        %mul3A_173 = arith.muli %scan3A_138, %mul3A_172 : i32
        %add3A_174 = arith.constant 64 : i32
        %add3A_175 = arith.addi %mul3A_173, %add3A_174 : i32
        %get3A_176 = arith.index_cast %add3A_175 : i32 to index
        %get3A_177 = tpu.vector_load %arg9[%get3A_176] {strides = array<i32>} : memref<2000xi32, #tpu.memory_space<vmem>>, vector<16xi32>,
        %gather3A_178 = tpu.vector_load_idx %arg7[%get3A_177] : memref<100352xf32, #tpu.memory_space<vmem>>[vector<16xi32>], vector<16xf32>,
        %swap3A_179 = arith.index_cast %add3A_175 : i32 to index
        %swap3A_180 = tpu.vector_load %arg15[%swap3A_179] {strides = array<i32>} : memref<2000xf32, #tpu.memory_space<vmem>>, vector<16xf32>,
        tpu.vector_store %arg15[%swap3A_179], %gather3A_178 {strides = array<i32>} : memref<2000xf32, #tpu.memory_space<vmem>>, vector<16xf32>,
      }
      %scan3A_83 = arith.constant 25 : i32
      %dma_wait3A_84 = tpu.memref_slice %arg3[%add3A_56] : memref<6400000xi32, #tpu.memory_space<hbm>> -> memref<2000xi32, #tpu.memory_space<hbm>>
      %dma_wait3A_85 = tpu.memref_slice %arg3[%add3A_56] : memref<6400000xi32, #tpu.memory_space<hbm>> -> memref<2000xi32, #tpu.memory_space<hbm>>
      tpu.wait_dma2 semaphore(%arg20 : memref<!tpu.dma_semaphore, #tpu.memory_space<semaphore_mem>>) src(%dma_wait3A_85 : memref<2000xi32, #tpu.memory_space<hbm>>) dst(%arg10 : memref<2000xi32, #tpu.memory_space<vmem>>)
      %dma_start3A_86 = arith.constant 0 : i32
      %dma_start3A_87 = tpu.memref_slice %arg6[%dma_start3A_86] : memref<100352xf32, #tpu.memory_space<vmem_shared>> -> memref<100352xf32, #tpu.memory_space<vmem_shared>>
      tpu.enqueue_indirect_dma source(%arg14 : memref<2000xf32, #tpu.memory_space<vmem>>) target(%dma_start3A_87 : memref<100352xf32, #tpu.memory_space<vmem_shared>>) offsets(%arg10 : memref<2000xi32, #tpu.memory_space<vmem>>) semaphore(%arg24 : memref<!tpu.dma_semaphore, #tpu.memory_space<semaphore_mem>>) {add = true}
      %dma_wait3A_88 = tpu.memref_slice %arg3[%add3A_58] : memref<6400000xi32, #tpu.memory_space<hbm>> -> memref<2000xi32, #tpu.memory_space<hbm>>
      %dma_wait3A_89 = tpu.memref_slice %arg3[%add3A_58] : memref<6400000xi32, #tpu.memory_space<hbm>> -> memref<2000xi32, #tpu.memory_space<hbm>>
      tpu.wait_dma2 semaphore(%arg21 : memref<!tpu.dma_semaphore, #tpu.memory_space<semaphore_mem>>) src(%dma_wait3A_89 : memref<2000xi32, #tpu.memory_space<hbm>>) dst(%arg11 : memref<2000xi32, #tpu.memory_space<vmem>>)
      %dma_start3A_90 = arith.constant 0 : i32
      %dma_start3A_91 = tpu.memref_slice %arg6[%dma_start3A_90] : memref<100352xf32, #tpu.memory_space<vmem_shared>> -> memref<100352xf32, #tpu.memory_space<vmem_shared>>
      tpu.enqueue_indirect_dma source(%arg15 : memref<2000xf32, #tpu.memory_space<vmem>>) target(%dma_start3A_91 : memref<100352xf32, #tpu.memory_space<vmem_shared>>) offsets(%arg11 : memref<2000xi32, #tpu.memory_space<vmem>>) semaphore(%arg25 : memref<!tpu.dma_semaphore, #tpu.memory_space<semaphore_mem>>) {add = true}
      %mul3A_92 = arith.constant 4 : i32
      %mul3A_93 = arith.muli %mul3A_92, %scan3A_49 : i32
      %add3A_94 = arith.constant 2 : i32
      %add3A_95 = arith.addi %mul3A_93, %add3A_94 : i32
      %mul3A_96 = arith.constant 2000 : i32
      %mul3A_97 = arith.muli %add3A_95, %mul3A_96 : i32
      %add3A_98 = arith.addi %mul3A_18, %mul3A_97 : i32
      %add3A_99 = arith.constant 2000 : i32
      %add3A_100 = arith.addi %add3A_98, %add3A_99 : i32
      %gt3A_101 = arith.constant 0 : i32
      %gt3A_102 = arith.cmpi sgt, %scan3A_49, %gt3A_101 : i32
      %convert_element_type3A_103 = arith.extui %gt3A_102 : i1 to i32
      %cond3A_104 = arith.constant 0 : i32
      %cond3A_105 = arith.cmpi ne, %convert_element_type3A_103, %cond3A_104 : i32
      scf.if %cond3A_105 {
        %dma_wait3A_138 = arith.constant 0 : i32
        %dma_wait3A_139 = tpu.memref_slice %arg6[%dma_wait3A_138] : memref<100352xf32, #tpu.memory_space<vmem_shared>> -> memref<100352xf32, #tpu.memory_space<vmem_shared>>
        tpu.wait_indirect_dma semaphore(%arg26 : memref<!tpu.dma_semaphore, #tpu.memory_space<semaphore_mem>>) src(%arg16 : memref<2000xf32, #tpu.memory_space<vmem>>) dst(%dma_wait3A_139 : memref<100352xf32, #tpu.memory_space<vmem_shared>>)
        %dma_wait3A_140 = arith.constant 0 : i32
        %dma_wait3A_141 = tpu.memref_slice %arg6[%dma_wait3A_140] : memref<100352xf32, #tpu.memory_space<vmem_shared>> -> memref<100352xf32, #tpu.memory_space<vmem_shared>>
        tpu.wait_indirect_dma semaphore(%arg27 : memref<!tpu.dma_semaphore, #tpu.memory_space<semaphore_mem>>) src(%arg17 : memref<2000xf32, #tpu.memory_space<vmem>>) dst(%dma_wait3A_141 : memref<100352xf32, #tpu.memory_space<vmem_shared>>)
      } else {
      }
      %dma_start3A_106 = tpu.memref_slice %arg2[%add3A_98] : memref<6400000xi32, #tpu.memory_space<hbm>> -> memref<2000xi32, #tpu.memory_space<hbm>>
      %dma_start3A_107 = tpu.memref_slice %arg2[%add3A_98] : memref<6400000xi32, #tpu.memory_space<hbm>> -> memref<2000xi32, #tpu.memory_space<hbm>>
      tpu.enqueue_dma source(%dma_start3A_107 : memref<2000xi32, #tpu.memory_space<hbm>>) target(%arg8 : memref<2000xi32, #tpu.memory_space<vmem>>) target_semaphore(%arg18 : memref<!tpu.dma_semaphore, #tpu.memory_space<semaphore_mem>>)
      %dma_start3A_108 = tpu.memref_slice %arg3[%add3A_98] : memref<6400000xi32, #tpu.memory_space<hbm>> -> memref<2000xi32, #tpu.memory_space<hbm>>
      %dma_start3A_109 = tpu.memref_slice %arg3[%add3A_98] : memref<6400000xi32, #tpu.memory_space<hbm>> -> memref<2000xi32, #tpu.memory_space<hbm>>
      tpu.enqueue_dma source(%dma_start3A_109 : memref<2000xi32, #tpu.memory_space<hbm>>) target(%arg12 : memref<2000xi32, #tpu.memory_space<vmem>>) target_semaphore(%arg22 : memref<!tpu.dma_semaphore, #tpu.memory_space<semaphore_mem>>)
      %dma_start3A_110 = tpu.memref_slice %arg2[%add3A_100] : memref<6400000xi32, #tpu.memory_space<hbm>> -> memref<2000xi32, #tpu.memory_space<hbm>>
      %dma_start3A_111 = tpu.memref_slice %arg2[%add3A_100] : memref<6400000xi32, #tpu.memory_space<hbm>> -> memref<2000xi32, #tpu.memory_space<hbm>>
      tpu.enqueue_dma source(%dma_start3A_111 : memref<2000xi32, #tpu.memory_space<hbm>>) target(%arg9 : memref<2000xi32, #tpu.memory_space<vmem>>) target_semaphore(%arg19 : memref<!tpu.dma_semaphore, #tpu.memory_space<semaphore_mem>>)
      %dma_start3A_112 = tpu.memref_slice %arg3[%add3A_100] : memref<6400000xi32, #tpu.memory_space<hbm>> -> memref<2000xi32, #tpu.memory_space<hbm>>
      %dma_start3A_113 = tpu.memref_slice %arg3[%add3A_100] : memref<6400000xi32, #tpu.memory_space<hbm>> -> memref<2000xi32, #tpu.memory_space<hbm>>
      tpu.enqueue_dma source(%dma_start3A_113 : memref<2000xi32, #tpu.memory_space<hbm>>) target(%arg13 : memref<2000xi32, #tpu.memory_space<vmem>>) target_semaphore(%arg23 : memref<!tpu.dma_semaphore, #tpu.memory_space<semaphore_mem>>)
      %dma_wait3A_114 = tpu.memref_slice %arg2[%add3A_98] : memref<6400000xi32, #tpu.memory_space<hbm>> -> memref<2000xi32, #tpu.memory_space<hbm>>
      %dma_wait3A_115 = tpu.memref_slice %arg2[%add3A_98] : memref<6400000xi32, #tpu.memory_space<hbm>> -> memref<2000xi32, #tpu.memory_space<hbm>>
      tpu.wait_dma2 semaphore(%arg18 : memref<!tpu.dma_semaphore, #tpu.memory_space<semaphore_mem>>) src(%dma_wait3A_115 : memref<2000xi32, #tpu.memory_space<hbm>>) dst(%arg8 : memref<2000xi32, #tpu.memory_space<vmem>>)
      %scan3A_116 = arith.constant 0 : i32
      %scan3A_117 = arith.constant 0 : i32
      %scan3A_118 = arith.constant 25 : i32
      %scan3A_119 = arith.addi %scan3A_117, %scan3A_118 : i32
      %scan3A_120 = arith.constant 1 : i32
      scf.for %scan3A_138 = %scan3A_117 to %scan3A_119 step %scan3A_120  : i32 {
        %mul3A_139 = arith.constant 80 : i32
        %mul3A_140 = arith.muli %scan3A_138, %mul3A_139 : i32
        %add3A_141 = arith.constant 0 : i32
        %add3A_142 = arith.addi %mul3A_140, %add3A_141 : i32
        %get3A = arith.index_cast %add3A_142 : i32 to index
        %get3A_143 = tpu.vector_load %arg8[%get3A] {strides = array<i32>} : memref<2000xi32, #tpu.memory_space<vmem>>, vector<16xi32>,
        %gather3A = tpu.vector_load_idx %arg7[%get3A_143] : memref<100352xf32, #tpu.memory_space<vmem>>[vector<16xi32>], vector<16xf32>,
        %swap3A = arith.index_cast %add3A_142 : i32 to index
        %swap3A_144 = tpu.vector_load %arg16[%swap3A] {strides = array<i32>} : memref<2000xf32, #tpu.memory_space<vmem>>, vector<16xf32>,
        tpu.vector_store %arg16[%swap3A], %gather3A {strides = array<i32>} : memref<2000xf32, #tpu.memory_space<vmem>>, vector<16xf32>,
        %mul3A_145 = arith.constant 80 : i32
        %mul3A_146 = arith.muli %scan3A_138, %mul3A_145 : i32
        %add3A_147 = arith.constant 16 : i32
        %add3A_148 = arith.addi %mul3A_146, %add3A_147 : i32
        %get3A_149 = arith.index_cast %add3A_148 : i32 to index
        %get3A_150 = tpu.vector_load %arg8[%get3A_149] {strides = array<i32>} : memref<2000xi32, #tpu.memory_space<vmem>>, vector<16xi32>,
        %gather3A_151 = tpu.vector_load_idx %arg7[%get3A_150] : memref<100352xf32, #tpu.memory_space<vmem>>[vector<16xi32>], vector<16xf32>,
        %swap3A_152 = arith.index_cast %add3A_148 : i32 to index
        %swap3A_153 = tpu.vector_load %arg16[%swap3A_152] {strides = array<i32>} : memref<2000xf32, #tpu.memory_space<vmem>>, vector<16xf32>,
        tpu.vector_store %arg16[%swap3A_152], %gather3A_151 {strides = array<i32>} : memref<2000xf32, #tpu.memory_space<vmem>>, vector<16xf32>,
        %mul3A_154 = arith.constant 80 : i32
        %mul3A_155 = arith.muli %scan3A_138, %mul3A_154 : i32
        %add3A_156 = arith.constant 32 : i32
        %add3A_157 = arith.addi %mul3A_155, %add3A_156 : i32
        %get3A_158 = arith.index_cast %add3A_157 : i32 to index
        %get3A_159 = tpu.vector_load %arg8[%get3A_158] {strides = array<i32>} : memref<2000xi32, #tpu.memory_space<vmem>>, vector<16xi32>,
        %gather3A_160 = tpu.vector_load_idx %arg7[%get3A_159] : memref<100352xf32, #tpu.memory_space<vmem>>[vector<16xi32>], vector<16xf32>,
        %swap3A_161 = arith.index_cast %add3A_157 : i32 to index
        %swap3A_162 = tpu.vector_load %arg16[%swap3A_161] {strides = array<i32>} : memref<2000xf32, #tpu.memory_space<vmem>>, vector<16xf32>,
        tpu.vector_store %arg16[%swap3A_161], %gather3A_160 {strides = array<i32>} : memref<2000xf32, #tpu.memory_space<vmem>>, vector<16xf32>,
        %mul3A_163 = arith.constant 80 : i32
        %mul3A_164 = arith.muli %scan3A_138, %mul3A_163 : i32
        %add3A_165 = arith.constant 48 : i32
        %add3A_166 = arith.addi %mul3A_164, %add3A_165 : i32
        %get3A_167 = arith.index_cast %add3A_166 : i32 to index
        %get3A_168 = tpu.vector_load %arg8[%get3A_167] {strides = array<i32>} : memref<2000xi32, #tpu.memory_space<vmem>>, vector<16xi32>,
        %gather3A_169 = tpu.vector_load_idx %arg7[%get3A_168] : memref<100352xf32, #tpu.memory_space<vmem>>[vector<16xi32>], vector<16xf32>,
        %swap3A_170 = arith.index_cast %add3A_166 : i32 to index
        %swap3A_171 = tpu.vector_load %arg16[%swap3A_170] {strides = array<i32>} : memref<2000xf32, #tpu.memory_space<vmem>>, vector<16xf32>,
        tpu.vector_store %arg16[%swap3A_170], %gather3A_169 {strides = array<i32>} : memref<2000xf32, #tpu.memory_space<vmem>>, vector<16xf32>,
        %mul3A_172 = arith.constant 80 : i32
        %mul3A_173 = arith.muli %scan3A_138, %mul3A_172 : i32
        %add3A_174 = arith.constant 64 : i32
        %add3A_175 = arith.addi %mul3A_173, %add3A_174 : i32
        %get3A_176 = arith.index_cast %add3A_175 : i32 to index
        %get3A_177 = tpu.vector_load %arg8[%get3A_176] {strides = array<i32>} : memref<2000xi32, #tpu.memory_space<vmem>>, vector<16xi32>,
        %gather3A_178 = tpu.vector_load_idx %arg7[%get3A_177] : memref<100352xf32, #tpu.memory_space<vmem>>[vector<16xi32>], vector<16xf32>,
        %swap3A_179 = arith.index_cast %add3A_175 : i32 to index
        %swap3A_180 = tpu.vector_load %arg16[%swap3A_179] {strides = array<i32>} : memref<2000xf32, #tpu.memory_space<vmem>>, vector<16xf32>,
        tpu.vector_store %arg16[%swap3A_179], %gather3A_178 {strides = array<i32>} : memref<2000xf32, #tpu.memory_space<vmem>>, vector<16xf32>,
      }
      %scan3A_121 = arith.constant 25 : i32
      %dma_wait3A_122 = tpu.memref_slice %arg2[%add3A_100] : memref<6400000xi32, #tpu.memory_space<hbm>> -> memref<2000xi32, #tpu.memory_space<hbm>>
      %dma_wait3A_123 = tpu.memref_slice %arg2[%add3A_100] : memref<6400000xi32, #tpu.memory_space<hbm>> -> memref<2000xi32, #tpu.memory_space<hbm>>
      tpu.wait_dma2 semaphore(%arg19 : memref<!tpu.dma_semaphore, #tpu.memory_space<semaphore_mem>>) src(%dma_wait3A_123 : memref<2000xi32, #tpu.memory_space<hbm>>) dst(%arg9 : memref<2000xi32, #tpu.memory_space<vmem>>)
      %scan3A_124 = arith.constant 0 : i32
      %scan3A_125 = arith.constant 0 : i32
      %scan3A_126 = arith.constant 25 : i32
      %scan3A_127 = arith.addi %scan3A_125, %scan3A_126 : i32
      %scan3A_128 = arith.constant 1 : i32
      scf.for %scan3A_138 = %scan3A_125 to %scan3A_127 step %scan3A_128  : i32 {
        %mul3A_139 = arith.constant 80 : i32
        %mul3A_140 = arith.muli %scan3A_138, %mul3A_139 : i32
        %add3A_141 = arith.constant 0 : i32
        %add3A_142 = arith.addi %mul3A_140, %add3A_141 : i32
        %get3A = arith.index_cast %add3A_142 : i32 to index
        %get3A_143 = tpu.vector_load %arg9[%get3A] {strides = array<i32>} : memref<2000xi32, #tpu.memory_space<vmem>>, vector<16xi32>,
        %gather3A = tpu.vector_load_idx %arg7[%get3A_143] : memref<100352xf32, #tpu.memory_space<vmem>>[vector<16xi32>], vector<16xf32>,
        %swap3A = arith.index_cast %add3A_142 : i32 to index
        %swap3A_144 = tpu.vector_load %arg17[%swap3A] {strides = array<i32>} : memref<2000xf32, #tpu.memory_space<vmem>>, vector<16xf32>,
        tpu.vector_store %arg17[%swap3A], %gather3A {strides = array<i32>} : memref<2000xf32, #tpu.memory_space<vmem>>, vector<16xf32>,
        %mul3A_145 = arith.constant 80 : i32
        %mul3A_146 = arith.muli %scan3A_138, %mul3A_145 : i32
        %add3A_147 = arith.constant 16 : i32
        %add3A_148 = arith.addi %mul3A_146, %add3A_147 : i32
        %get3A_149 = arith.index_cast %add3A_148 : i32 to index
        %get3A_150 = tpu.vector_load %arg9[%get3A_149] {strides = array<i32>} : memref<2000xi32, #tpu.memory_space<vmem>>, vector<16xi32>,
        %gather3A_151 = tpu.vector_load_idx %arg7[%get3A_150] : memref<100352xf32, #tpu.memory_space<vmem>>[vector<16xi32>], vector<16xf32>,
        %swap3A_152 = arith.index_cast %add3A_148 : i32 to index
        %swap3A_153 = tpu.vector_load %arg17[%swap3A_152] {strides = array<i32>} : memref<2000xf32, #tpu.memory_space<vmem>>, vector<16xf32>,
        tpu.vector_store %arg17[%swap3A_152], %gather3A_151 {strides = array<i32>} : memref<2000xf32, #tpu.memory_space<vmem>>, vector<16xf32>,
        %mul3A_154 = arith.constant 80 : i32
        %mul3A_155 = arith.muli %scan3A_138, %mul3A_154 : i32
        %add3A_156 = arith.constant 32 : i32
        %add3A_157 = arith.addi %mul3A_155, %add3A_156 : i32
        %get3A_158 = arith.index_cast %add3A_157 : i32 to index
        %get3A_159 = tpu.vector_load %arg9[%get3A_158] {strides = array<i32>} : memref<2000xi32, #tpu.memory_space<vmem>>, vector<16xi32>,
        %gather3A_160 = tpu.vector_load_idx %arg7[%get3A_159] : memref<100352xf32, #tpu.memory_space<vmem>>[vector<16xi32>], vector<16xf32>,
        %swap3A_161 = arith.index_cast %add3A_157 : i32 to index
        %swap3A_162 = tpu.vector_load %arg17[%swap3A_161] {strides = array<i32>} : memref<2000xf32, #tpu.memory_space<vmem>>, vector<16xf32>,
        tpu.vector_store %arg17[%swap3A_161], %gather3A_160 {strides = array<i32>} : memref<2000xf32, #tpu.memory_space<vmem>>, vector<16xf32>,
        %mul3A_163 = arith.constant 80 : i32
        %mul3A_164 = arith.muli %scan3A_138, %mul3A_163 : i32
        %add3A_165 = arith.constant 48 : i32
        %add3A_166 = arith.addi %mul3A_164, %add3A_165 : i32
        %get3A_167 = arith.index_cast %add3A_166 : i32 to index
        %get3A_168 = tpu.vector_load %arg9[%get3A_167] {strides = array<i32>} : memref<2000xi32, #tpu.memory_space<vmem>>, vector<16xi32>,
        %gather3A_169 = tpu.vector_load_idx %arg7[%get3A_168] : memref<100352xf32, #tpu.memory_space<vmem>>[vector<16xi32>], vector<16xf32>,
        %swap3A_170 = arith.index_cast %add3A_166 : i32 to index
        %swap3A_171 = tpu.vector_load %arg17[%swap3A_170] {strides = array<i32>} : memref<2000xf32, #tpu.memory_space<vmem>>, vector<16xf32>,
        tpu.vector_store %arg17[%swap3A_170], %gather3A_169 {strides = array<i32>} : memref<2000xf32, #tpu.memory_space<vmem>>, vector<16xf32>,
        %mul3A_172 = arith.constant 80 : i32
        %mul3A_173 = arith.muli %scan3A_138, %mul3A_172 : i32
        %add3A_174 = arith.constant 64 : i32
        %add3A_175 = arith.addi %mul3A_173, %add3A_174 : i32
        %get3A_176 = arith.index_cast %add3A_175 : i32 to index
        %get3A_177 = tpu.vector_load %arg9[%get3A_176] {strides = array<i32>} : memref<2000xi32, #tpu.memory_space<vmem>>, vector<16xi32>,
        %gather3A_178 = tpu.vector_load_idx %arg7[%get3A_177] : memref<100352xf32, #tpu.memory_space<vmem>>[vector<16xi32>], vector<16xf32>,
        %swap3A_179 = arith.index_cast %add3A_175 : i32 to index
        %swap3A_180 = tpu.vector_load %arg17[%swap3A_179] {strides = array<i32>} : memref<2000xf32, #tpu.memory_space<vmem>>, vector<16xf32>,
        tpu.vector_store %arg17[%swap3A_179], %gather3A_178 {strides = array<i32>} : memref<2000xf32, #tpu.memory_space<vmem>>, vector<16xf32>,
      }
      %scan3A_129 = arith.constant 25 : i32
      %dma_wait3A_130 = tpu.memref_slice %arg3[%add3A_98] : memref<6400000xi32, #tpu.memory_space<hbm>> -> memref<2000xi32, #tpu.memory_space<hbm>>
      %dma_wait3A_131 = tpu.memref_slice %arg3[%add3A_98] : memref<6400000xi32, #tpu.memory_space<hbm>> -> memref<2000xi32, #tpu.memory_space<hbm>>
      tpu.wait_dma2 semaphore(%arg22 : memref<!tpu.dma_semaphore, #tpu.memory_space<semaphore_mem>>) src(%dma_wait3A_131 : memref<2000xi32, #tpu.memory_space<hbm>>) dst(%arg12 : memref<2000xi32, #tpu.memory_space<vmem>>)
      %dma_start3A_132 = arith.constant 0 : i32
      %dma_start3A_133 = tpu.memref_slice %arg6[%dma_start3A_132] : memref<100352xf32, #tpu.memory_space<vmem_shared>> -> memref<100352xf32, #tpu.memory_space<vmem_shared>>
      tpu.enqueue_indirect_dma source(%arg16 : memref<2000xf32, #tpu.memory_space<vmem>>) target(%dma_start3A_133 : memref<100352xf32, #tpu.memory_space<vmem_shared>>) offsets(%arg12 : memref<2000xi32, #tpu.memory_space<vmem>>) semaphore(%arg26 : memref<!tpu.dma_semaphore, #tpu.memory_space<semaphore_mem>>) {add = true}
      %dma_wait3A_134 = tpu.memref_slice %arg3[%add3A_100] : memref<6400000xi32, #tpu.memory_space<hbm>> -> memref<2000xi32, #tpu.memory_space<hbm>>
      %dma_wait3A_135 = tpu.memref_slice %arg3[%add3A_100] : memref<6400000xi32, #tpu.memory_space<hbm>> -> memref<2000xi32, #tpu.memory_space<hbm>>
      tpu.wait_dma2 semaphore(%arg23 : memref<!tpu.dma_semaphore, #tpu.memory_space<semaphore_mem>>) src(%dma_wait3A_135 : memref<2000xi32, #tpu.memory_space<hbm>>) dst(%arg13 : memref<2000xi32, #tpu.memory_space<vmem>>)
      %dma_start3A_136 = arith.constant 0 : i32
      %dma_start3A_137 = tpu.memref_slice %arg6[%dma_start3A_136] : memref<100352xf32, #tpu.memory_space<vmem_shared>> -> memref<100352xf32, #tpu.memory_space<vmem_shared>>
      tpu.enqueue_indirect_dma source(%arg17 : memref<2000xf32, #tpu.memory_space<vmem>>) target(%dma_start3A_137 : memref<100352xf32, #tpu.memory_space<vmem_shared>>) offsets(%arg13 : memref<2000xi32, #tpu.memory_space<vmem>>) semaphore(%arg27 : memref<!tpu.dma_semaphore, #tpu.memory_space<semaphore_mem>>) {add = true}
    }
    %scan3A_24 = arith.constant 25 : i32
    %dma_wait3A = arith.constant 0 : i32
    %dma_wait3A_25 = tpu.memref_slice %arg6[%dma_wait3A] : memref<100352xf32, #tpu.memory_space<vmem_shared>> -> memref<100352xf32, #tpu.memory_space<vmem_shared>>
    tpu.wait_indirect_dma semaphore(%arg24 : memref<!tpu.dma_semaphore, #tpu.memory_space<semaphore_mem>>) src(%arg14 : memref<2000xf32, #tpu.memory_space<vmem>>) dst(%dma_wait3A_25 : memref<100352xf32, #tpu.memory_space<vmem_shared>>)
    %dma_wait3A_26 = arith.constant 0 : i32
    %dma_wait3A_27 = tpu.memref_slice %arg6[%dma_wait3A_26] : memref<100352xf32, #tpu.memory_space<vmem_shared>> -> memref<100352xf32, #tpu.memory_space<vmem_shared>>
    tpu.wait_indirect_dma semaphore(%arg25 : memref<!tpu.dma_semaphore, #tpu.memory_space<semaphore_mem>>) src(%arg15 : memref<2000xf32, #tpu.memory_space<vmem>>) dst(%dma_wait3A_27 : memref<100352xf32, #tpu.memory_space<vmem_shared>>)
    %dma_wait3A_28 = arith.constant 0 : i32
    %dma_wait3A_29 = tpu.memref_slice %arg6[%dma_wait3A_28] : memref<100352xf32, #tpu.memory_space<vmem_shared>> -> memref<100352xf32, #tpu.memory_space<vmem_shared>>
    tpu.wait_indirect_dma semaphore(%arg26 : memref<!tpu.dma_semaphore, #tpu.memory_space<semaphore_mem>>) src(%arg16 : memref<2000xf32, #tpu.memory_space<vmem>>) dst(%dma_wait3A_29 : memref<100352xf32, #tpu.memory_space<vmem_shared>>)
    %dma_wait3A_30 = arith.constant 0 : i32
    %dma_wait3A_31 = tpu.memref_slice %arg6[%dma_wait3A_30] : memref<100352xf32, #tpu.memory_space<vmem_shared>> -> memref<100352xf32, #tpu.memory_space<vmem_shared>>
    tpu.wait_indirect_dma semaphore(%arg27 : memref<!tpu.dma_semaphore, #tpu.memory_space<semaphore_mem>>) src(%arg17 : memref<2000xf32, #tpu.memory_space<vmem>>) dst(%dma_wait3A_31 : memref<100352xf32, #tpu.memory_space<vmem_shared>>)
    %barrier3A_32 = arith.constant 0 : index
    tpu.barrier barrier_id(%barrier3A_32)
    %add3A_33 = arith.constant 0 : i32
    %add3A_34 = arith.addi %mul3A_2, %add3A_33 : i32
    "tpu.region"() ({
      %run_scoped3A = tpu.sem_alloc : memref<!tpu.dma_semaphore, #tpu.memory_space<semaphore_mem>>
      %dma_start3A = arith.constant 0 : i32
      %dma_start3A_49 = tpu.memref_slice %arg14[%dma_start3A] : memref<2000xf32, #tpu.memory_space<vmem>> -> memref<1920xf32, #tpu.memory_space<vmem>>
      %dma_start3A_50 = tpu.memref_slice %arg6[%add3A_34] : memref<100352xf32, #tpu.memory_space<vmem_shared>> -> memref<1920xf32, #tpu.memory_space<vmem_shared>>
      %dma_start3A_51 = arith.constant 0 : i32
      %dma_start3A_52 = tpu.memref_slice %arg14[%dma_start3A_51] : memref<2000xf32, #tpu.memory_space<vmem>> -> memref<1920xf32, #tpu.memory_space<vmem>>
      %dma_start3A_53 = tpu.memref_slice %arg6[%add3A_34] : memref<100352xf32, #tpu.memory_space<vmem_shared>> -> memref<1920xf32, #tpu.memory_space<vmem_shared>>
      tpu.enqueue_dma source(%dma_start3A_53 : memref<1920xf32, #tpu.memory_space<vmem_shared>>) target(%dma_start3A_52 : memref<1920xf32, #tpu.memory_space<vmem>>) target_semaphore(%run_scoped3A : memref<!tpu.dma_semaphore, #tpu.memory_space<semaphore_mem>>)
      %dma_wait3A_54 = arith.constant 0 : i32
      %dma_wait3A_55 = tpu.memref_slice %arg14[%dma_wait3A_54] : memref<2000xf32, #tpu.memory_space<vmem>> -> memref<1920xf32, #tpu.memory_space<vmem>>
      %dma_wait3A_56 = tpu.memref_slice %arg6[%add3A_34] : memref<100352xf32, #tpu.memory_space<vmem_shared>> -> memref<1920xf32, #tpu.memory_space<vmem_shared>>
      %dma_wait3A_57 = arith.constant 0 : i32
      %dma_wait3A_58 = tpu.memref_slice %arg14[%dma_wait3A_57] : memref<2000xf32, #tpu.memory_space<vmem>> -> memref<1920xf32, #tpu.memory_space<vmem>>
      %dma_wait3A_59 = tpu.memref_slice %arg6[%add3A_34] : memref<100352xf32, #tpu.memory_space<vmem_shared>> -> memref<1920xf32, #tpu.memory_space<vmem_shared>>
      tpu.wait_dma2 semaphore(%run_scoped3A : memref<!tpu.dma_semaphore, #tpu.memory_space<semaphore_mem>>) src(%dma_wait3A_59 : memref<1920xf32, #tpu.memory_space<vmem_shared>>) dst(%dma_wait3A_58 : memref<1920xf32, #tpu.memory_space<vmem>>)
      tpu.yield
    }) : () -> ()
    %add3A_35 = arith.constant 0 : i32
    %add3A_36 = arith.addi %mul3A_2, %add3A_35 : i32
    "tpu.region"() ({
      %run_scoped3A = tpu.sem_alloc : memref<!tpu.dma_semaphore, #tpu.memory_space<semaphore_mem>>
      %dma_start3A = arith.constant 0 : i32
      %dma_start3A_49 = tpu.memref_slice %arg14[%dma_start3A] : memref<2000xf32, #tpu.memory_space<vmem>> -> memref<1920xf32, #tpu.memory_space<vmem>>
      %dma_start3A_50 = arith.constant 0 : i32
      %dma_start3A_51 = tpu.memref_slice %arg5[%arg0, %dma_start3A_50] : memref<2x100352xf32, #tpu.memory_space<hbm>> -> memref<1x100352xf32, #tpu.memory_space<hbm>>
      %dma_start3A_52 = tpu.memref_squeeze %dma_start3A_51 : memref<1x100352xf32, #tpu.memory_space<hbm>> -> memref<100352xf32, #tpu.memory_space<hbm>>
      %dma_start3A_53 = tpu.memref_slice %dma_start3A_52[%add3A_36] : memref<100352xf32, #tpu.memory_space<hbm>> -> memref<1920xf32, #tpu.memory_space<hbm>>
      %dma_start3A_54 = arith.constant 0 : i32
      %dma_start3A_55 = tpu.memref_slice %arg5[%arg0, %dma_start3A_54] : memref<2x100352xf32, #tpu.memory_space<hbm>> -> memref<1x100352xf32, #tpu.memory_space<hbm>>
      %dma_start3A_56 = tpu.memref_squeeze %dma_start3A_55 : memref<1x100352xf32, #tpu.memory_space<hbm>> -> memref<100352xf32, #tpu.memory_space<hbm>>
      %dma_start3A_57 = tpu.memref_slice %dma_start3A_56[%add3A_36] : memref<100352xf32, #tpu.memory_space<hbm>> -> memref<1920xf32, #tpu.memory_space<hbm>>
      %dma_start3A_58 = arith.constant 0 : i32
      %dma_start3A_59 = tpu.memref_slice %arg14[%dma_start3A_58] : memref<2000xf32, #tpu.memory_space<vmem>> -> memref<1920xf32, #tpu.memory_space<vmem>>
      tpu.enqueue_dma source(%dma_start3A_59 : memref<1920xf32, #tpu.memory_space<vmem>>) target(%dma_start3A_57 : memref<1920xf32, #tpu.memory_space<hbm>>) target_semaphore(%run_scoped3A : memref<!tpu.dma_semaphore, #tpu.memory_space<semaphore_mem>>)
      %dma_wait3A_60 = arith.constant 0 : i32
      %dma_wait3A_61 = tpu.memref_slice %arg14[%dma_wait3A_60] : memref<2000xf32, #tpu.memory_space<vmem>> -> memref<1920xf32, #tpu.memory_space<vmem>>
      %dma_wait3A_62 = arith.constant 0 : i32
      %dma_wait3A_63 = tpu.memref_slice %arg5[%arg0, %dma_wait3A_62] : memref<2x100352xf32, #tpu.memory_space<hbm>> -> memref<1x100352xf32, #tpu.memory_space<hbm>>
      %dma_wait3A_64 = tpu.memref_squeeze %dma_wait3A_63 : memref<1x100352xf32, #tpu.memory_space<hbm>> -> memref<100352xf32, #tpu.memory_space<hbm>>
      %dma_wait3A_65 = tpu.memref_slice %dma_wait3A_64[%add3A_36] : memref<100352xf32, #tpu.memory_space<hbm>> -> memref<1920xf32, #tpu.memory_space<hbm>>
      %dma_wait3A_66 = arith.constant 0 : i32
      %dma_wait3A_67 = tpu.memref_slice %arg5[%arg0, %dma_wait3A_66] : memref<2x100352xf32, #tpu.memory_space<hbm>> -> memref<1x100352xf32, #tpu.memory_space<hbm>>
      %dma_wait3A_68 = tpu.memref_squeeze %dma_wait3A_67 : memref<1x100352xf32, #tpu.memory_space<hbm>> -> memref<100352xf32, #tpu.memory_space<hbm>>
      %dma_wait3A_69 = tpu.memref_slice %dma_wait3A_68[%add3A_36] : memref<100352xf32, #tpu.memory_space<hbm>> -> memref<1920xf32, #tpu.memory_space<hbm>>
      %dma_wait3A_70 = arith.constant 0 : i32
      %dma_wait3A_71 = tpu.memref_slice %arg14[%dma_wait3A_70] : memref<2000xf32, #tpu.memory_space<vmem>> -> memref<1920xf32, #tpu.memory_space<vmem>>
      tpu.wait_dma2 semaphore(%run_scoped3A : memref<!tpu.dma_semaphore, #tpu.memory_space<semaphore_mem>>) src(%dma_wait3A_71 : memref<1920xf32, #tpu.memory_space<vmem>>) dst(%dma_wait3A_69 : memref<1920xf32, #tpu.memory_space<hbm>>)
      tpu.yield
    }) : () -> ()
    %add3A_37 = arith.constant 1920 : i32
    %add3A_38 = arith.addi %mul3A_2, %add3A_37 : i32
    "tpu.region"() ({
      %run_scoped3A = tpu.sem_alloc : memref<!tpu.dma_semaphore, #tpu.memory_space<semaphore_mem>>
      %dma_start3A = arith.constant 0 : i32
      %dma_start3A_49 = tpu.memref_slice %arg14[%dma_start3A] : memref<2000xf32, #tpu.memory_space<vmem>> -> memref<1920xf32, #tpu.memory_space<vmem>>
      %dma_start3A_50 = tpu.memref_slice %arg6[%add3A_38] : memref<100352xf32, #tpu.memory_space<vmem_shared>> -> memref<1920xf32, #tpu.memory_space<vmem_shared>>
      %dma_start3A_51 = arith.constant 0 : i32
      %dma_start3A_52 = tpu.memref_slice %arg14[%dma_start3A_51] : memref<2000xf32, #tpu.memory_space<vmem>> -> memref<1920xf32, #tpu.memory_space<vmem>>
      %dma_start3A_53 = tpu.memref_slice %arg6[%add3A_38] : memref<100352xf32, #tpu.memory_space<vmem_shared>> -> memref<1920xf32, #tpu.memory_space<vmem_shared>>
      tpu.enqueue_dma source(%dma_start3A_53 : memref<1920xf32, #tpu.memory_space<vmem_shared>>) target(%dma_start3A_52 : memref<1920xf32, #tpu.memory_space<vmem>>) target_semaphore(%run_scoped3A : memref<!tpu.dma_semaphore, #tpu.memory_space<semaphore_mem>>)
      %dma_wait3A_54 = arith.constant 0 : i32
      %dma_wait3A_55 = tpu.memref_slice %arg14[%dma_wait3A_54] : memref<2000xf32, #tpu.memory_space<vmem>> -> memref<1920xf32, #tpu.memory_space<vmem>>
      %dma_wait3A_56 = tpu.memref_slice %arg6[%add3A_38] : memref<100352xf32, #tpu.memory_space<vmem_shared>> -> memref<1920xf32, #tpu.memory_space<vmem_shared>>
      %dma_wait3A_57 = arith.constant 0 : i32
      %dma_wait3A_58 = tpu.memref_slice %arg14[%dma_wait3A_57] : memref<2000xf32, #tpu.memory_space<vmem>> -> memref<1920xf32, #tpu.memory_space<vmem>>
      %dma_wait3A_59 = tpu.memref_slice %arg6[%add3A_38] : memref<100352xf32, #tpu.memory_space<vmem_shared>> -> memref<1920xf32, #tpu.memory_space<vmem_shared>>
      tpu.wait_dma2 semaphore(%run_scoped3A : memref<!tpu.dma_semaphore, #tpu.memory_space<semaphore_mem>>) src(%dma_wait3A_59 : memref<1920xf32, #tpu.memory_space<vmem_shared>>) dst(%dma_wait3A_58 : memref<1920xf32, #tpu.memory_space<vmem>>)
      tpu.yield
    }) : () -> ()
    %add3A_39 = arith.constant 1920 : i32
    %add3A_40 = arith.addi %mul3A_2, %add3A_39 : i32
    "tpu.region"() ({
      %run_scoped3A = tpu.sem_alloc : memref<!tpu.dma_semaphore, #tpu.memory_space<semaphore_mem>>
      %dma_start3A = arith.constant 0 : i32
      %dma_start3A_49 = tpu.memref_slice %arg14[%dma_start3A] : memref<2000xf32, #tpu.memory_space<vmem>> -> memref<1920xf32, #tpu.memory_space<vmem>>
      %dma_start3A_50 = arith.constant 0 : i32
      %dma_start3A_51 = tpu.memref_slice %arg5[%arg0, %dma_start3A_50] : memref<2x100352xf32, #tpu.memory_space<hbm>> -> memref<1x100352xf32, #tpu.memory_space<hbm>>
      %dma_start3A_52 = tpu.memref_squeeze %dma_start3A_51 : memref<1x100352xf32, #tpu.memory_space<hbm>> -> memref<100352xf32, #tpu.memory_space<hbm>>
      %dma_start3A_53 = tpu.memref_slice %dma_start3A_52[%add3A_40] : memref<100352xf32, #tpu.memory_space<hbm>> -> memref<1920xf32, #tpu.memory_space<hbm>>
      %dma_start3A_54 = arith.constant 0 : i32
      %dma_start3A_55 = tpu.memref_slice %arg5[%arg0, %dma_start3A_54] : memref<2x100352xf32, #tpu.memory_space<hbm>> -> memref<1x100352xf32, #tpu.memory_space<hbm>>
      %dma_start3A_56 = tpu.memref_squeeze %dma_start3A_55 : memref<1x100352xf32, #tpu.memory_space<hbm>> -> memref<100352xf32, #tpu.memory_space<hbm>>
      %dma_start3A_57 = tpu.memref_slice %dma_start3A_56[%add3A_40] : memref<100352xf32, #tpu.memory_space<hbm>> -> memref<1920xf32, #tpu.memory_space<hbm>>
      %dma_start3A_58 = arith.constant 0 : i32
      %dma_start3A_59 = tpu.memref_slice %arg14[%dma_start3A_58] : memref<2000xf32, #tpu.memory_space<vmem>> -> memref<1920xf32, #tpu.memory_space<vmem>>
      tpu.enqueue_dma source(%dma_start3A_59 : memref<1920xf32, #tpu.memory_space<vmem>>) target(%dma_start3A_57 : memref<1920xf32, #tpu.memory_space<hbm>>) target_semaphore(%run_scoped3A : memref<!tpu.dma_semaphore, #tpu.memory_space<semaphore_mem>>)
      %dma_wait3A_60 = arith.constant 0 : i32
      %dma_wait3A_61 = tpu.memref_slice %arg14[%dma_wait3A_60] : memref<2000xf32, #tpu.memory_space<vmem>> -> memref<1920xf32, #tpu.memory_space<vmem>>
      %dma_wait3A_62 = arith.constant 0 : i32
      %dma_wait3A_63 = tpu.memref_slice %arg5[%arg0, %dma_wait3A_62] : memref<2x100352xf32, #tpu.memory_space<hbm>> -> memref<1x100352xf32, #tpu.memory_space<hbm>>
      %dma_wait3A_64 = tpu.memref_squeeze %dma_wait3A_63 : memref<1x100352xf32, #tpu.memory_space<hbm>> -> memref<100352xf32, #tpu.memory_space<hbm>>
      %dma_wait3A_65 = tpu.memref_slice %dma_wait3A_64[%add3A_40] : memref<100352xf32, #tpu.memory_space<hbm>> -> memref<1920xf32, #tpu.memory_space<hbm>>
      %dma_wait3A_66 = arith.constant 0 : i32
      %dma_wait3A_67 = tpu.memref_slice %arg5[%arg0, %dma_wait3A_66] : memref<2x100352xf32, #tpu.memory_space<hbm>> -> memref<1x100352xf32, #tpu.memory_space<hbm>>
      %dma_wait3A_68 = tpu.memref_squeeze %dma_wait3A_67 : memref<1x100352xf32, #tpu.memory_space<hbm>> -> memref<100352xf32, #tpu.memory_space<hbm>>
      %dma_wait3A_69 = tpu.memref_slice %dma_wait3A_68[%add3A_40] : memref<100352xf32, #tpu.memory_space<hbm>> -> memref<1920xf32, #tpu.memory_space<hbm>>
      %dma_wait3A_70 = arith.constant 0 : i32
      %dma_wait3A_71 = tpu.memref_slice %arg14[%dma_wait3A_70] : memref<2000xf32, #tpu.memory_space<vmem>> -> memref<1920xf32, #tpu.memory_space<vmem>>
      tpu.wait_dma2 semaphore(%run_scoped3A : memref<!tpu.dma_semaphore, #tpu.memory_space<semaphore_mem>>) src(%dma_wait3A_71 : memref<1920xf32, #tpu.memory_space<vmem>>) dst(%dma_wait3A_69 : memref<1920xf32, #tpu.memory_space<hbm>>)
      tpu.yield
    }) : () -> ()
    %add3A_41 = arith.constant 3840 : i32
    %add3A_42 = arith.addi %mul3A_2, %add3A_41 : i32
    "tpu.region"() ({
      %run_scoped3A = tpu.sem_alloc : memref<!tpu.dma_semaphore, #tpu.memory_space<semaphore_mem>>
      %dma_start3A = arith.constant 0 : i32
      %dma_start3A_49 = tpu.memref_slice %arg14[%dma_start3A] : memref<2000xf32, #tpu.memory_space<vmem>> -> memref<1920xf32, #tpu.memory_space<vmem>>
      %dma_start3A_50 = tpu.memref_slice %arg6[%add3A_42] : memref<100352xf32, #tpu.memory_space<vmem_shared>> -> memref<1920xf32, #tpu.memory_space<vmem_shared>>
      %dma_start3A_51 = arith.constant 0 : i32
      %dma_start3A_52 = tpu.memref_slice %arg14[%dma_start3A_51] : memref<2000xf32, #tpu.memory_space<vmem>> -> memref<1920xf32, #tpu.memory_space<vmem>>
      %dma_start3A_53 = tpu.memref_slice %arg6[%add3A_42] : memref<100352xf32, #tpu.memory_space<vmem_shared>> -> memref<1920xf32, #tpu.memory_space<vmem_shared>>
      tpu.enqueue_dma source(%dma_start3A_53 : memref<1920xf32, #tpu.memory_space<vmem_shared>>) target(%dma_start3A_52 : memref<1920xf32, #tpu.memory_space<vmem>>) target_semaphore(%run_scoped3A : memref<!tpu.dma_semaphore, #tpu.memory_space<semaphore_mem>>)
      %dma_wait3A_54 = arith.constant 0 : i32
      %dma_wait3A_55 = tpu.memref_slice %arg14[%dma_wait3A_54] : memref<2000xf32, #tpu.memory_space<vmem>> -> memref<1920xf32, #tpu.memory_space<vmem>>
      %dma_wait3A_56 = tpu.memref_slice %arg6[%add3A_42] : memref<100352xf32, #tpu.memory_space<vmem_shared>> -> memref<1920xf32, #tpu.memory_space<vmem_shared>>
      %dma_wait3A_57 = arith.constant 0 : i32
      %dma_wait3A_58 = tpu.memref_slice %arg14[%dma_wait3A_57] : memref<2000xf32, #tpu.memory_space<vmem>> -> memref<1920xf32, #tpu.memory_space<vmem>>
      %dma_wait3A_59 = tpu.memref_slice %arg6[%add3A_42] : memref<100352xf32, #tpu.memory_space<vmem_shared>> -> memref<1920xf32, #tpu.memory_space<vmem_shared>>
      tpu.wait_dma2 semaphore(%run_scoped3A : memref<!tpu.dma_semaphore, #tpu.memory_space<semaphore_mem>>) src(%dma_wait3A_59 : memref<1920xf32, #tpu.memory_space<vmem_shared>>) dst(%dma_wait3A_58 : memref<1920xf32, #tpu.memory_space<vmem>>)
      tpu.yield
    }) : () -> ()
    %add3A_43 = arith.constant 3840 : i32
    %add3A_44 = arith.addi %mul3A_2, %add3A_43 : i32
    "tpu.region"() ({
      %run_scoped3A = tpu.sem_alloc : memref<!tpu.dma_semaphore, #tpu.memory_space<semaphore_mem>>
      %dma_start3A = arith.constant 0 : i32
      %dma_start3A_49 = tpu.memref_slice %arg14[%dma_start3A] : memref<2000xf32, #tpu.memory_space<vmem>> -> memref<1920xf32, #tpu.memory_space<vmem>>
      %dma_start3A_50 = arith.constant 0 : i32
      %dma_start3A_51 = tpu.memref_slice %arg5[%arg0, %dma_start3A_50] : memref<2x100352xf32, #tpu.memory_space<hbm>> -> memref<1x100352xf32, #tpu.memory_space<hbm>>
      %dma_start3A_52 = tpu.memref_squeeze %dma_start3A_51 : memref<1x100352xf32, #tpu.memory_space<hbm>> -> memref<100352xf32, #tpu.memory_space<hbm>>
      %dma_start3A_53 = tpu.memref_slice %dma_start3A_52[%add3A_44] : memref<100352xf32, #tpu.memory_space<hbm>> -> memref<1920xf32, #tpu.memory_space<hbm>>
      %dma_start3A_54 = arith.constant 0 : i32
      %dma_start3A_55 = tpu.memref_slice %arg5[%arg0, %dma_start3A_54] : memref<2x100352xf32, #tpu.memory_space<hbm>> -> memref<1x100352xf32, #tpu.memory_space<hbm>>
      %dma_start3A_56 = tpu.memref_squeeze %dma_start3A_55 : memref<1x100352xf32, #tpu.memory_space<hbm>> -> memref<100352xf32, #tpu.memory_space<hbm>>
      %dma_start3A_57 = tpu.memref_slice %dma_start3A_56[%add3A_44] : memref<100352xf32, #tpu.memory_space<hbm>> -> memref<1920xf32, #tpu.memory_space<hbm>>
      %dma_start3A_58 = arith.constant 0 : i32
      %dma_start3A_59 = tpu.memref_slice %arg14[%dma_start3A_58] : memref<2000xf32, #tpu.memory_space<vmem>> -> memref<1920xf32, #tpu.memory_space<vmem>>
      tpu.enqueue_dma source(%dma_start3A_59 : memref<1920xf32, #tpu.memory_space<vmem>>) target(%dma_start3A_57 : memref<1920xf32, #tpu.memory_space<hbm>>) target_semaphore(%run_scoped3A : memref<!tpu.dma_semaphore, #tpu.memory_space<semaphore_mem>>)
      %dma_wait3A_60 = arith.constant 0 : i32
      %dma_wait3A_61 = tpu.memref_slice %arg14[%dma_wait3A_60] : memref<2000xf32, #tpu.memory_space<vmem>> -> memref<1920xf32, #tpu.memory_space<vmem>>
      %dma_wait3A_62 = arith.constant 0 : i32
      %dma_wait3A_63 = tpu.memref_slice %arg5[%arg0, %dma_wait3A_62] : memref<2x100352xf32, #tpu.memory_space<hbm>> -> memref<1x100352xf32, #tpu.memory_space<hbm>>
      %dma_wait3A_64 = tpu.memref_squeeze %dma_wait3A_63 : memref<1x100352xf32, #tpu.memory_space<hbm>> -> memref<100352xf32, #tpu.memory_space<hbm>>
      %dma_wait3A_65 = tpu.memref_slice %dma_wait3A_64[%add3A_44] : memref<100352xf32, #tpu.memory_space<hbm>> -> memref<1920xf32, #tpu.memory_space<hbm>>
      %dma_wait3A_66 = arith.constant 0 : i32
      %dma_wait3A_67 = tpu.memref_slice %arg5[%arg0, %dma_wait3A_66] : memref<2x100352xf32, #tpu.memory_space<hbm>> -> memref<1x100352xf32, #tpu.memory_space<hbm>>
      %dma_wait3A_68 = tpu.memref_squeeze %dma_wait3A_67 : memref<1x100352xf32, #tpu.memory_space<hbm>> -> memref<100352xf32, #tpu.memory_space<hbm>>
      %dma_wait3A_69 = tpu.memref_slice %dma_wait3A_68[%add3A_44] : memref<100352xf32, #tpu.memory_space<hbm>> -> memref<1920xf32, #tpu.memory_space<hbm>>
      %dma_wait3A_70 = arith.constant 0 : i32
      %dma_wait3A_71 = tpu.memref_slice %arg14[%dma_wait3A_70] : memref<2000xf32, #tpu.memory_space<vmem>> -> memref<1920xf32, #tpu.memory_space<vmem>>
      tpu.wait_dma2 semaphore(%run_scoped3A : memref<!tpu.dma_semaphore, #tpu.memory_space<semaphore_mem>>) src(%dma_wait3A_71 : memref<1920xf32, #tpu.memory_space<vmem>>) dst(%dma_wait3A_69 : memref<1920xf32, #tpu.memory_space<hbm>>)
      tpu.yield
    }) : () -> ()
    %add3A_45 = arith.constant 5760 : i32
    %add3A_46 = arith.addi %mul3A_2, %add3A_45 : i32
    "tpu.region"() ({
      %run_scoped3A = tpu.sem_alloc : memref<!tpu.dma_semaphore, #tpu.memory_space<semaphore_mem>>
      %dma_start3A = arith.constant 0 : i32
      %dma_start3A_49 = tpu.memref_slice %arg14[%dma_start3A] : memref<2000xf32, #tpu.memory_space<vmem>> -> memref<512xf32, #tpu.memory_space<vmem>>
      %dma_start3A_50 = tpu.memref_slice %arg6[%add3A_46] : memref<100352xf32, #tpu.memory_space<vmem_shared>> -> memref<512xf32, #tpu.memory_space<vmem_shared>>
      %dma_start3A_51 = arith.constant 0 : i32
      %dma_start3A_52 = tpu.memref_slice %arg14[%dma_start3A_51] : memref<2000xf32, #tpu.memory_space<vmem>> -> memref<512xf32, #tpu.memory_space<vmem>>
      %dma_start3A_53 = tpu.memref_slice %arg6[%add3A_46] : memref<100352xf32, #tpu.memory_space<vmem_shared>> -> memref<512xf32, #tpu.memory_space<vmem_shared>>
      tpu.enqueue_dma source(%dma_start3A_53 : memref<512xf32, #tpu.memory_space<vmem_shared>>) target(%dma_start3A_52 : memref<512xf32, #tpu.memory_space<vmem>>) target_semaphore(%run_scoped3A : memref<!tpu.dma_semaphore, #tpu.memory_space<semaphore_mem>>)
      %dma_wait3A_54 = arith.constant 0 : i32
      %dma_wait3A_55 = tpu.memref_slice %arg14[%dma_wait3A_54] : memref<2000xf32, #tpu.memory_space<vmem>> -> memref<512xf32, #tpu.memory_space<vmem>>
      %dma_wait3A_56 = tpu.memref_slice %arg6[%add3A_46] : memref<100352xf32, #tpu.memory_space<vmem_shared>> -> memref<512xf32, #tpu.memory_space<vmem_shared>>
      %dma_wait3A_57 = arith.constant 0 : i32
      %dma_wait3A_58 = tpu.memref_slice %arg14[%dma_wait3A_57] : memref<2000xf32, #tpu.memory_space<vmem>> -> memref<512xf32, #tpu.memory_space<vmem>>
      %dma_wait3A_59 = tpu.memref_slice %arg6[%add3A_46] : memref<100352xf32, #tpu.memory_space<vmem_shared>> -> memref<512xf32, #tpu.memory_space<vmem_shared>>
      tpu.wait_dma2 semaphore(%run_scoped3A : memref<!tpu.dma_semaphore, #tpu.memory_space<semaphore_mem>>) src(%dma_wait3A_59 : memref<512xf32, #tpu.memory_space<vmem_shared>>) dst(%dma_wait3A_58 : memref<512xf32, #tpu.memory_space<vmem>>)
      tpu.yield
    }) : () -> ()
    %add3A_47 = arith.constant 5760 : i32
    %add3A_48 = arith.addi %mul3A_2, %add3A_47 : i32
    "tpu.region"() ({
      %run_scoped3A = tpu.sem_alloc : memref<!tpu.dma_semaphore, #tpu.memory_space<semaphore_mem>>
      %dma_start3A = arith.constant 0 : i32
      %dma_start3A_49 = tpu.memref_slice %arg14[%dma_start3A] : memref<2000xf32, #tpu.memory_space<vmem>> -> memref<512xf32, #tpu.memory_space<vmem>>
      %dma_start3A_50 = arith.constant 0 : i32
      %dma_start3A_51 = tpu.memref_slice %arg5[%arg0, %dma_start3A_50] : memref<2x100352xf32, #tpu.memory_space<hbm>> -> memref<1x100352xf32, #tpu.memory_space<hbm>>
      %dma_start3A_52 = tpu.memref_squeeze %dma_start3A_51 : memref<1x100352xf32, #tpu.memory_space<hbm>> -> memref<100352xf32, #tpu.memory_space<hbm>>
      %dma_start3A_53 = tpu.memref_slice %dma_start3A_52[%add3A_48] : memref<100352xf32, #tpu.memory_space<hbm>> -> memref<512xf32, #tpu.memory_space<hbm>>
      %dma_start3A_54 = arith.constant 0 : i32
      %dma_start3A_55 = tpu.memref_slice %arg5[%arg0, %dma_start3A_54] : memref<2x100352xf32, #tpu.memory_space<hbm>> -> memref<1x100352xf32, #tpu.memory_space<hbm>>
      %dma_start3A_56 = tpu.memref_squeeze %dma_start3A_55 : memref<1x100352xf32, #tpu.memory_space<hbm>> -> memref<100352xf32, #tpu.memory_space<hbm>>
      %dma_start3A_57 = tpu.memref_slice %dma_start3A_56[%add3A_48] : memref<100352xf32, #tpu.memory_space<hbm>> -> memref<512xf32, #tpu.memory_space<hbm>>
      %dma_start3A_58 = arith.constant 0 : i32
      %dma_start3A_59 = tpu.memref_slice %arg14[%dma_start3A_58] : memref<2000xf32, #tpu.memory_space<vmem>> -> memref<512xf32, #tpu.memory_space<vmem>>
      tpu.enqueue_dma source(%dma_start3A_59 : memref<512xf32, #tpu.memory_space<vmem>>) target(%dma_start3A_57 : memref<512xf32, #tpu.memory_space<hbm>>) target_semaphore(%run_scoped3A : memref<!tpu.dma_semaphore, #tpu.memory_space<semaphore_mem>>)
      %dma_wait3A_60 = arith.constant 0 : i32
      %dma_wait3A_61 = tpu.memref_slice %arg14[%dma_wait3A_60] : memref<2000xf32, #tpu.memory_space<vmem>> -> memref<512xf32, #tpu.memory_space<vmem>>
      %dma_wait3A_62 = arith.constant 0 : i32
      %dma_wait3A_63 = tpu.memref_slice %arg5[%arg0, %dma_wait3A_62] : memref<2x100352xf32, #tpu.memory_space<hbm>> -> memref<1x100352xf32, #tpu.memory_space<hbm>>
      %dma_wait3A_64 = tpu.memref_squeeze %dma_wait3A_63 : memref<1x100352xf32, #tpu.memory_space<hbm>> -> memref<100352xf32, #tpu.memory_space<hbm>>
      %dma_wait3A_65 = tpu.memref_slice %dma_wait3A_64[%add3A_48] : memref<100352xf32, #tpu.memory_space<hbm>> -> memref<512xf32, #tpu.memory_space<hbm>>
      %dma_wait3A_66 = arith.constant 0 : i32
      %dma_wait3A_67 = tpu.memref_slice %arg5[%arg0, %dma_wait3A_66] : memref<2x100352xf32, #tpu.memory_space<hbm>> -> memref<1x100352xf32, #tpu.memory_space<hbm>>
      %dma_wait3A_68 = tpu.memref_squeeze %dma_wait3A_67 : memref<1x100352xf32, #tpu.memory_space<hbm>> -> memref<100352xf32, #tpu.memory_space<hbm>>
      %dma_wait3A_69 = tpu.memref_slice %dma_wait3A_68[%add3A_48] : memref<100352xf32, #tpu.memory_space<hbm>> -> memref<512xf32, #tpu.memory_space<hbm>>
      %dma_wait3A_70 = arith.constant 0 : i32
      %dma_wait3A_71 = tpu.memref_slice %arg14[%dma_wait3A_70] : memref<2000xf32, #tpu.memory_space<vmem>> -> memref<512xf32, #tpu.memory_space<vmem>>
      tpu.wait_dma2 semaphore(%run_scoped3A : memref<!tpu.dma_semaphore, #tpu.memory_space<semaphore_mem>>) src(%dma_wait3A_71 : memref<512xf32, #tpu.memory_space<vmem>>) dst(%dma_wait3A_69 : memref<512xf32, #tpu.memory_space<hbm>>)
      tpu.yield
    }) : () -> ()
    return
  }
}

module attributes {stable_mosaic.version = 14 : i64} {
  func.func @_tc_a(%arg0: memref<2x784x128xf32, #tpu.memory_space<vmem>>, %arg1: memref<784x128xf32, #tpu.memory_space<vmem>>, %arg2: memref<784x128xf32, #tpu.memory_space<vmem>>, %arg3: memref<784x128xf32, #tpu.memory_space<vmem>>) attributes {dimension_semantics = [], scalar_prefetch = 0 : i64, scratch_operands = 0 : i64, tpu.core_type = #tpu.core_type<tc>} {
    %get3A = arith.constant 0 : index
    %get3A_0 = arith.constant 0 : index
    %get3A_1 = arith.constant 0 : index
    %get3A_2 = vector.load %arg0[%get3A, %get3A_0, %get3A_1] : memref<2x784x128xf32, #tpu.memory_space<vmem>>, vector<1x784x128xf32>
    %get3A_3 = vector.shape_cast %get3A_2 : vector<1x784x128xf32> to vector<784x128xf32>
    %get3A_4 = arith.constant 1 : index
    %get3A_5 = arith.constant 0 : index
    %get3A_6 = arith.constant 0 : index
    %get3A_7 = vector.load %arg0[%get3A_4, %get3A_5, %get3A_6] : memref<2x784x128xf32, #tpu.memory_space<vmem>>, vector<1x784x128xf32>
    %get3A_8 = vector.shape_cast %get3A_7 : vector<1x784x128xf32> to vector<784x128xf32>
    %add3A = arith.addf %get3A_3, %get3A_8 : vector<784x128xf32>
    %add3A_9 = arith.constant 1.000000e+00 : f32
    %add3A_10 = vector.broadcast %add3A_9 : f32 to vector<784x128xf32>
    %add3A_11 = arith.addf %add3A, %add3A_10 : vector<784x128xf32>
    %rsqrt3A = math.rsqrt %add3A_11 : vector<784x128xf32>
    %swap3A = arith.constant 0 : index
    %swap3A_12 = arith.constant 0 : index
    %swap3A_13 = vector.load %arg2[%swap3A, %swap3A_12] : memref<784x128xf32, #tpu.memory_space<vmem>>, vector<784x128xf32>
    tpu.vector_store %arg2[%swap3A, %swap3A_12], %rsqrt3A {strides = array<i32>} : memref<784x128xf32, #tpu.memory_space<vmem>>, vector<784x128xf32>,
    %get3A_14 = arith.constant 0 : index
    %get3A_15 = arith.constant 0 : index
    %get3A_16 = vector.load %arg1[%get3A_14, %get3A_15] : memref<784x128xf32, #tpu.memory_space<vmem>>, vector<784x128xf32>
    %mul3A = arith.mulf %rsqrt3A, %get3A_16 : vector<784x128xf32>
    %swap3A_17 = arith.constant 0 : index
    %swap3A_18 = arith.constant 0 : index
    %swap3A_19 = vector.load %arg3[%swap3A_17, %swap3A_18] : memref<784x128xf32, #tpu.memory_space<vmem>>, vector<784x128xf32>
    tpu.vector_store %arg3[%swap3A_17, %swap3A_18], %mul3A {strides = array<i32>} : memref<784x128xf32, #tpu.memory_space<vmem>>, vector<784x128xf32>,
    return
  }
}

module attributes {stable_mosaic.version = 14 : i64} {
  func.func @_tc_b(%arg0: memref<2x784x128xf32, #tpu.memory_space<vmem>>, %arg1: memref<784x128xf32, #tpu.memory_space<vmem>>, %arg2: memref<784x128xf32, #tpu.memory_space<vmem>>, %arg3: memref<1x8xf32, #tpu.memory_space<smem>>, %arg4: memref<8xf32, #tpu.memory_space<smem>>, %arg5: memref<8x2xf32, #tpu.memory_space<smem>>, %arg6: memref<2xf32, #tpu.memory_space<smem>>, %arg7: memref<784x128xf32, #tpu.memory_space<vmem>>, %arg8: memref<784x128xf32, #tpu.memory_space<vmem>>, %arg9: memref<784x128xf32, #tpu.memory_space<vmem>>, %arg10: memref<784x128xf32, #tpu.memory_space<vmem>>) attributes {dimension_semantics = [], scalar_prefetch = 0 : i64, scratch_operands = 0 : i64, tpu.core_type = #tpu.core_type<tc>} {
    %get3A = arith.constant 0 : index
    %get3A_0 = arith.constant 0 : index
    %get3A_1 = vector.load %arg1[%get3A, %get3A_0] : memref<784x128xf32, #tpu.memory_space<vmem>>, vector<784x128xf32>
    %mul3A = arith.mulf %get3A_1, %get3A_1 : vector<784x128xf32>
    %get3A_2 = arith.constant 0 : index
    %get3A_3 = arith.constant 0 : index
    %get3A_4 = arith.constant 0 : index
    %get3A_5 = vector.load %arg0[%get3A_2, %get3A_3, %get3A_4] : memref<2x784x128xf32, #tpu.memory_space<vmem>>, vector<1x784x128xf32>
    %get3A_6 = vector.shape_cast %get3A_5 : vector<1x784x128xf32> to vector<784x128xf32>
    %get3A_7 = arith.constant 1 : index
    %get3A_8 = arith.constant 0 : index
    %get3A_9 = arith.constant 0 : index
    %get3A_10 = vector.load %arg0[%get3A_7, %get3A_8, %get3A_9] : memref<2x784x128xf32, #tpu.memory_space<vmem>>, vector<1x784x128xf32>
    %get3A_11 = vector.shape_cast %get3A_10 : vector<1x784x128xf32> to vector<784x128xf32>
    %add3A = arith.addf %get3A_6, %get3A_11 : vector<784x128xf32>
    %mul3A_12 = arith.mulf %get3A_1, %add3A : vector<784x128xf32>
    %get3A_13 = arith.constant 0 : index
    %get3A_14 = arith.constant 0 : index
    %get3A_15 = vector.load %arg2[%get3A_13, %get3A_14] : memref<784x128xf32, #tpu.memory_space<vmem>>, vector<784x128xf32>
    %mul3A_16 = arith.mulf %mul3A, %get3A_15 : vector<784x128xf32>
    %add3A_17 = arith.addf %mul3A_12, %mul3A_16 : vector<784x128xf32>
    %broadcast_in_dim3A = arith.constant 0.000000e+00 : f32
    %broadcast_in_dim3A_18 = vector.broadcast %broadcast_in_dim3A : f32 to vector<784x128xf32>
    %broadcast_in_dim3A_19 = arith.constant 0.000000e+00 : f32
    %broadcast_in_dim3A_20 = vector.broadcast %broadcast_in_dim3A_19 : f32 to vector<784x128xf32>
    %get3A_21 = arith.constant 0 : index
    %get3A_22 = arith.constant 0 : index
    %get3A_23 = memref.load %arg3[%get3A_21, %get3A_22] : memref<1x8xf32, #tpu.memory_space<smem>>
    %mul3A_24 = vector.broadcast %get3A_23 : f32 to vector<784x128xf32>
    %mul3A_25 = arith.mulf %add3A_17, %mul3A_24 : vector<784x128xf32>
    %get3A_26 = arith.constant 0 : index
    %get3A_27 = memref.load %arg4[%get3A_26] : memref<8xf32, #tpu.memory_space<smem>>
    %add3A_28 = vector.broadcast %get3A_27 : f32 to vector<784x128xf32>
    %add3A_29 = arith.addf %mul3A_25, %add3A_28 : vector<784x128xf32>
    %max3A = arith.constant 0.000000e+00 : f32
    %max3A_30 = vector.broadcast %max3A : f32 to vector<784x128xf32>
    %max3A_31 = arith.maximumf %add3A_29, %max3A_30 : vector<784x128xf32>
    %get3A_32 = arith.constant 0 : index
    %get3A_33 = arith.constant 0 : index
    %get3A_34 = memref.load %arg5[%get3A_32, %get3A_33] : memref<8x2xf32, #tpu.memory_space<smem>>
    %mul3A_35 = vector.broadcast %get3A_34 : f32 to vector<784x128xf32>
    %mul3A_36 = arith.mulf %max3A_31, %mul3A_35 : vector<784x128xf32>
    %add3A_37 = arith.addf %broadcast_in_dim3A_18, %mul3A_36 : vector<784x128xf32>
    %get3A_38 = arith.constant 0 : index
    %get3A_39 = arith.constant 1 : index
    %get3A_40 = memref.load %arg5[%get3A_38, %get3A_39] : memref<8x2xf32, #tpu.memory_space<smem>>
    %mul3A_41 = vector.broadcast %get3A_40 : f32 to vector<784x128xf32>
    %mul3A_42 = arith.mulf %max3A_31, %mul3A_41 : vector<784x128xf32>
    %add3A_43 = arith.addf %broadcast_in_dim3A_20, %mul3A_42 : vector<784x128xf32>
    %get3A_44 = arith.constant 0 : index
    %get3A_45 = arith.constant 1 : index
    %get3A_46 = memref.load %arg3[%get3A_44, %get3A_45] : memref<1x8xf32, #tpu.memory_space<smem>>
    %mul3A_47 = vector.broadcast %get3A_46 : f32 to vector<784x128xf32>
    %mul3A_48 = arith.mulf %add3A_17, %mul3A_47 : vector<784x128xf32>
    %get3A_49 = arith.constant 1 : index
    %get3A_50 = memref.load %arg4[%get3A_49] : memref<8xf32, #tpu.memory_space<smem>>
    %add3A_51 = vector.broadcast %get3A_50 : f32 to vector<784x128xf32>
    %add3A_52 = arith.addf %mul3A_48, %add3A_51 : vector<784x128xf32>
    %max3A_53 = arith.constant 0.000000e+00 : f32
    %max3A_54 = vector.broadcast %max3A_53 : f32 to vector<784x128xf32>
    %max3A_55 = arith.maximumf %add3A_52, %max3A_54 : vector<784x128xf32>
    %get3A_56 = arith.constant 1 : index
    %get3A_57 = arith.constant 0 : index
    %get3A_58 = memref.load %arg5[%get3A_56, %get3A_57] : memref<8x2xf32, #tpu.memory_space<smem>>
    %mul3A_59 = vector.broadcast %get3A_58 : f32 to vector<784x128xf32>
    %mul3A_60 = arith.mulf %max3A_55, %mul3A_59 : vector<784x128xf32>
    %add3A_61 = arith.addf %add3A_37, %mul3A_60 : vector<784x128xf32>
    %get3A_62 = arith.constant 1 : index
    %get3A_63 = arith.constant 1 : index
    %get3A_64 = memref.load %arg5[%get3A_62, %get3A_63] : memref<8x2xf32, #tpu.memory_space<smem>>
    %mul3A_65 = vector.broadcast %get3A_64 : f32 to vector<784x128xf32>
    %mul3A_66 = arith.mulf %max3A_55, %mul3A_65 : vector<784x128xf32>
    %add3A_67 = arith.addf %add3A_43, %mul3A_66 : vector<784x128xf32>
    %get3A_68 = arith.constant 0 : index
    %get3A_69 = arith.constant 2 : index
    %get3A_70 = memref.load %arg3[%get3A_68, %get3A_69] : memref<1x8xf32, #tpu.memory_space<smem>>
    %mul3A_71 = vector.broadcast %get3A_70 : f32 to vector<784x128xf32>
    %mul3A_72 = arith.mulf %add3A_17, %mul3A_71 : vector<784x128xf32>
    %get3A_73 = arith.constant 2 : index
    %get3A_74 = memref.load %arg4[%get3A_73] : memref<8xf32, #tpu.memory_space<smem>>
    %add3A_75 = vector.broadcast %get3A_74 : f32 to vector<784x128xf32>
    %add3A_76 = arith.addf %mul3A_72, %add3A_75 : vector<784x128xf32>
    %max3A_77 = arith.constant 0.000000e+00 : f32
    %max3A_78 = vector.broadcast %max3A_77 : f32 to vector<784x128xf32>
    %max3A_79 = arith.maximumf %add3A_76, %max3A_78 : vector<784x128xf32>
    %get3A_80 = arith.constant 2 : index
    %get3A_81 = arith.constant 0 : index
    %get3A_82 = memref.load %arg5[%get3A_80, %get3A_81] : memref<8x2xf32, #tpu.memory_space<smem>>
    %mul3A_83 = vector.broadcast %get3A_82 : f32 to vector<784x128xf32>
    %mul3A_84 = arith.mulf %max3A_79, %mul3A_83 : vector<784x128xf32>
    %add3A_85 = arith.addf %add3A_61, %mul3A_84 : vector<784x128xf32>
    %get3A_86 = arith.constant 2 : index
    %get3A_87 = arith.constant 1 : index
    %get3A_88 = memref.load %arg5[%get3A_86, %get3A_87] : memref<8x2xf32, #tpu.memory_space<smem>>
    %mul3A_89 = vector.broadcast %get3A_88 : f32 to vector<784x128xf32>
    %mul3A_90 = arith.mulf %max3A_79, %mul3A_89 : vector<784x128xf32>
    %add3A_91 = arith.addf %add3A_67, %mul3A_90 : vector<784x128xf32>
    %get3A_92 = arith.constant 0 : index
    %get3A_93 = arith.constant 3 : index
    %get3A_94 = memref.load %arg3[%get3A_92, %get3A_93] : memref<1x8xf32, #tpu.memory_space<smem>>
    %mul3A_95 = vector.broadcast %get3A_94 : f32 to vector<784x128xf32>
    %mul3A_96 = arith.mulf %add3A_17, %mul3A_95 : vector<784x128xf32>
    %get3A_97 = arith.constant 3 : index
    %get3A_98 = memref.load %arg4[%get3A_97] : memref<8xf32, #tpu.memory_space<smem>>
    %add3A_99 = vector.broadcast %get3A_98 : f32 to vector<784x128xf32>
    %add3A_100 = arith.addf %mul3A_96, %add3A_99 : vector<784x128xf32>
    %max3A_101 = arith.constant 0.000000e+00 : f32
    %max3A_102 = vector.broadcast %max3A_101 : f32 to vector<784x128xf32>
    %max3A_103 = arith.maximumf %add3A_100, %max3A_102 : vector<784x128xf32>
    %get3A_104 = arith.constant 3 : index
    %get3A_105 = arith.constant 0 : index
    %get3A_106 = memref.load %arg5[%get3A_104, %get3A_105] : memref<8x2xf32, #tpu.memory_space<smem>>
    %mul3A_107 = vector.broadcast %get3A_106 : f32 to vector<784x128xf32>
    %mul3A_108 = arith.mulf %max3A_103, %mul3A_107 : vector<784x128xf32>
    %add3A_109 = arith.addf %add3A_85, %mul3A_108 : vector<784x128xf32>
    %get3A_110 = arith.constant 3 : index
    %get3A_111 = arith.constant 1 : index
    %get3A_112 = memref.load %arg5[%get3A_110, %get3A_111] : memref<8x2xf32, #tpu.memory_space<smem>>
    %mul3A_113 = vector.broadcast %get3A_112 : f32 to vector<784x128xf32>
    %mul3A_114 = arith.mulf %max3A_103, %mul3A_113 : vector<784x128xf32>
    %add3A_115 = arith.addf %add3A_91, %mul3A_114 : vector<784x128xf32>
    %get3A_116 = arith.constant 0 : index
    %get3A_117 = arith.constant 4 : index
    %get3A_118 = memref.load %arg3[%get3A_116, %get3A_117] : memref<1x8xf32, #tpu.memory_space<smem>>
    %mul3A_119 = vector.broadcast %get3A_118 : f32 to vector<784x128xf32>
    %mul3A_120 = arith.mulf %add3A_17, %mul3A_119 : vector<784x128xf32>
    %get3A_121 = arith.constant 4 : index
    %get3A_122 = memref.load %arg4[%get3A_121] : memref<8xf32, #tpu.memory_space<smem>>
    %add3A_123 = vector.broadcast %get3A_122 : f32 to vector<784x128xf32>
    %add3A_124 = arith.addf %mul3A_120, %add3A_123 : vector<784x128xf32>
    %max3A_125 = arith.constant 0.000000e+00 : f32
    %max3A_126 = vector.broadcast %max3A_125 : f32 to vector<784x128xf32>
    %max3A_127 = arith.maximumf %add3A_124, %max3A_126 : vector<784x128xf32>
    %get3A_128 = arith.constant 4 : index
    %get3A_129 = arith.constant 0 : index
    %get3A_130 = memref.load %arg5[%get3A_128, %get3A_129] : memref<8x2xf32, #tpu.memory_space<smem>>
    %mul3A_131 = vector.broadcast %get3A_130 : f32 to vector<784x128xf32>
    %mul3A_132 = arith.mulf %max3A_127, %mul3A_131 : vector<784x128xf32>
    %add3A_133 = arith.addf %add3A_109, %mul3A_132 : vector<784x128xf32>
    %get3A_134 = arith.constant 4 : index
    %get3A_135 = arith.constant 1 : index
    %get3A_136 = memref.load %arg5[%get3A_134, %get3A_135] : memref<8x2xf32, #tpu.memory_space<smem>>
    %mul3A_137 = vector.broadcast %get3A_136 : f32 to vector<784x128xf32>
    %mul3A_138 = arith.mulf %max3A_127, %mul3A_137 : vector<784x128xf32>
    %add3A_139 = arith.addf %add3A_115, %mul3A_138 : vector<784x128xf32>
    %get3A_140 = arith.constant 0 : index
    %get3A_141 = arith.constant 5 : index
    %get3A_142 = memref.load %arg3[%get3A_140, %get3A_141] : memref<1x8xf32, #tpu.memory_space<smem>>
    %mul3A_143 = vector.broadcast %get3A_142 : f32 to vector<784x128xf32>
    %mul3A_144 = arith.mulf %add3A_17, %mul3A_143 : vector<784x128xf32>
    %get3A_145 = arith.constant 5 : index
    %get3A_146 = memref.load %arg4[%get3A_145] : memref<8xf32, #tpu.memory_space<smem>>
    %add3A_147 = vector.broadcast %get3A_146 : f32 to vector<784x128xf32>
    %add3A_148 = arith.addf %mul3A_144, %add3A_147 : vector<784x128xf32>
    %max3A_149 = arith.constant 0.000000e+00 : f32
    %max3A_150 = vector.broadcast %max3A_149 : f32 to vector<784x128xf32>
    %max3A_151 = arith.maximumf %add3A_148, %max3A_150 : vector<784x128xf32>
    %get3A_152 = arith.constant 5 : index
    %get3A_153 = arith.constant 0 : index
    %get3A_154 = memref.load %arg5[%get3A_152, %get3A_153] : memref<8x2xf32, #tpu.memory_space<smem>>
    %mul3A_155 = vector.broadcast %get3A_154 : f32 to vector<784x128xf32>
    %mul3A_156 = arith.mulf %max3A_151, %mul3A_155 : vector<784x128xf32>
    %add3A_157 = arith.addf %add3A_133, %mul3A_156 : vector<784x128xf32>
    %get3A_158 = arith.constant 5 : index
    %get3A_159 = arith.constant 1 : index
    %get3A_160 = memref.load %arg5[%get3A_158, %get3A_159] : memref<8x2xf32, #tpu.memory_space<smem>>
    %mul3A_161 = vector.broadcast %get3A_160 : f32 to vector<784x128xf32>
    %mul3A_162 = arith.mulf %max3A_151, %mul3A_161 : vector<784x128xf32>
    %add3A_163 = arith.addf %add3A_139, %mul3A_162 : vector<784x128xf32>
    %get3A_164 = arith.constant 0 : index
    %get3A_165 = arith.constant 6 : index
    %get3A_166 = memref.load %arg3[%get3A_164, %get3A_165] : memref<1x8xf32, #tpu.memory_space<smem>>
    %mul3A_167 = vector.broadcast %get3A_166 : f32 to vector<784x128xf32>
    %mul3A_168 = arith.mulf %add3A_17, %mul3A_167 : vector<784x128xf32>
    %get3A_169 = arith.constant 6 : index
    %get3A_170 = memref.load %arg4[%get3A_169] : memref<8xf32, #tpu.memory_space<smem>>
    %add3A_171 = vector.broadcast %get3A_170 : f32 to vector<784x128xf32>
    %add3A_172 = arith.addf %mul3A_168, %add3A_171 : vector<784x128xf32>
    %max3A_173 = arith.constant 0.000000e+00 : f32
    %max3A_174 = vector.broadcast %max3A_173 : f32 to vector<784x128xf32>
    %max3A_175 = arith.maximumf %add3A_172, %max3A_174 : vector<784x128xf32>
    %get3A_176 = arith.constant 6 : index
    %get3A_177 = arith.constant 0 : index
    %get3A_178 = memref.load %arg5[%get3A_176, %get3A_177] : memref<8x2xf32, #tpu.memory_space<smem>>
    %mul3A_179 = vector.broadcast %get3A_178 : f32 to vector<784x128xf32>
    %mul3A_180 = arith.mulf %max3A_175, %mul3A_179 : vector<784x128xf32>
    %add3A_181 = arith.addf %add3A_157, %mul3A_180 : vector<784x128xf32>
    %get3A_182 = arith.constant 6 : index
    %get3A_183 = arith.constant 1 : index
    %get3A_184 = memref.load %arg5[%get3A_182, %get3A_183] : memref<8x2xf32, #tpu.memory_space<smem>>
    %mul3A_185 = vector.broadcast %get3A_184 : f32 to vector<784x128xf32>
    %mul3A_186 = arith.mulf %max3A_175, %mul3A_185 : vector<784x128xf32>
    %add3A_187 = arith.addf %add3A_163, %mul3A_186 : vector<784x128xf32>
    %get3A_188 = arith.constant 0 : index
    %get3A_189 = arith.constant 7 : index
    %get3A_190 = memref.load %arg3[%get3A_188, %get3A_189] : memref<1x8xf32, #tpu.memory_space<smem>>
    %mul3A_191 = vector.broadcast %get3A_190 : f32 to vector<784x128xf32>
    %mul3A_192 = arith.mulf %add3A_17, %mul3A_191 : vector<784x128xf32>
    %get3A_193 = arith.constant 7 : index
    %get3A_194 = memref.load %arg4[%get3A_193] : memref<8xf32, #tpu.memory_space<smem>>
    %add3A_195 = vector.broadcast %get3A_194 : f32 to vector<784x128xf32>
    %add3A_196 = arith.addf %mul3A_192, %add3A_195 : vector<784x128xf32>
    %max3A_197 = arith.constant 0.000000e+00 : f32
    %max3A_198 = vector.broadcast %max3A_197 : f32 to vector<784x128xf32>
    %max3A_199 = arith.maximumf %add3A_196, %max3A_198 : vector<784x128xf32>
    %get3A_200 = arith.constant 7 : index
    %get3A_201 = arith.constant 0 : index
    %get3A_202 = memref.load %arg5[%get3A_200, %get3A_201] : memref<8x2xf32, #tpu.memory_space<smem>>
    %mul3A_203 = vector.broadcast %get3A_202 : f32 to vector<784x128xf32>
    %mul3A_204 = arith.mulf %max3A_199, %mul3A_203 : vector<784x128xf32>
    %add3A_205 = arith.addf %add3A_181, %mul3A_204 : vector<784x128xf32>
    %get3A_206 = arith.constant 7 : index
    %get3A_207 = arith.constant 1 : index
    %get3A_208 = memref.load %arg5[%get3A_206, %get3A_207] : memref<8x2xf32, #tpu.memory_space<smem>>
    %mul3A_209 = vector.broadcast %get3A_208 : f32 to vector<784x128xf32>
    %mul3A_210 = arith.mulf %max3A_199, %mul3A_209 : vector<784x128xf32>
    %add3A_211 = arith.addf %add3A_187, %mul3A_210 : vector<784x128xf32>
    %mul3A_212 = arith.mulf %get3A_1, %add3A_205 : vector<784x128xf32>
    %swap3A = arith.constant 0 : index
    %swap3A_213 = arith.constant 0 : index
    %swap3A_214 = vector.load %arg7[%swap3A, %swap3A_213] : memref<784x128xf32, #tpu.memory_space<vmem>>, vector<784x128xf32>
    tpu.vector_store %arg7[%swap3A, %swap3A_213], %mul3A_212 {strides = array<i32>} : memref<784x128xf32, #tpu.memory_space<vmem>>, vector<784x128xf32>,
    %mul3A_215 = arith.mulf %get3A_1, %add3A_211 : vector<784x128xf32>
    %swap3A_216 = arith.constant 0 : index
    %swap3A_217 = arith.constant 0 : index
    %swap3A_218 = vector.load %arg8[%swap3A_216, %swap3A_217] : memref<784x128xf32, #tpu.memory_space<vmem>>, vector<784x128xf32>
    tpu.vector_store %arg8[%swap3A_216, %swap3A_217], %mul3A_215 {strides = array<i32>} : memref<784x128xf32, #tpu.memory_space<vmem>>, vector<784x128xf32>,
    %mul3A_219 = arith.mulf %mul3A, %add3A_205 : vector<784x128xf32>
    %get3A_220 = arith.constant 0 : index
    %get3A_221 = memref.load %arg6[%get3A_220] : memref<2xf32, #tpu.memory_space<smem>>
    %add3A_222 = vector.broadcast %get3A_221 : f32 to vector<784x128xf32>
    %add3A_223 = arith.addf %mul3A_219, %add3A_222 : vector<784x128xf32>
    %swap3A_224 = arith.constant 0 : index
    %swap3A_225 = arith.constant 0 : index
    %swap3A_226 = vector.load %arg9[%swap3A_224, %swap3A_225] : memref<784x128xf32, #tpu.memory_space<vmem>>, vector<784x128xf32>
    tpu.vector_store %arg9[%swap3A_224, %swap3A_225], %add3A_223 {strides = array<i32>} : memref<784x128xf32, #tpu.memory_space<vmem>>, vector<784x128xf32>,
    %mul3A_227 = arith.mulf %mul3A, %add3A_211 : vector<784x128xf32>
    %get3A_228 = arith.constant 1 : index
    %get3A_229 = memref.load %arg6[%get3A_228] : memref<2xf32, #tpu.memory_space<smem>>
    %add3A_230 = vector.broadcast %get3A_229 : f32 to vector<784x128xf32>
    %add3A_231 = arith.addf %mul3A_227, %add3A_230 : vector<784x128xf32>
    %swap3A_232 = arith.constant 0 : index
    %swap3A_233 = arith.constant 0 : index
    %swap3A_234 = vector.load %arg10[%swap3A_232, %swap3A_233] : memref<784x128xf32, #tpu.memory_space<vmem>>, vector<784x128xf32>
    tpu.vector_store %arg10[%swap3A_232, %swap3A_233], %add3A_231 {strides = array<i32>} : memref<784x128xf32, #tpu.memory_space<vmem>>, vector<784x128xf32>,
    return
  }
}

module attributes {stable_mosaic.version = 14 : i64} {
  func.func @_tc_c(%arg0: memref<2x784x128xf32, #tpu.memory_space<vmem>>, %arg1: memref<784x128xf32, #tpu.memory_space<vmem>>, %arg2: memref<784x128xf32, #tpu.memory_space<vmem>>, %arg3: memref<784x128xf32, #tpu.memory_space<vmem>>, %arg4: memref<784x128xf32, #tpu.memory_space<vmem>>, %arg5: memref<784x128xf32, #tpu.memory_space<vmem>>) attributes {dimension_semantics = [], scalar_prefetch = 0 : i64, scratch_operands = 0 : i64, tpu.core_type = #tpu.core_type<tc>} {
    %get3A = arith.constant 0 : index
    %get3A_0 = arith.constant 0 : index
    %get3A_1 = vector.load %arg1[%get3A, %get3A_0] : memref<784x128xf32, #tpu.memory_space<vmem>>, vector<784x128xf32>
    %get3A_2 = arith.constant 0 : index
    %get3A_3 = arith.constant 0 : index
    %get3A_4 = arith.constant 0 : index
    %get3A_5 = vector.load %arg0[%get3A_2, %get3A_3, %get3A_4] : memref<2x784x128xf32, #tpu.memory_space<vmem>>, vector<1x784x128xf32>
    %get3A_6 = vector.shape_cast %get3A_5 : vector<1x784x128xf32> to vector<784x128xf32>
    %mul3A = arith.mulf %get3A_1, %get3A_6 : vector<784x128xf32>
    %get3A_7 = arith.constant 0 : index
    %get3A_8 = arith.constant 0 : index
    %get3A_9 = vector.load %arg2[%get3A_7, %get3A_8] : memref<784x128xf32, #tpu.memory_space<vmem>>, vector<784x128xf32>
    %add3A = arith.addf %mul3A, %get3A_9 : vector<784x128xf32>
    %swap3A = arith.constant 0 : index
    %swap3A_10 = arith.constant 0 : index
    %swap3A_11 = vector.load %arg4[%swap3A, %swap3A_10] : memref<784x128xf32, #tpu.memory_space<vmem>>, vector<784x128xf32>
    tpu.vector_store %arg4[%swap3A, %swap3A_10], %add3A {strides = array<i32>} : memref<784x128xf32, #tpu.memory_space<vmem>>, vector<784x128xf32>,
    %get3A_12 = arith.constant 1 : index
    %get3A_13 = arith.constant 0 : index
    %get3A_14 = arith.constant 0 : index
    %get3A_15 = vector.load %arg0[%get3A_12, %get3A_13, %get3A_14] : memref<2x784x128xf32, #tpu.memory_space<vmem>>, vector<1x784x128xf32>
    %get3A_16 = vector.shape_cast %get3A_15 : vector<1x784x128xf32> to vector<784x128xf32>
    %mul3A_17 = arith.mulf %get3A_1, %get3A_16 : vector<784x128xf32>
    %get3A_18 = arith.constant 0 : index
    %get3A_19 = arith.constant 0 : index
    %get3A_20 = vector.load %arg3[%get3A_18, %get3A_19] : memref<784x128xf32, #tpu.memory_space<vmem>>, vector<784x128xf32>
    %add3A_21 = arith.addf %mul3A_17, %get3A_20 : vector<784x128xf32>
    %swap3A_22 = arith.constant 0 : index
    %swap3A_23 = arith.constant 0 : index
    %swap3A_24 = vector.load %arg5[%swap3A_22, %swap3A_23] : memref<784x128xf32, #tpu.memory_space<vmem>>, vector<784x128xf32>
    tpu.vector_store %arg5[%swap3A_22, %swap3A_23], %add3A_21 {strides = array<i32>} : memref<784x128xf32, #tpu.memory_space<vmem>>, vector<784x128xf32>,
    return
  }
}

</mosaic_0001>

<sc_bundles>
// kernel: kernel.11.cloned.1.call-start
scs
__scs_entry_jumppad:
0x0: {  	(pc) =	sbr.rel $0x88, $3  }
0x1: {  	(tag) =	ssettag $0x0;
	lr =	simm.s32 $0x1  }
0x2: {  	[smem:$0x3F9B] =	sst lr;
	_ =	strace $0xD0000000  }
0x3: {  	_ = 	snop  }
0x4: {  	_ = 	snop  }
0x5: {  	_ = 	snop  }
0x6: {  	_ = 	snop  }
0x7: {  	_ = 	snop  }
__scs_overlays_trampoline_lowered:
0x8: {  	[smem:$0x3FAA] =	sst s0  }
0x9: {  	[smem:$0x3FAB] =	sst s1  }
0xa: {  	[smem:$0x3FAC] =	sst s2  }
0xb: {  	[smem:$0x3FAD] =	sst s3  }
0xc: {  	[smem:$0x3FAE] =	sst s4  }
0xd: {  	[smem:$0x3FAF] =	sst s5  }
0xe: {  	[smem:$0x3FB0] =	sst s6  }
0xf: {  	[smem:$0x3FB1] =	sst s7  }
0x10: {  	[smem:$0x3FB2] =	sst s8  }
0x11: {  	[smem:$0x3FB3] =	sst s9;
	s0 =	simm.s32 @!p0 $0x0  }
0x12: {  	s1 =	sld [smem:$0x3F99];
	s0 =	simm.s32 @p0 $0x1  }
0x13: {  	[smem:$0x3FB4] =	sst s0;
	s0 =	simm.s32 @!p1 $0x0  }
0x14: {  	s2 =	sld [smem:$0x3F98];
	s0 =	simm.s32 @p1 $0x1  }
0x15: {  	[smem:$0x3FB5] =	sst s0;
	s0 =	simm.s32 @!p2 $0x0  }
0x16: {  	s3 =	sld [smem:$0x3FDB];
	s0 =	simm.s32 @p2 $0x1  }
0x17: {  	s4 =	simm.s32 $0x1BF5;
	[smem:$0x3FB7] =	sst s0  }
0x18: {  	s0 =	sld [smem:$0x3F9A];
	_ =	swait.ge [sflag:s4], $0x0  }
0x19: {  	s7 =	sld [smem:$0x3F9B]  }
0x1a: {  	s8 =	sadd.s32 $0xFFFFE003, lr  }
0x1b: {  	s9 =	sadd.s32 $0xFFFFFEF7, lr;
	s5 =	simm.s32 $0xFFFFFFFF;
	p2 =	slt.u32 s8, $0xFFFFF086  }
0x1c: {  	p1 =	slt.u32 s9, $0xF7A;
	s5 =	simm.s32 @!p2 $0x0  }
0x1d: {  	s5 =	simm.s32 @p1 $0x1;
	p0 =	seq.s32 s7, s2  }
0x1e: {  	s7 =	smul.u32 @!p0 $0xF7A, s2;
	p2 =	seq.s32 @!p0 s5, $0x0  }
0x1f: {  	s9 =	smul.u32 $0xF7A, s1;
	s8 =	simm.s32 @!p0 $0x1BF5;
	p2 =	por !p2, p0  }
0x20: {  	[sflag:s8] =	ssyncset.s32 @!p0 $0xFFFFF086;
	s6 =	sadd.s32 @!p0 s3, s7;
	s7 =	simm.s32 @!p0 $0x108  }
0x21: {  	s3 =	sadd.s32 s3, s9;
	s6 =	sadd.s32 @!p0 $0x88, s6;
	s7 =	simm.s32 @p2 $0x1082  }
0x22: {  	[simem:s7], [sflag:s8] =	dma.local @!p0 [hbm:s6], $0xF7A  }
0x23: {  	s9 =	sor.u32 $0xD0000000, s2;
	s6 =	simm.s32 $0x108;
	_ =	swait.ge @!p0 [sflag:s8], $0x0  }
0x24: {  	s3 =	sadd.s32 $0x88, s3;
	s6 =	simm.s32 @!p1 $0x1082;
	[sflag:s4] =	ssyncset.s32 $0xFFFFF086  }
0x25: {  	[simem:s6], [sflag:s4] =	dma.local [hbm:s3], $0xF7A  }
0x26: {  	[smem:$0x3F9B] =	sst s1;
	(tag) =	ssettag s2;
	_ =	strace s9  }
0x27: {  	s1 =	sld [smem:$0x3FAB]  }
0x28: {  	s2 =	sld [smem:$0x3FAC]  }
0x29: {  	s4 =	sld [smem:$0x3FAE]  }
0x2a: {  	p0 =	seq.s32 s5, $0x0;
	s5 =	sld [smem:$0x3FAF]  }
0x2b: {  	s6 =	sld [smem:$0x3FB0]  }
0x2c: {  	s7 =	sld [smem:$0x3FB1]  }
0x2d: {  	s3 =	simm.s32 $0x108;
	s8 =	sld [smem:$0x3FB2]  }
0x2e: {  	s3 =	simm.s32 @!p0 $0x1082;
	s9 =	sld [smem:$0x3FB3]  }
0x2f: {  	lr =	sadd.s32 s0, s3;
	s0 =	sld [smem:$0x3FAA]  }
0x30: {  	s3 =	sld [smem:$0x3FAD]  }
0x31: {  	[smem:$0x3FB6] =	sst s10  }
0x32: {  	s10 =	sld [smem:$0x3FB4];
	_ =	sdelay $0x3  }
0x33: {  	p0 =	seq.s32 s10, $0x1;
	s10 =	sld [smem:$0x3FB6];
	_ =	sdelay $0x3  }
0x34: {  	[smem:$0x3FB6] =	sst s10  }
0x35: {  	s10 =	sld [smem:$0x3FB5];
	_ =	sdelay $0x3  }
0x36: {  	p1 =	seq.s32 s10, $0x1;
	s10 =	sld [smem:$0x3FB6];
	_ =	sdelay $0x3  }
0x37: {  	[smem:$0x3FB6] =	sst s10  }
0x38: {  	s10 =	sld [smem:$0x3FB7]  }
0x39: {  	_ = 	snop;
	(pc) =	sbr.ind lr, $3  }
0x3a: {  	_ = 	snop  }
0x3b: {  	_ = 	snop  }
0x3c: {  	p2 =	seq.s32 s10, $0x1;
	s10 =	sld [smem:$0x3FB6]  }
0x3d: {  	_ =	shalt  }
0x3e: {  	_ =	shalt  }
0x3f: {  	_ =	shalt  }
0x40: {  	_ =	shalt  }
0x41: {  	_ =	shalt  }
0x42: {  	_ =	shalt  }
0x43: {  	_ =	shalt  }
0x44: {  	_ =	shalt  }
0x45: {  	_ =	shalt  }
0x46: {  	_ =	shalt  }
0x47: {  	_ =	shalt  }
0x48: {  	_ =	shalt  }
0x49: {  	_ =	shalt  }
0x4a: {  	_ =	shalt  }
0x4b: {  	_ =	shalt  }
0x4c: {  	_ =	shalt  }
0x4d: {  	_ =	shalt  }
0x4e: {  	_ =	shalt  }
0x4f: {  	_ =	shalt  }
0x50: {  	_ =	shalt  }
0x51: {  	_ =	shalt  }
0x52: {  	_ =	shalt  }
0x53: {  	_ =	shalt  }
0x54: {  	_ =	shalt  }
0x55: {  	_ =	shalt  }
0x56: {  	_ =	shalt  }
0x57: {  	_ =	shalt  }
0x58: {  	_ =	shalt  }
0x59: {  	_ =	shalt  }
0x5a: {  	_ =	shalt  }
0x5b: {  	_ =	shalt  }
0x5c: {  	_ =	shalt  }
0x5d: {  	_ =	shalt  }
0x5e: {  	_ =	shalt  }
0x5f: {  	_ =	shalt  }
0x60: {  	_ =	shalt  }
0x61: {  	_ =	shalt  }
0x62: {  	_ =	shalt  }
0x63: {  	_ =	shalt  }
0x64: {  	_ =	shalt  }
0x65: {  	_ =	shalt  }
0x66: {  	_ =	shalt  }
0x67: {  	_ =	shalt  }
0x68: {  	_ =	shalt  }
0x69: {  	_ =	shalt  }
0x6a: {  	_ =	shalt  }
0x6b: {  	_ =	shalt  }
0x6c: {  	_ =	shalt  }
0x6d: {  	_ =	shalt  }
0x6e: {  	_ =	shalt  }
0x6f: {  	_ =	shalt  }
0x70: {  	_ =	shalt  }
0x71: {  	_ =	shalt  }
0x72: {  	_ =	shalt  }
0x73: {  	_ =	shalt  }
0x74: {  	_ =	shalt  }
0x75: {  	_ =	shalt  }
0x76: {  	_ =	shalt  }
0x77: {  	_ =	shalt  }
0x78: {  	_ =	shalt  }
0x79: {  	_ =	shalt  }
0x7a: {  	_ =	shalt  }
0x7b: {  	_ =	shalt  }
0x7c: {  	_ =	shalt  }
0x7d: {  	_ =	shalt  }
0x7e: {  	_ =	shalt  }
0x7f: {  	_ =	shalt  }
0x80: {  	_ =	shalt  }
0x81: {  	_ =	shalt  }
0x82: {  	_ =	shalt  }
0x83: {  	_ =	shalt  }
0x84: {  	_ =	shalt  }
0x85: {  	_ =	shalt  }
0x86: {  	_ =	shalt  }
0x87: {  	_ =	shalt  }
.Lfunc_end0:
.L_simem_size_0:
called_computation.1_lowered:
.L_overlay_start_0:
0x88: {  	s2 =	sld [smem:$0x3FD9]  }
0x89: {  	s3 =	sld [smem:$0x3FFE];
	_ =	sdelay $0x1  }
0x8a: {  	s1 =	srdreg.scid  }
0x8b: {  	s0 =	sand.u32 $0x1, s1  }
0x8c: {  	s17 =	sshll.u32 s0, $0xA;
	s2 =	sadd.s32 s3, s2  }
0x8d: {  	s2 =	sadd.s32 s2, s17  }
0x8e: {  	[smem:$0x3FC2] =	sst s2  }
0x8f: {  	_ = 	snop  }
0x90: {  	s2 =	sld [smem:$0x3FD0];
	(tm) =	ssettm $0x1  }
0x91: {  	s18 =	sld [smem:$0x3FFB];
	_ =	sdelay $0x3  }
0x92: {  	_ =	strace s18  }
0x93: {  	s3 =	sld [smem:$0x3FFC];
	_ =	sdelay $0x3  }
0x94: {  	_ =	strace s3  }
0x95: {  	s3 =	sld [smem:$0x3FFD];
	_ =	sdelay $0x3  }
0x96: {  	_ =	strace s3  }
0x97: {  	_ =	strace $0x8FFFFFFF  }
0x98: {  	s19 =	sld [smem:$0x3FDB];
	_ =	sdelay $0x1  }
0x99: {  	s4 =	simm.s32 $_scs_section_size  }
0x9a: {  	s5 =	simm.s32 $_size__tile_overlayer_lowered;
	s6 =	simm.s32 $_tile_overlayer_lowered  }
0x9b: {  	s22 =	simm.s32 $0x1BFF;
	s21 =	sshll.u32 s6, $0x1;
	s3 =	sadd.s32 s4, s19  }
0x9c: {  	s7 =	simm.s32 $0x0;
	s20 =	sshll.u32 s5, $0x1;
	s5 =	sadd.s32 s21, s3  }
0x9d: {  	[timem:s7], [sflag:s22] =	dma.local [hbm:s5], s20  }
0x9e: {  	_ =	swait.ge [sflag:s22], s20  }
0x9f: {  	s4 =	ssub.s32 $0x0, s20;
	[sflag:s22] =	ssyncset.done $0x0  }
0xa0: {  	[sflag:s22] =	ssyncadd.s32 s4;
	_ =	sdelay $0x1  }
0xa1: {  	s23 =	simm.s32 $0x1B8B  }
0xa2: {  	_ =	swait.ge [sflag:s23], $0x1  }
0xa3: {  	[sflag:s23] =	ssyncset.done $0x0  }
0xa4: {  	s25 =	simm.s32 $0x1B8E;
	s24 =	sld [smem:$0x3FFE];
	[sflag:s23] =	ssyncadd.s32 $0xFFFFFFFF  }
0xa5: {  	s26 =	simm.s32 $execute0_lowered;
	[smem:$0x3FD2] =	sst s25  }
0xa6: {  	s5 =	sshll.u32 s26, $0x1;
	_ =	strace $0x80000049;
	[dreg:$0x1] =	wrdreg $0xFFFFFFFF  }
0xa7: {  	s28 =	simm.s32 $_size_execute0_lowered;
	s3 =	sadd.s32 s3, s5;
	[dreg:$0x0] =	wrdreg $0x0  }
0xa8: {  	s5 =	sshll.u32 s28, $0x1;
	[dreg:$0x2] =	wrdreg s3  }
0xa9: {  	[dreg:$0x3] =	wrdreg s5  }
0xaa: {  	[dreg:$0x4] =	wrdreg $0xC0  }
0xab: {  	_ =	task [dreg:s7], $0x5FFFF  }
0xac: {  	[dreg:$0x1] =	wrdreg $0xFFFFFFFF  }
0xad: {  	[dreg:$0x0] =	wrdreg $0x60  }
0xae: {  	[dreg:$0x2] =	wrdreg s24  }
0xaf: {  	[dreg:$0x3] =	wrdreg s2  }
0xb0: {  	[dreg:$0x4] =	wrdreg $0x0  }
0xb1: {  	[dreg:$0x5] =	wrdreg $0x9  }
0xb2: {  	_ =	task.clear_ibuf [dreg:s7], $0x6FFFF;
	_ =	strace $0x90000049  }
0xb3: {  	s29 =	simm.s32 $0x9;
	_ =	strace $0x8000004B  }
0xb4: {  	_ =	swait.ge [sflag:s29], $0x1  }
0xb5: {  	[sflag:s29] =	ssyncadd.s32 $0xFFFFFFFF  }
0xb6: {  	_ =	strace $0x9000004B  }
0xb7: {  	_ =	sfence  }
0xb8: {  	s30 =	sld [smem:$0x0];
	_ =	sdelay $0x2  }
0xb9: {  	s31 =	sshll.u32 s1, $0xD;
	s1 =	sshrl.u32 s1, $0x2  }
0xba: {  	s3 =	sand.u32 $0x4000, s31;
	s1 =	sadd.s32 s1, s30  }
0xbb: {  	s0 =	sor.u32 s3, s0;
	s1 =	sshll.u32 s1, $0x11  }
0xbc: {  	s0 =	sor.u32 s1, s0  }
0xbd: {  	s0 =	sadd.s32 $0x8F2B, s0  }
0xbe: {  	[sflag:s0] =	ssyncadd.remote.s32 $0x1  }
0xbf: {  	_ =	sfence.sel $0xFFFF  }
0xc0: {  	[dreg:$0x0] =	wrdreg $0xFFFFFFFF;
	(pc) =	sbr.abs _section_cstart, $3  }
0xc1: {  	[dreg:$0x1] =	wrdreg $0xFFFFFFFF  }
0xc2: {  	_ =	task.clear_ibuf [dreg:s7], $0x2FFFF;
	_ =	strace $0x9FFFFFFF  }
0xc3: {  	(tm) =	ssettm $0x7FFFFFFF  }
tec
execute0_lowered:
.L_overlay_start_1:
0x0: {  	(tag) =	ssettag $0x1  }
0x1: {  	s0 =	rddreg [dreg:$0x0]  }
0x2: {  	s2 =	rddreg [dreg:$0x2];
	s3 =	simm.s32 $0x0;
	s1 =	srdreg.scid  }
0x3: {  	s11 =	stileid.u32;
	s14 =	simm.s32 $0x1D080;
	s15 =	simm.s32 $0xB  }
0x4: {  	s16 =	simm.s32 $0x1880;
	s17 =	simm.s32 $0x1A080;
	s18 =	simm.s32 $0x1B080  }
0x5: {  	s28 =	simm.s32 $0x3;
	s29 =	simm.s32 $0x7D0;
	s30 =	simm.s32 $0x4  }
0x6: {  	s31 =	simm.s32 $0x1D880;
	s13 =	simm.s32 $0x1E080;
	[smem:$0x7FF] =	sst s3  }
0x7: {  	s1 =	sand.u32 $0x1, s1;
	s5 =	sadd.s32 $0xC5600, s0;
	s8 =	smul.u32 $0x1880, s11  }
0x8: {  	s6 =	sadd.s32 $0x2000, s0;
	s24 =	smul.u32 $0x620, s11;
	s4 =	ssub.s32 $0x2, s1  }
0x9: {  	_ =	strace $0x8000004A;
	s1 =	sshll.u32 s1, $0x4;
	s7 =	sshrl.u32 s4, $0x1  }
0xa: {  	s0 =	sadd.s32 s1, s0;
	s1 =	sor.u32 s11, s1;
	s23 =	sadd.s32 s8, s2  }
0xb: {  	s19 =	sadd.s32 $0x780, s8;
	s9 =	sadd.s32 $0xF00, s8;
	s10 =	sadd.s32 $0x1680, s8  }
0xc: {  	s4 =	ssub.s32 s4, s7;
	s8 =	smul.u32 $0x30D40, s1;
	s20 =	sadd.s32 s19, s2  }
0xd: {  	s21 =	sadd.s32 s9, s2;
	s22 =	sadd.s32 s10, s2;
	[dreg:$0x4] =	wrdreg s23  }
0xe: {  	s0 =	sadd.s32 $0x188C00, s0;
	s7 =	sshrl.u32 s19, $0x2;
	[dreg:$0x5] =	wrdreg s20  }
0xf: {  	s9 =	sshrl.u32 s9, $0x2;
	s10 =	sshrl.u32 s10, $0x2;
	[dreg:$0x6] =	wrdreg s21  }
0x10: {  	s19 =	simm.s32 $0x1A880;
	[dreg:$0x7] =	wrdreg s22;
	s4 =	smax.u32 s4, $0x1  }
0x11: {  	s20 =	simm.s32 $0x1B880;
	s1 =	sadd.s32 s24, s0;
	[dreg:$0x8] =	wrdreg s4  }
0x12: {  	s25 =	sadd.s32 s7, s0;
	s26 =	sadd.s32 s9, s0;
	[dreg:$0x9] =	wrdreg s1  }
0x13: {  	s0 =	sadd.s32 s10, s0;
	s21 =	simm.s32 $0x6;
	[dreg:$0xa] =	wrdreg s25  }
0x14: {  	s22 =	simm.s32 $0x1E880;
	s12 =	sadd.s32 $0xFA0, s8;
	[dreg:$0xb] =	wrdreg s26  }
0x15: {  	[dreg:$0xc] =	wrdreg s0;
	s25 =	simm.s32 $0x1;
	s26 =	simm.s32 $0x2  }
0x16: {  	v0 =	vimm.f32 $0.0e+00;
	s0 =	simm.s32 $0x1C080;
	s4 =	simm.s32 $0x1C880;
	s1 =	simm.s32 $0x5  }
.LBB2_1:
0x17: {  	s7 =	simm.s32 $0x40;
	s9 =	simm.s32 $0x0  }
.LBB2_2:
0x18: {  	p0 =	sne.s32 s7, $0x1F00;
	[tilespmem:s9+$0x1D080] =	vst v0;
	s9 =	smov.u32 s7;
	s7 =	sadd.s32 $0x40, s7  }
.Ltmp0:
0x19: {  	(pc) =	sbr.rel @p0 .LBB2_2-.Ltmp0, $2  }
0x1a: {  	_ =	sdelay $0x2  }
0x1b: {  	s9 =	sshra.s32 s9, $0x2  }
0x1c: {  	[tilespmem:s9+$0x1D080] =	vst v0  }
0x1d: {  	[spmem:s23] =	stream.linear.scatter [tilespmem:s14], [sflag:$0xB], $0x780, $0x38;
	[tilespmem:$0x1F080] =	vst v63  }
0x1e: {  	_ =	swait.ge [sflag:s15], $0x780  }
0x1f: {  	[sflag:s15] =	ssyncset.done $0x0  }
0x20: {  	s7 =	rddreg [dreg:$0x5];
	[sflag:s15] =	ssyncadd.s32 $0xFFFFF880  }
0x21: {  	[spmem:s7] =	stream.linear.scatter [tilespmem:s14], [sflag:$0xB], $0x780, $0x38;
	[tilespmem:$0x1F080] =	vst v63  }
0x22: {  	_ =	swait.ge [sflag:s15], $0x780  }
0x23: {  	[sflag:s15] =	ssyncset.done $0x0  }
0x24: {  	s11 =	rddreg [dreg:$0x6];
	[sflag:s15] =	ssyncadd.s32 $0xFFFFF880  }
0x25: {  	[spmem:s11] =	stream.linear.scatter [tilespmem:s14], [sflag:$0xB], $0x780, $0x38;
	[tilespmem:$0x1F080] =	vst v63  }
0x26: {  	_ =	swait.ge [sflag:s15], $0x780  }
0x27: {  	[sflag:s15] =	ssyncset.done $0x0  }
0x28: {  	s23 =	rddreg [dreg:$0x7];
	[sflag:s15] =	ssyncadd.s32 $0xFFFFF880  }
0x29: {  	[spmem:s23] =	stream.linear.scatter [tilespmem:s14], [sflag:$0xB], $0x200, $0x38;
	[tilespmem:$0x1F080] =	vst v63  }
0x2a: {  	_ =	swait.ge [sflag:s15], $0x200  }
0x2b: {  	[sflag:s15] =	ssyncset.done $0x0  }
0x2c: {  	[sflag:s15] =	ssyncadd.s32 $0xFFFFFE00  }
0x2d: {  	s7 =	simm.s32 $0x0;
	s24 =	rddreg [dreg:$0x1]  }
0x2e: {  	[tilespmem:s16], [sflag:$0xB] =	stream.linear.gather [hbm4b:s24+s7], $0x18800, $0x38;
	[tilespmem:$0x1F080] =	vst v63  }
0x2f: {  	_ =	swait.ge [sflag:s15], $0x18800  }
0x30: {  	[sflag:s15] =	ssyncset.done $0x0  }
0x31: {  	[sflag:s15] =	ssyncadd.s32 $0xFFFE7800  }
0x32: {  	s9 =	simm.s32 $0x0;
	[bflag:$0x0] =	sbarrier.arrive $0xFFFF  }
.LBB2_4:
0x33: {  	p0 =	seq.s32 s9, $0x0  }
0x34: {  	s11 =	simm.s32 @!p0 $0x7  }
0x35: {  	_ =	swait.ge @!p0 [sflag:s11], $0x7D0  }
0x36: {  	s10 =	smul.u32 $0x1F40, s9;
	[sflag:s11] =	ssyncset.done @!p0 $0x0  }
0x37: {  	[sflag:s11] =	ssyncadd.s32 @!p0 $0xFFFFF830;
	s11 =	simm.s32 @!p0 $0x8  }
0x38: {  	s23 =	sadd.s32 s8, s10;
	_ =	swait.ge @!p0 [sflag:s11], $0x7D0  }
0x39: {  	s24 =	sshrl.u32 s23, $0x3;
	[sflag:s11] =	ssyncset.done @!p0 $0x0  }
0x3a: {  	[sflag:s11] =	ssyncadd.s32 @!p0 $0xFFFFF830;
	s11 =	sadd.s32 s5, s24  }
0x3b: {  	[tilespmem:s17], [sflag:$0x1] =	stream.linear.gather [hbm4b:s11+s7], $0x7D0, $0x38;
	[tilespmem:$0x1F080] =	vst v63  }
0x3c: {  	s11 =	sadd.s32 $0x7D0, s23  }
0x3d: {  	s24 =	sadd.s32 s6, s24;
	s11 =	sshrl.u32 s11, $0x3  }
0x3e: {  	[tilespmem:s18], [sflag:$0x3] =	stream.linear.gather [hbm4b:s24+s7], $0x7D0, $0x38;
	[tilespmem:$0x1F080] =	vst v63  }
0x3f: {  	s24 =	sadd.s32 s5, s11  }
0x40: {  	[tilespmem:s19], [sflag:$0x2] =	stream.linear.gather [hbm4b:s24+s7], $0x7D0, $0x38;
	[tilespmem:$0x1F080] =	vst v63  }
0x41: {  	s11 =	sadd.s32 s6, s11  }
0x42: {  	[tilespmem:s20], [sflag:$0x4] =	stream.linear.gather [hbm4b:s11+s7], $0x7D0, $0x38;
	[tilespmem:$0x1F080] =	vst v63  }
0x43: {  	_ =	swait.ge [sflag:s25], $0x7D0  }
0x44: {  	[sflag:s25] =	ssyncset.done $0x0  }
0x45: {  	s11 =	simm.s32 $0x0;
	[sflag:s25] =	ssyncadd.s32 $0xFFFFF830  }
0x46: {  	v1 =	vld [tilespmem:s11+$0x1A080];
	_ =	sdelay $0x6  }
0x47: {  	v2 =	vld [tilespmem:s11+$0x1A090]  }
0x48: {  	v1 =	vld.idx.msk [tilespmem:v1+s16+$0x0], $0xffff;
	_ =	sdelay $0x4  }
0x49: {  	[tilespmem:s11+$0x1D080] =	vst v1;
	v1 =	vld [tilespmem:s11+$0x1A0A0];
	_ =	sdelay $0x1  }
0x4a: {  	v2 =	vld.idx.msk [tilespmem:v2+s16+$0x0], $0xffff;
	_ =	sdelay $0x4  }
0x4b: {  	[tilespmem:s11+$0x1D090] =	vst v2;
	v2 =	vld [tilespmem:s11+$0x1A0B0]  }
0x4c: {  	v1 =	vld.idx.msk [tilespmem:v1+s16+$0x0], $0xffff;
	_ =	sdelay $0x4  }
0x4d: {  	[tilespmem:s11+$0x1D0A0] =	vst v1;
	v1 =	vld [tilespmem:s11+$0x1A0C0];
	_ =	sdelay $0x1  }
0x4e: {  	v2 =	vld.idx.msk [tilespmem:v2+s16+$0x0], $0xffff;
	_ =	sdelay $0x3  }
0x4f: {  	s23 =	simm.s32 $0x280;
	s24 =	simm.s32 $0x50  }
.LBB2_5:
0x50: {  	p1 =	sne.s32 s23, $0x1E00;
	v3 =	vld [tilespmem:s24+$0x1A080];
	[tilespmem:s11+$0x1D0B0] =	vst v2  }
0x51: {  	v1 =	vld.idx.msk [tilespmem:v1+s16+$0x0], $0xffff;
	_ =	sdelay $0x5  }
0x52: {  	v2 =	vld [tilespmem:s24+$0x1A090];
	[tilespmem:s11+$0x1D0C0] =	vst v1;
	s11 =	smov.u32 s24  }
0x53: {  	v1 =	vld.idx.msk [tilespmem:v3+s16+$0x0], $0xffff;
	_ =	sdelay $0x5  }
0x54: {  	[tilespmem:s11+$0x1D080] =	vst v1;
	v1 =	vld [tilespmem:s11+$0x1A0A0]  }
0x55: {  	v2 =	vld.idx.msk [tilespmem:v2+s16+$0x0], $0xffff;
	_ =	sdelay $0x5  }
0x56: {  	[tilespmem:s11+$0x1D090] =	vst v2;
	v2 =	vld [tilespmem:s11+$0x1A0B0]  }
0x57: {  	v1 =	vld.idx.msk [tilespmem:v1+s16+$0x0], $0xffff;
	_ =	sdelay $0x5  }
0x58: {  	[tilespmem:s11+$0x1D0A0] =	vst v1;
	v1 =	vld [tilespmem:s11+$0x1A0C0]  }
0x59: {  	v2 =	vld.idx.msk [tilespmem:v2+s16+$0x0], $0xffff  }
.Ltmp1:
0x5a: {  	(pc) =	sbr.rel @p1 .LBB2_5-.Ltmp1, $2  }
0x5b: {  	_ =	sdelay $0x2  }
0x5c: {  	s24 =	sshra.s32 s23, $0x2;
	s23 =	sadd.s32 $0x140, s23  }
0x5d: {  	_ =	sdelay $0x1  }
0x5e: {  	v3 =	vld [tilespmem:s24+$0x1A080]  }
0x5f: {  	[tilespmem:s11+$0x1D0B0] =	vst v2  }
0x60: {  	v1 =	vld.idx.msk [tilespmem:v1+s16+$0x0], $0xffff;
	_ =	sdelay $0x4  }
0x61: {  	v2 =	vld [tilespmem:s24+$0x1A090];
	[tilespmem:s11+$0x1D0C0] =	vst v1  }
0x62: {  	v1 =	vld.idx.msk [tilespmem:v3+s16+$0x0], $0xffff;
	_ =	sdelay $0x4  }
0x63: {  	[tilespmem:s24+$0x1D080] =	vst v1;
	v1 =	vld [tilespmem:s24+$0x1A0A0];
	_ =	sdelay $0x1  }
0x64: {  	v2 =	vld.idx.msk [tilespmem:v2+s16+$0x0], $0xffff;
	_ =	sdelay $0x4  }
0x65: {  	[tilespmem:s24+$0x1D090] =	vst v2;
	v2 =	vld [tilespmem:s24+$0x1A0B0]  }
0x66: {  	v1 =	vld.idx.msk [tilespmem:v1+s16+$0x0], $0xffff;
	_ =	sdelay $0x4  }
0x67: {  	[tilespmem:s24+$0x1D0A0] =	vst v1;
	v1 =	vld [tilespmem:s24+$0x1A0C0];
	_ =	sdelay $0x1  }
0x68: {  	v2 =	vld.idx.msk [tilespmem:v2+s16+$0x0], $0xffff;
	_ =	sdelay $0x4  }
0x69: {  	[tilespmem:s24+$0x1D0B0] =	vst v2  }
0x6a: {  	v1 =	vld.idx.msk [tilespmem:v1+s16+$0x0], $0xffff;
	_ =	sdelay $0x4  }
0x6b: {  	[tilespmem:s24+$0x1D0C0] =	vst v1  }
0x6c: {  	_ =	swait.ge [sflag:s26], $0x7D0  }
0x6d: {  	[sflag:s26] =	ssyncset.done $0x0  }
0x6e: {  	s11 =	simm.s32 $0x0;
	[sflag:s26] =	ssyncadd.s32 $0xFFFFF830  }
0x6f: {  	v1 =	vld [tilespmem:s11+$0x1A880];
	_ =	sdelay $0x6  }
0x70: {  	v2 =	vld [tilespmem:s11+$0x1A890]  }
0x71: {  	v1 =	vld.idx.msk [tilespmem:v1+s16+$0x0], $0xffff;
	_ =	sdelay $0x4  }
0x72: {  	[tilespmem:s11+$0x1D880] =	vst v1;
	v1 =	vld [tilespmem:s11+$0x1A8A0];
	_ =	sdelay $0x1  }
0x73: {  	v2 =	vld.idx.msk [tilespmem:v2+s16+$0x0], $0xffff;
	_ =	sdelay $0x4  }
0x74: {  	[tilespmem:s11+$0x1D890] =	vst v2;
	v2 =	vld [tilespmem:s11+$0x1A8B0]  }
0x75: {  	v1 =	vld.idx.msk [tilespmem:v1+s16+$0x0], $0xffff;
	_ =	sdelay $0x4  }
0x76: {  	[tilespmem:s11+$0x1D8A0] =	vst v1;
	v1 =	vld [tilespmem:s11+$0x1A8C0];
	_ =	sdelay $0x1  }
0x77: {  	v2 =	vld.idx.msk [tilespmem:v2+s16+$0x0], $0xffff;
	_ =	sdelay $0x3  }
0x78: {  	s23 =	simm.s32 $0x280;
	s24 =	simm.s32 $0x50  }
.LBB2_7:
0x79: {  	p1 =	sne.s32 s23, $0x1E00;
	v3 =	vld [tilespmem:s24+$0x1A880];
	[tilespmem:s11+$0x1D8B0] =	vst v2  }
0x7a: {  	v1 =	vld.idx.msk [tilespmem:v1+s16+$0x0], $0xffff;
	_ =	sdelay $0x5  }
0x7b: {  	v2 =	vld [tilespmem:s24+$0x1A890];
	[tilespmem:s11+$0x1D8C0] =	vst v1;
	s11 =	smov.u32 s24  }
0x7c: {  	v1 =	vld.idx.msk [tilespmem:v3+s16+$0x0], $0xffff;
	_ =	sdelay $0x5  }
0x7d: {  	[tilespmem:s11+$0x1D880] =	vst v1;
	v1 =	vld [tilespmem:s11+$0x1A8A0]  }
0x7e: {  	v2 =	vld.idx.msk [tilespmem:v2+s16+$0x0], $0xffff;
	_ =	sdelay $0x5  }
0x7f: {  	[tilespmem:s11+$0x1D890] =	vst v2;
	v2 =	vld [tilespmem:s11+$0x1A8B0]  }
0x80: {  	v1 =	vld.idx.msk [tilespmem:v1+s16+$0x0], $0xffff;
	_ =	sdelay $0x5  }
0x81: {  	[tilespmem:s11+$0x1D8A0] =	vst v1;
	v1 =	vld [tilespmem:s11+$0x1A8C0]  }
0x82: {  	v2 =	vld.idx.msk [tilespmem:v2+s16+$0x0], $0xffff  }
.Ltmp2:
0x83: {  	(pc) =	sbr.rel @p1 .LBB2_7-.Ltmp2, $2  }
0x84: {  	_ =	sdelay $0x2  }
0x85: {  	s24 =	sshra.s32 s23, $0x2;
	s23 =	sadd.s32 $0x140, s23  }
0x86: {  	_ =	sdelay $0x1  }
0x87: {  	v3 =	vld [tilespmem:s24+$0x1A880]  }
0x88: {  	[tilespmem:s11+$0x1D8B0] =	vst v2  }
0x89: {  	v1 =	vld.idx.msk [tilespmem:v1+s16+$0x0], $0xffff;
	_ =	sdelay $0x4  }
0x8a: {  	v2 =	vld [tilespmem:s24+$0x1A890];
	[tilespmem:s11+$0x1D8C0] =	vst v1  }
0x8b: {  	v1 =	vld.idx.msk [tilespmem:v3+s16+$0x0], $0xffff;
	_ =	sdelay $0x4  }
0x8c: {  	[tilespmem:s24+$0x1D880] =	vst v1;
	v1 =	vld [tilespmem:s24+$0x1A8A0];
	_ =	sdelay $0x1  }
0x8d: {  	v2 =	vld.idx.msk [tilespmem:v2+s16+$0x0], $0xffff;
	_ =	sdelay $0x4  }
0x8e: {  	[tilespmem:s24+$0x1D890] =	vst v2;
	v2 =	vld [tilespmem:s24+$0x1A8B0]  }
0x8f: {  	v1 =	vld.idx.msk [tilespmem:v1+s16+$0x0], $0xffff;
	_ =	sdelay $0x4  }
0x90: {  	[tilespmem:s24+$0x1D8A0] =	vst v1;
	v1 =	vld [tilespmem:s24+$0x1A8C0];
	_ =	sdelay $0x1  }
0x91: {  	v2 =	vld.idx.msk [tilespmem:v2+s16+$0x0], $0xffff;
	_ =	sdelay $0x4  }
0x92: {  	[tilespmem:s24+$0x1D8B0] =	vst v2  }
0x93: {  	v1 =	vld.idx.msk [tilespmem:v1+s16+$0x0], $0xffff;
	_ =	sdelay $0x4  }
0x94: {  	[tilespmem:s24+$0x1D8C0] =	vst v1  }
0x95: {  	_ =	swait.ge [sflag:s28], $0x7D0  }
0x96: {  	[sflag:s28] =	ssyncset.done $0x0  }
0x97: {  	[sflag:s28] =	ssyncadd.s32 $0xFFFFF830  }
0x98: {  	[spmem:s2] =	stream.indirect.scatter.add.f32 [tilespmem:s14], [sflag:$0x7], $0x1, s18, s29, $0xb8;
	[tilespmem:$0x1F080] =	vst v63  }
0x99: {  	_ =	swait.ge [sflag:s30], $0x7D0  }
0x9a: {  	[sflag:s30] =	ssyncset.done $0x0  }
0x9b: {  	s11 =	simm.s32 @!p0 $0x9;
	[sflag:s30] =	ssyncadd.s32 $0xFFFFF830  }
0x9c: {  	[spmem:s2] =	stream.indirect.scatter.add.f32 [tilespmem:s31], [sflag:$0x8], $0x1, s20, s29, $0xb8;
	[tilespmem:$0x1F080] =	vst v63  }
0x9d: {  	_ =	swait.ge @!p0 [sflag:s11], $0x7D0  }
0x9e: {  	[sflag:s11] =	ssyncset.done @!p0 $0x0  }
0x9f: {  	[sflag:s11] =	ssyncadd.s32 @!p0 $0xFFFFF830;
	s11 =	simm.s32 @!p0 $0xA  }
0xa0: {  	s10 =	sadd.s32 s10, s12;
	_ =	swait.ge @!p0 [sflag:s11], $0x7D0  }
0xa1: {  	s23 =	sshrl.u32 s10, $0x3;
	s10 =	sadd.s32 $0x7D0, s10;
	[sflag:s11] =	ssyncset.done @!p0 $0x0  }
0xa2: {  	s24 =	simm.s32 $0x0;
	[sflag:s11] =	ssyncadd.s32 @!p0 $0xFFFFF830;
	s11 =	sadd.s32 s5, s23  }
0xa3: {  	[tilespmem:s17], [sflag:$0x1] =	stream.linear.gather [hbm4b:s11+s24], $0x7D0, $0x38;
	[tilespmem:$0x1F080] =	vst v63  }
0xa4: {  	s10 =	sshrl.u32 s10, $0x3;
	s23 =	sadd.s32 s6, s23  }
0xa5: {  	[tilespmem:s0], [sflag:$0x5] =	stream.linear.gather [hbm4b:s23+s24], $0x7D0, $0x38;
	[tilespmem:$0x1F080] =	vst v63  }
0xa6: {  	s23 =	sadd.s32 s5, s10  }
0xa7: {  	[tilespmem:s19], [sflag:$0x2] =	stream.linear.gather [hbm4b:s23+s24], $0x7D0, $0x38;
	[tilespmem:$0x1F080] =	vst v63  }
0xa8: {  	s10 =	sadd.s32 s6, s10  }
0xa9: {  	[tilespmem:s4], [sflag:$0x6] =	stream.linear.gather [hbm4b:s10+s24], $0x7D0, $0x38;
	[tilespmem:$0x1F080] =	vst v63  }
0xaa: {  	_ =	swait.ge [sflag:s25], $0x7D0  }
0xab: {  	[sflag:s25] =	ssyncset.done $0x0  }
0xac: {  	s10 =	simm.s32 $0x0;
	[sflag:s25] =	ssyncadd.s32 $0xFFFFF830  }
0xad: {  	v1 =	vld [tilespmem:s10+$0x1A080];
	_ =	sdelay $0x6  }
0xae: {  	v2 =	vld [tilespmem:s10+$0x1A090]  }
0xaf: {  	v1 =	vld.idx.msk [tilespmem:v1+s16+$0x0], $0xffff;
	_ =	sdelay $0x4  }
0xb0: {  	[tilespmem:s10+$0x1E080] =	vst v1;
	v1 =	vld [tilespmem:s10+$0x1A0A0];
	_ =	sdelay $0x1  }
0xb1: {  	v2 =	vld.idx.msk [tilespmem:v2+s16+$0x0], $0xffff;
	_ =	sdelay $0x4  }
0xb2: {  	[tilespmem:s10+$0x1E090] =	vst v2;
	v2 =	vld [tilespmem:s10+$0x1A0B0]  }
0xb3: {  	v1 =	vld.idx.msk [tilespmem:v1+s16+$0x0], $0xffff;
	_ =	sdelay $0x4  }
0xb4: {  	[tilespmem:s10+$0x1E0A0] =	vst v1;
	v1 =	vld [tilespmem:s10+$0x1A0C0];
	_ =	sdelay $0x1  }
0xb5: {  	v2 =	vld.idx.msk [tilespmem:v2+s16+$0x0], $0xffff;
	_ =	sdelay $0x3  }
0xb6: {  	s11 =	simm.s32 $0x280;
	s23 =	simm.s32 $0x50  }
.LBB2_9:
0xb7: {  	p0 =	sne.s32 s11, $0x1E00;
	v3 =	vld [tilespmem:s23+$0x1A080];
	[tilespmem:s10+$0x1E0B0] =	vst v2  }
0xb8: {  	v1 =	vld.idx.msk [tilespmem:v1+s16+$0x0], $0xffff;
	_ =	sdelay $0x5  }
0xb9: {  	v2 =	vld [tilespmem:s23+$0x1A090];
	[tilespmem:s10+$0x1E0C0] =	vst v1;
	s10 =	smov.u32 s23  }
0xba: {  	v1 =	vld.idx.msk [tilespmem:v3+s16+$0x0], $0xffff;
	_ =	sdelay $0x5  }
0xbb: {  	[tilespmem:s10+$0x1E080] =	vst v1;
	v1 =	vld [tilespmem:s10+$0x1A0A0]  }
0xbc: {  	v2 =	vld.idx.msk [tilespmem:v2+s16+$0x0], $0xffff;
	_ =	sdelay $0x5  }
0xbd: {  	[tilespmem:s10+$0x1E090] =	vst v2;
	v2 =	vld [tilespmem:s10+$0x1A0B0]  }
0xbe: {  	v1 =	vld.idx.msk [tilespmem:v1+s16+$0x0], $0xffff;
	_ =	sdelay $0x5  }
0xbf: {  	[tilespmem:s10+$0x1E0A0] =	vst v1;
	v1 =	vld [tilespmem:s10+$0x1A0C0]  }
0xc0: {  	v2 =	vld.idx.msk [tilespmem:v2+s16+$0x0], $0xffff  }
.Ltmp3:
0xc1: {  	(pc) =	sbr.rel @p0 .LBB2_9-.Ltmp3, $2  }
0xc2: {  	_ =	sdelay $0x2  }
0xc3: {  	s23 =	sshra.s32 s11, $0x2;
	s11 =	sadd.s32 $0x140, s11  }
0xc4: {  	_ =	sdelay $0x1  }
0xc5: {  	v3 =	vld [tilespmem:s23+$0x1A080]  }
0xc6: {  	[tilespmem:s10+$0x1E0B0] =	vst v2  }
0xc7: {  	v1 =	vld.idx.msk [tilespmem:v1+s16+$0x0], $0xffff;
	_ =	sdelay $0x4  }
0xc8: {  	v2 =	vld [tilespmem:s23+$0x1A090];
	[tilespmem:s10+$0x1E0C0] =	vst v1  }
0xc9: {  	v1 =	vld.idx.msk [tilespmem:v3+s16+$0x0], $0xffff;
	_ =	sdelay $0x4  }
0xca: {  	[tilespmem:s23+$0x1E080] =	vst v1;
	v1 =	vld [tilespmem:s23+$0x1A0A0];
	_ =	sdelay $0x1  }
0xcb: {  	v2 =	vld.idx.msk [tilespmem:v2+s16+$0x0], $0xffff;
	_ =	sdelay $0x4  }
0xcc: {  	[tilespmem:s23+$0x1E090] =	vst v2;
	v2 =	vld [tilespmem:s23+$0x1A0B0]  }
0xcd: {  	v1 =	vld.idx.msk [tilespmem:v1+s16+$0x0], $0xffff;
	_ =	sdelay $0x4  }
0xce: {  	[tilespmem:s23+$0x1E0A0] =	vst v1;
	v1 =	vld [tilespmem:s23+$0x1A0C0];
	_ =	sdelay $0x1  }
0xcf: {  	v2 =	vld.idx.msk [tilespmem:v2+s16+$0x0], $0xffff;
	_ =	sdelay $0x4  }
0xd0: {  	[tilespmem:s23+$0x1E0B0] =	vst v2  }
0xd1: {  	v1 =	vld.idx.msk [tilespmem:v1+s16+$0x0], $0xffff;
	_ =	sdelay $0x4  }
0xd2: {  	[tilespmem:s23+$0x1E0C0] =	vst v1  }
0xd3: {  	_ =	swait.ge [sflag:s26], $0x7D0  }
0xd4: {  	[sflag:s26] =	ssyncset.done $0x0  }
0xd5: {  	s10 =	simm.s32 $0x0;
	[sflag:s26] =	ssyncadd.s32 $0xFFFFF830  }
0xd6: {  	v1 =	vld [tilespmem:s10+$0x1A880];
	_ =	sdelay $0x6  }
0xd7: {  	v2 =	vld [tilespmem:s10+$0x1A890]  }
0xd8: {  	v1 =	vld.idx.msk [tilespmem:v1+s16+$0x0], $0xffff;
	_ =	sdelay $0x4  }
0xd9: {  	[tilespmem:s10+$0x1E880] =	vst v1;
	v1 =	vld [tilespmem:s10+$0x1A8A0];
	_ =	sdelay $0x1  }
0xda: {  	v2 =	vld.idx.msk [tilespmem:v2+s16+$0x0], $0xffff;
	_ =	sdelay $0x4  }
0xdb: {  	[tilespmem:s10+$0x1E890] =	vst v2;
	v2 =	vld [tilespmem:s10+$0x1A8B0]  }
0xdc: {  	v1 =	vld.idx.msk [tilespmem:v1+s16+$0x0], $0xffff;
	_ =	sdelay $0x4  }
0xdd: {  	[tilespmem:s10+$0x1E8A0] =	vst v1;
	v1 =	vld [tilespmem:s10+$0x1A8C0];
	_ =	sdelay $0x1  }
0xde: {  	v2 =	vld.idx.msk [tilespmem:v2+s16+$0x0], $0xffff;
	_ =	sdelay $0x3  }
0xdf: {  	s11 =	simm.s32 $0x280;
	s23 =	simm.s32 $0x50  }
.LBB2_11:
0xe0: {  	p0 =	sne.s32 s11, $0x1E00;
	v3 =	vld [tilespmem:s23+$0x1A880];
	[tilespmem:s10+$0x1E8B0] =	vst v2  }
0xe1: {  	v1 =	vld.idx.msk [tilespmem:v1+s16+$0x0], $0xffff;
	_ =	sdelay $0x5  }
0xe2: {  	v2 =	vld [tilespmem:s23+$0x1A890];
	[tilespmem:s10+$0x1E8C0] =	vst v1;
	s10 =	smov.u32 s23  }
0xe3: {  	v1 =	vld.idx.msk [tilespmem:v3+s16+$0x0], $0xffff;
	_ =	sdelay $0x5  }
0xe4: {  	[tilespmem:s10+$0x1E880] =	vst v1;
	v1 =	vld [tilespmem:s10+$0x1A8A0]  }
0xe5: {  	v2 =	vld.idx.msk [tilespmem:v2+s16+$0x0], $0xffff;
	_ =	sdelay $0x5  }
0xe6: {  	[tilespmem:s10+$0x1E890] =	vst v2;
	v2 =	vld [tilespmem:s10+$0x1A8B0]  }
0xe7: {  	v1 =	vld.idx.msk [tilespmem:v1+s16+$0x0], $0xffff;
	_ =	sdelay $0x5  }
0xe8: {  	[tilespmem:s10+$0x1E8A0] =	vst v1;
	v1 =	vld [tilespmem:s10+$0x1A8C0]  }
0xe9: {  	v2 =	vld.idx.msk [tilespmem:v2+s16+$0x0], $0xffff  }
.Ltmp4:
0xea: {  	(pc) =	sbr.rel @p0 .LBB2_11-.Ltmp4, $2  }
0xeb: {  	_ =	sdelay $0x2  }
0xec: {  	s23 =	sshra.s32 s11, $0x2;
	s11 =	sadd.s32 $0x140, s11  }
0xed: {  	_ =	sdelay $0x1  }
0xee: {  	v3 =	vld [tilespmem:s23+$0x1A880]  }
0xef: {  	[tilespmem:s10+$0x1E8B0] =	vst v2  }
0xf0: {  	v1 =	vld.idx.msk [tilespmem:v1+s16+$0x0], $0xffff;
	_ =	sdelay $0x4  }
0xf1: {  	v2 =	vld [tilespmem:s23+$0x1A890];
	[tilespmem:s10+$0x1E8C0] =	vst v1  }
0xf2: {  	v1 =	vld.idx.msk [tilespmem:v3+s16+$0x0], $0xffff;
	_ =	sdelay $0x4  }
0xf3: {  	[tilespmem:s23+$0x1E880] =	vst v1;
	v1 =	vld [tilespmem:s23+$0x1A8A0];
	_ =	sdelay $0x1  }
0xf4: {  	v2 =	vld.idx.msk [tilespmem:v2+s16+$0x0], $0xffff;
	_ =	sdelay $0x4  }
0xf5: {  	[tilespmem:s23+$0x1E890] =	vst v2;
	v2 =	vld [tilespmem:s23+$0x1A8B0]  }
0xf6: {  	v1 =	vld.idx.msk [tilespmem:v1+s16+$0x0], $0xffff;
	_ =	sdelay $0x4  }
0xf7: {  	[tilespmem:s23+$0x1E8A0] =	vst v1;
	v1 =	vld [tilespmem:s23+$0x1A8C0];
	_ =	sdelay $0x1  }
0xf8: {  	v2 =	vld.idx.msk [tilespmem:v2+s16+$0x0], $0xffff;
	_ =	sdelay $0x4  }
0xf9: {  	[tilespmem:s23+$0x1E8B0] =	vst v2  }
0xfa: {  	v1 =	vld.idx.msk [tilespmem:v1+s16+$0x0], $0xffff;
	_ =	sdelay $0x4  }
0xfb: {  	[tilespmem:s23+$0x1E8C0] =	vst v1  }
0xfc: {  	_ =	swait.ge [sflag:s1], $0x7D0  }
0xfd: {  	s9 =	sadd.s32 $0x1, s9;
	[sflag:s1] =	ssyncset.done $0x0  }
0xfe: {  	p0 =	sne.s32 s9, $0x19;
	[sflag:s1] =	ssyncadd.s32 $0xFFFFF830  }
0xff: {  	[spmem:s2] =	stream.indirect.scatter.add.f32 [tilespmem:s13], [sflag:$0x9], $0x1, s0, s29, $0xb8;
	[tilespmem:$0x1F080] =	vst v63  }
.Ltmp5:
0x100: {  	_ = 	snop;
	(pc) =	sbr.rel @p0 .LBB2_4-.Ltmp5, $4  }
0x101: {  	_ =	swait.ge [sflag:s21], $0x7D0  }
0x102: {  	[sflag:s21] =	ssyncset.done $0x0  }
0x103: {  	[sflag:s21] =	ssyncadd.s32 $0xFFFFF830  }
0x104: {  	[spmem:s2] =	stream.indirect.scatter.add.f32 [tilespmem:s22], [sflag:$0xA], $0x1, s4, s29, $0xb8;
	[tilespmem:$0x1F080] =	vst v63  }
0x105: {  	s7 =	simm.s32 $0x7  }
0x106: {  	_ =	swait.ge [sflag:s7], $0x7D0  }
0x107: {  	[sflag:s7] =	ssyncset.done $0x0  }
0x108: {  	s24 =	simm.s32 $0x8;
	[sflag:s7] =	ssyncadd.s32 $0xFFFFF830  }
0x109: {  	_ =	swait.ge [sflag:s24], $0x7D0  }
0x10a: {  	[sflag:s24] =	ssyncset.done $0x0  }
0x10b: {  	s9 =	simm.s32 $0x9;
	[sflag:s24] =	ssyncadd.s32 $0xFFFFF830  }
0x10c: {  	_ =	swait.ge [sflag:s9], $0x7D0  }
0x10d: {  	[sflag:s9] =	ssyncset.done $0x0  }
0x10e: {  	s10 =	simm.s32 $0xA;
	[sflag:s9] =	ssyncadd.s32 $0xFFFFF830  }
0x10f: {  	_ =	swait.ge [sflag:s10], $0x7D0  }
0x110: {  	[sflag:s10] =	ssyncset.done $0x0  }
0x111: {  	[sflag:s10] =	ssyncadd.s32 $0xFFFFF830  }
0x112: {  	[bflag:$0x0] =	sbarrier.arrive $0xFFFF  }
0x113: {  	s23 =	rddreg [dreg:$0x4]  }
0x114: {  	[tilespmem:s14], [sflag:$0xB] =	stream.linear.gather [spmem:s23], $0x780, $0x38;
	[tilespmem:$0x1F080] =	vst v63  }
0x115: {  	_ =	swait.ge [sflag:s15], $0x780  }
0x116: {  	s9 =	simm.s32 $0x80;
	[sflag:s15] =	ssyncset.done $0x0  }
0x117: {  	s10 =	simm.s32 $0x100;
	s11 =	rddreg [dreg:$0x9];
	[sflag:s15] =	ssyncadd.s32 $0xFFFFF880  }
0x118: {  	[hbm4b:s11+s9] =	stream.strided.scatter [tilespmem:s14], [sflag:$0xB], $0x780, s10, s9, $0x38;
	[tilespmem:$0x1F080] =	vst v63  }
0x119: {  	_ =	swait.ge [sflag:s15], $0x780  }
0x11a: {  	[sflag:s15] =	ssyncset.done $0x0  }
0x11b: {  	s24 =	rddreg [dreg:$0x5];
	[sflag:s15] =	ssyncadd.s32 $0xFFFFF880  }
0x11c: {  	[tilespmem:s14], [sflag:$0xB] =	stream.linear.gather [spmem:s24], $0x780, $0x38;
	[tilespmem:$0x1F080] =	vst v63  }
0x11d: {  	_ =	swait.ge [sflag:s15], $0x780  }
0x11e: {  	[sflag:s15] =	ssyncset.done $0x0  }
0x11f: {  	s11 =	rddreg [dreg:$0xa];
	[sflag:s15] =	ssyncadd.s32 $0xFFFFF880  }
0x120: {  	[hbm4b:s11+s9] =	stream.strided.scatter [tilespmem:s14], [sflag:$0xB], $0x780, s10, s9, $0x38;
	[tilespmem:$0x1F080] =	vst v63  }
0x121: {  	_ =	swait.ge [sflag:s15], $0x780  }
0x122: {  	[sflag:s15] =	ssyncset.done $0x0  }
0x123: {  	s24 =	rddreg [dreg:$0x6];
	[sflag:s15] =	ssyncadd.s32 $0xFFFFF880  }
0x124: {  	[tilespmem:s14], [sflag:$0xB] =	stream.linear.gather [spmem:s24], $0x780, $0x38;
	[tilespmem:$0x1F080] =	vst v63  }
0x125: {  	_ =	swait.ge [sflag:s15], $0x780  }
0x126: {  	[sflag:s15] =	ssyncset.done $0x0  }
0x127: {  	s11 =	rddreg [dreg:$0xb];
	[sflag:s15] =	ssyncadd.s32 $0xFFFFF880  }
0x128: {  	[hbm4b:s11+s9] =	stream.strided.scatter [tilespmem:s14], [sflag:$0xB], $0x780, s10, s9, $0x38;
	[tilespmem:$0x1F080] =	vst v63  }
0x129: {  	_ =	swait.ge [sflag:s15], $0x780  }
0x12a: {  	[sflag:s15] =	ssyncset.done $0x0  }
0x12b: {  	s24 =	rddreg [dreg:$0x7];
	[sflag:s15] =	ssyncadd.s32 $0xFFFFF880  }
0x12c: {  	[tilespmem:s14], [sflag:$0xB] =	stream.linear.gather [spmem:s24], $0x200, $0x38;
	[tilespmem:$0x1F080] =	vst v63  }
0x12d: {  	_ =	swait.ge [sflag:s15], $0x200  }
0x12e: {  	[sflag:s15] =	ssyncset.done $0x0  }
0x12f: {  	s11 =	rddreg [dreg:$0xc];
	[sflag:s15] =	ssyncadd.s32 $0xFFFFFE00  }
0x130: {  	[hbm4b:s11+s9] =	stream.strided.scatter [tilespmem:s14], [sflag:$0xB], $0x200, s10, s9, $0x38;
	[tilespmem:$0x1F080] =	vst v63  }
0x131: {  	_ =	swait.ge [sflag:s15], $0x200  }
0x132: {  	s3 =	sadd.s32 $0x1, s3;
	s24 =	rddreg [dreg:$0x8]  }
0x133: {  	p0 =	sne.s32 s3, s24  }
.Ltmp6:
0x134: {  	_ = 	snop;
	(pc) =	sbr.rel @p0 .LBB2_1-.Ltmp6, $3  }
0x135: {  	_ =	sdelay $0x1  }
0x136: {  	[sflag:s15] =	ssyncset.done $0x0  }
0x137: {  	[sflag:s15] =	ssyncadd.s32 $0xFFFFFE00  }
0x138: {  	_ =	sfence.sel $0x180000  }
0x139: {  	[bflag:$0x0] =	sbarrier.arrive $0xFFFF  }
0x13a: {  	_ =	strace $0x9000004A  }
0x13b: {  	s0 =	stileid.u32;
	[bflag:$0x2] =	sbarrier.arrive $0xFFFF  }
0x13c: {  	p0 =	sne.s32 s0, $0x0;
	s0 =	rddreg [dreg:$0x3]  }
0x13d: {  	s0 =	sadd.s32 @!p0 $0x100000, s0  }
0x13e: {  	[sflag:s0] =	ssyncadd.tile.s32 @!p0 $0x1;
	_ =	shalt  }
.Lfunc_end2:
_tile_overlayer_lowered:
.L_overlay_start_2:
0x13f: {  	(tag) =	ssettag $0x2  }
0x140: {  	s0 =	rddreg [dreg:$0x0];
	s2 =	stileid.u32  }
0x141: {  	s1 =	rddreg [dreg:$0x1];
	p0 =	sne.s32 s2, $0x0  }
0x142: {  	s3 =	rddreg [dreg:$0x2];
	[bflag:$0x3] =	sbarrier.arrive $0xFFFF;
	s2 =	simm.s32 @!p0 $0x1C0B  }
0x143: {  	[timem:s3], [sflag:s2] =	dma.local @!p0 [hbm:s0], s1  }
0x144: {  	s0 =	simm.s32 @!p0 $0xB  }
0x145: {  	_ =	swait.ge @!p0 [sflag:s0], s1  }
0x146: {  	s1 =	ssub.s32 @!p0 $0x0, s1;
	[sflag:s0] =	ssyncset.done @!p0 $0x0  }
0x147: {  	[sflag:s0] =	ssyncadd.s32 @!p0 s1  }
0x148: {  	[bflag:$0x3] =	sbarrier.arrive $0xFFFF  }
0x149: {  	_ =	shalt  }

// kernel: kernel.14.cloned.1.call-start
scs
__scs_entry_jumppad:
0x0: {  	(pc) =	sbr.rel $0x88, $3  }
0x1: {  	(tag) =	ssettag $0x0;
	lr =	simm.s32 $0x1  }
0x2: {  	[smem:$0x3F9B] =	sst lr;
	_ =	strace $0xD0000000  }
0x3: {  	_ = 	snop  }
0x4: {  	_ = 	snop  }
0x5: {  	_ = 	snop  }
0x6: {  	_ = 	snop  }
0x7: {  	_ = 	snop  }
__scs_overlays_trampoline_lowered:
0x8: {  	[smem:$0x3FAA] =	sst s0  }
0x9: {  	[smem:$0x3FAB] =	sst s1  }
0xa: {  	[smem:$0x3FAC] =	sst s2  }
0xb: {  	[smem:$0x3FAD] =	sst s3  }
0xc: {  	[smem:$0x3FAE] =	sst s4  }
0xd: {  	[smem:$0x3FAF] =	sst s5  }
0xe: {  	[smem:$0x3FB0] =	sst s6  }
0xf: {  	[smem:$0x3FB1] =	sst s7  }
0x10: {  	[smem:$0x3FB2] =	sst s8  }
0x11: {  	[smem:$0x3FB3] =	sst s9;
	s0 =	simm.s32 @!p0 $0x0  }
0x12: {  	s1 =	sld [smem:$0x3F99];
	s0 =	simm.s32 @p0 $0x1  }
0x13: {  	[smem:$0x3FB4] =	sst s0;
	s0 =	simm.s32 @!p1 $0x0  }
0x14: {  	s2 =	sld [smem:$0x3F98];
	s0 =	simm.s32 @p1 $0x1  }
0x15: {  	[smem:$0x3FB5] =	sst s0;
	s0 =	simm.s32 @!p2 $0x0  }
0x16: {  	s3 =	sld [smem:$0x3FDB];
	s0 =	simm.s32 @p2 $0x1  }
0x17: {  	s4 =	simm.s32 $0x1BF5;
	[smem:$0x3FB7] =	sst s0  }
0x18: {  	s0 =	sld [smem:$0x3F9A];
	_ =	swait.ge [sflag:s4], $0x0  }
0x19: {  	s7 =	sld [smem:$0x3F9B]  }
0x1a: {  	s8 =	sadd.s32 $0xFFFFE003, lr  }
0x1b: {  	s9 =	sadd.s32 $0xFFFFFEF7, lr;
	s5 =	simm.s32 $0xFFFFFFFF;
	p2 =	slt.u32 s8, $0xFFFFF086  }
0x1c: {  	p1 =	slt.u32 s9, $0xF7A;
	s5 =	simm.s32 @!p2 $0x0  }
0x1d: {  	s5 =	simm.s32 @p1 $0x1;
	p0 =	seq.s32 s7, s2  }
0x1e: {  	s7 =	smul.u32 @!p0 $0xF7A, s2;
	p2 =	seq.s32 @!p0 s5, $0x0  }
0x1f: {  	s9 =	smul.u32 $0xF7A, s1;
	s8 =	simm.s32 @!p0 $0x1BF5;
	p2 =	por !p2, p0  }
0x20: {  	[sflag:s8] =	ssyncset.s32 @!p0 $0xFFFFF086;
	s6 =	sadd.s32 @!p0 s3, s7;
	s7 =	simm.s32 @!p0 $0x108  }
0x21: {  	s3 =	sadd.s32 s3, s9;
	s6 =	sadd.s32 @!p0 $0x88, s6;
	s7 =	simm.s32 @p2 $0x1082  }
0x22: {  	[simem:s7], [sflag:s8] =	dma.local @!p0 [hbm:s6], $0xF7A  }
0x23: {  	s9 =	sor.u32 $0xD0000000, s2;
	s6 =	simm.s32 $0x108;
	_ =	swait.ge @!p0 [sflag:s8], $0x0  }
0x24: {  	s3 =	sadd.s32 $0x88, s3;
	s6 =	simm.s32 @!p1 $0x1082;
	[sflag:s4] =	ssyncset.s32 $0xFFFFF086  }
0x25: {  	[simem:s6], [sflag:s4] =	dma.local [hbm:s3], $0xF7A  }
0x26: {  	[smem:$0x3F9B] =	sst s1;
	(tag) =	ssettag s2;
	_ =	strace s9  }
0x27: {  	s1 =	sld [smem:$0x3FAB]  }
0x28: {  	s2 =	sld [smem:$0x3FAC]  }
0x29: {  	s4 =	sld [smem:$0x3FAE]  }
0x2a: {  	p0 =	seq.s32 s5, $0x0;
	s5 =	sld [smem:$0x3FAF]  }
0x2b: {  	s6 =	sld [smem:$0x3FB0]  }
0x2c: {  	s7 =	sld [smem:$0x3FB1]  }
0x2d: {  	s3 =	simm.s32 $0x108;
	s8 =	sld [smem:$0x3FB2]  }
0x2e: {  	s3 =	simm.s32 @!p0 $0x1082;
	s9 =	sld [smem:$0x3FB3]  }
0x2f: {  	lr =	sadd.s32 s0, s3;
	s0 =	sld [smem:$0x3FAA]  }
0x30: {  	s3 =	sld [smem:$0x3FAD]  }
0x31: {  	[smem:$0x3FB6] =	sst s10  }
0x32: {  	s10 =	sld [smem:$0x3FB4];
	_ =	sdelay $0x3  }
0x33: {  	p0 =	seq.s32 s10, $0x1;
	s10 =	sld [smem:$0x3FB6];
	_ =	sdelay $0x3  }
0x34: {  	[smem:$0x3FB6] =	sst s10  }
0x35: {  	s10 =	sld [smem:$0x3FB5];
	_ =	sdelay $0x3  }
0x36: {  	p1 =	seq.s32 s10, $0x1;
	s10 =	sld [smem:$0x3FB6];
	_ =	sdelay $0x3  }
0x37: {  	[smem:$0x3FB6] =	sst s10  }
0x38: {  	s10 =	sld [smem:$0x3FB7]  }
0x39: {  	_ = 	snop;
	(pc) =	sbr.ind lr, $3  }
0x3a: {  	_ = 	snop  }
0x3b: {  	_ = 	snop  }
0x3c: {  	p2 =	seq.s32 s10, $0x1;
	s10 =	sld [smem:$0x3FB6]  }
0x3d: {  	_ =	shalt  }
0x3e: {  	_ =	shalt  }
0x3f: {  	_ =	shalt  }
0x40: {  	_ =	shalt  }
0x41: {  	_ =	shalt  }
0x42: {  	_ =	shalt  }
0x43: {  	_ =	shalt  }
0x44: {  	_ =	shalt  }
0x45: {  	_ =	shalt  }
0x46: {  	_ =	shalt  }
0x47: {  	_ =	shalt  }
0x48: {  	_ =	shalt  }
0x49: {  	_ =	shalt  }
0x4a: {  	_ =	shalt  }
0x4b: {  	_ =	shalt  }
0x4c: {  	_ =	shalt  }
0x4d: {  	_ =	shalt  }
0x4e: {  	_ =	shalt  }
0x4f: {  	_ =	shalt  }
0x50: {  	_ =	shalt  }
0x51: {  	_ =	shalt  }
0x52: {  	_ =	shalt  }
0x53: {  	_ =	shalt  }
0x54: {  	_ =	shalt  }
0x55: {  	_ =	shalt  }
0x56: {  	_ =	shalt  }
0x57: {  	_ =	shalt  }
0x58: {  	_ =	shalt  }
0x59: {  	_ =	shalt  }
0x5a: {  	_ =	shalt  }
0x5b: {  	_ =	shalt  }
0x5c: {  	_ =	shalt  }
0x5d: {  	_ =	shalt  }
0x5e: {  	_ =	shalt  }
0x5f: {  	_ =	shalt  }
0x60: {  	_ =	shalt  }
0x61: {  	_ =	shalt  }
0x62: {  	_ =	shalt  }
0x63: {  	_ =	shalt  }
0x64: {  	_ =	shalt  }
0x65: {  	_ =	shalt  }
0x66: {  	_ =	shalt  }
0x67: {  	_ =	shalt  }
0x68: {  	_ =	shalt  }
0x69: {  	_ =	shalt  }
0x6a: {  	_ =	shalt  }
0x6b: {  	_ =	shalt  }
0x6c: {  	_ =	shalt  }
0x6d: {  	_ =	shalt  }
0x6e: {  	_ =	shalt  }
0x6f: {  	_ =	shalt  }
0x70: {  	_ =	shalt  }
0x71: {  	_ =	shalt  }
0x72: {  	_ =	shalt  }
0x73: {  	_ =	shalt  }
0x74: {  	_ =	shalt  }
0x75: {  	_ =	shalt  }
0x76: {  	_ =	shalt  }
0x77: {  	_ =	shalt  }
0x78: {  	_ =	shalt  }
0x79: {  	_ =	shalt  }
0x7a: {  	_ =	shalt  }
0x7b: {  	_ =	shalt  }
0x7c: {  	_ =	shalt  }
0x7d: {  	_ =	shalt  }
0x7e: {  	_ =	shalt  }
0x7f: {  	_ =	shalt  }
0x80: {  	_ =	shalt  }
0x81: {  	_ =	shalt  }
0x82: {  	_ =	shalt  }
0x83: {  	_ =	shalt  }
0x84: {  	_ =	shalt  }
0x85: {  	_ =	shalt  }
0x86: {  	_ =	shalt  }
0x87: {  	_ =	shalt  }
.Lfunc_end0:
.L_simem_size_0:
called_computation.2_lowered:
.L_overlay_start_0:
0x88: {  	s2 =	sld [smem:$0x3FD9]  }
0x89: {  	s3 =	sld [smem:$0x3FFE];
	_ =	sdelay $0x1  }
0x8a: {  	s1 =	srdreg.scid  }
0x8b: {  	s0 =	sand.u32 $0x1, s1  }
0x8c: {  	s17 =	sshll.u32 s0, $0xA;
	s2 =	sadd.s32 s3, s2  }
0x8d: {  	s2 =	sadd.s32 s2, s17  }
0x8e: {  	[smem:$0x3FC2] =	sst s2  }
0x8f: {  	_ = 	snop  }
0x90: {  	s2 =	sld [smem:$0x3FD0];
	(tm) =	ssettm $0x1  }
0x91: {  	s18 =	sld [smem:$0x3FFB];
	_ =	sdelay $0x3  }
0x92: {  	_ =	strace s18  }
0x93: {  	s3 =	sld [smem:$0x3FFC];
	_ =	sdelay $0x3  }
0x94: {  	_ =	strace s3  }
0x95: {  	s3 =	sld [smem:$0x3FFD];
	_ =	sdelay $0x3  }
0x96: {  	_ =	strace s3  }
0x97: {  	_ =	strace $0x8FFFFFFF  }
0x98: {  	s19 =	sld [smem:$0x3FDB];
	_ =	sdelay $0x1  }
0x99: {  	s4 =	simm.s32 $_scs_section_size  }
0x9a: {  	s5 =	simm.s32 $_size__tile_overlayer_lowered;
	s6 =	simm.s32 $_tile_overlayer_lowered  }
0x9b: {  	s22 =	simm.s32 $0x1BFF;
	s21 =	sshll.u32 s6, $0x1;
	s3 =	sadd.s32 s4, s19  }
0x9c: {  	s7 =	simm.s32 $0x0;
	s20 =	sshll.u32 s5, $0x1;
	s5 =	sadd.s32 s21, s3  }
0x9d: {  	[timem:s7], [sflag:s22] =	dma.local [hbm:s5], s20  }
0x9e: {  	_ =	swait.ge [sflag:s22], s20  }
0x9f: {  	s4 =	ssub.s32 $0x0, s20;
	[sflag:s22] =	ssyncset.done $0x0  }
0xa0: {  	[sflag:s22] =	ssyncadd.s32 s4;
	_ =	sdelay $0x1  }
0xa1: {  	s23 =	simm.s32 $0x1B8B  }
0xa2: {  	_ =	swait.ge [sflag:s23], $0x1  }
0xa3: {  	[sflag:s23] =	ssyncset.done $0x0  }
0xa4: {  	s25 =	simm.s32 $0x1B8E;
	s24 =	sld [smem:$0x3FFE];
	[sflag:s23] =	ssyncadd.s32 $0xFFFFFFFF  }
0xa5: {  	s26 =	simm.s32 $execute0_lowered;
	[smem:$0x3FD2] =	sst s25  }
0xa6: {  	s5 =	sshll.u32 s26, $0x1;
	_ =	strace $0x8000004C;
	[dreg:$0x1] =	wrdreg $0xFFFFFFFF  }
0xa7: {  	s28 =	simm.s32 $_size_execute0_lowered;
	s3 =	sadd.s32 s3, s5;
	[dreg:$0x0] =	wrdreg $0x0  }
0xa8: {  	s5 =	sshll.u32 s28, $0x1;
	[dreg:$0x2] =	wrdreg s3  }
0xa9: {  	[dreg:$0x3] =	wrdreg s5  }
0xaa: {  	[dreg:$0x4] =	wrdreg $0xC0  }
0xab: {  	_ =	task [dreg:s7], $0x5FFFF  }
0xac: {  	[dreg:$0x1] =	wrdreg $0xFFFFFFFF  }
0xad: {  	[dreg:$0x0] =	wrdreg $0x60  }
0xae: {  	[dreg:$0x2] =	wrdreg s24  }
0xaf: {  	[dreg:$0x3] =	wrdreg s2  }
0xb0: {  	[dreg:$0x4] =	wrdreg $0x0  }
0xb1: {  	[dreg:$0x5] =	wrdreg $0x9  }
0xb2: {  	_ =	task.clear_ibuf [dreg:s7], $0x6FFFF;
	_ =	strace $0x9000004C  }
0xb3: {  	s29 =	simm.s32 $0x9;
	_ =	strace $0x8000004E  }
0xb4: {  	_ =	swait.ge [sflag:s29], $0x1  }
0xb5: {  	[sflag:s29] =	ssyncadd.s32 $0xFFFFFFFF  }
0xb6: {  	_ =	strace $0x9000004E  }
0xb7: {  	_ =	sfence  }
0xb8: {  	s30 =	sld [smem:$0x0];
	_ =	sdelay $0x2  }
0xb9: {  	s31 =	sshll.u32 s1, $0xD;
	s1 =	sshrl.u32 s1, $0x2  }
0xba: {  	s3 =	sand.u32 $0x4000, s31;
	s1 =	sadd.s32 s1, s30  }
0xbb: {  	s0 =	sor.u32 s3, s0;
	s1 =	sshll.u32 s1, $0x11  }
0xbc: {  	s0 =	sor.u32 s1, s0  }
0xbd: {  	s0 =	sadd.s32 $0x8F2B, s0  }
0xbe: {  	[sflag:s0] =	ssyncadd.remote.s32 $0x1  }
0xbf: {  	_ =	sfence.sel $0xFFFF  }
0xc0: {  	[dreg:$0x0] =	wrdreg $0xFFFFFFFF;
	(pc) =	sbr.abs _section_cstart, $3  }
0xc1: {  	[dreg:$0x1] =	wrdreg $0xFFFFFFFF  }
0xc2: {  	_ =	task.clear_ibuf [dreg:s7], $0x2FFFF;
	_ =	strace $0x9FFFFFFF  }
0xc3: {  	(tm) =	ssettm $0x7FFFFFFF  }
tec
execute0_lowered:
.L_overlay_start_1:
0x0: {  	(tag) =	ssettag $0x1  }
0x1: {  	s0 =	rddreg [dreg:$0x0]  }
0x2: {  	s13 =	rddreg [dreg:$0x1]  }
0x3: {  	s2 =	rddreg [dreg:$0x2];
	s3 =	simm.s32 $0x0;
	s1 =	srdreg.scid  }
0x4: {  	s14 =	stileid.u32;
	s15 =	simm.s32 $0xB;
	s16 =	simm.s32 $0x1880  }
0x5: {  	s17 =	simm.s32 $0x1A080;
	s18 =	simm.s32 $0x1B080;
	s19 =	simm.s32 $0x1A880  }
0x6: {  	s28 =	simm.s32 $0x3;
	s29 =	simm.s32 $0x7D0;
	s30 =	simm.s32 $0x4  }
0x7: {  	s31 =	simm.s32 $0x1D880;
	[smem:$0x7FF] =	sst s3;
	s5 =	sadd.s32 $0xC5600, s0  }
0x8: {  	s1 =	sand.u32 $0x1, s1;
	s7 =	smul.u32 $0x1880, s14;
	s9 =	sadd.s32 $0x188C00, s0  }
0x9: {  	s6 =	sadd.s32 $0x2000, s0;
	s24 =	smul.u32 $0x620, s14;
	_ =	strace $0x8000004D  }
0xa: {  	s4 =	ssub.s32 $0x2, s1;
	s8 =	sshll.u32 s1, $0x4;
	p0 =	seq.s32 s1, $0x1  }
0xb: {  	s10 =	sshrl.u32 s4, $0x1;
	s0 =	sadd.s32 s8, s0;
	s23 =	sadd.s32 s7, s2  }
0xc: {  	s20 =	sadd.s32 $0x780, s7;
	s11 =	sadd.s32 $0xF00, s7;
	s8 =	smul.u32 $0x61A80, s14  }
0xd: {  	s7 =	sadd.s32 $0x1680, s7;
	s13 =	smov.u32 @p0 s9;
	s14 =	simm.s32 $0x1D080  }
0xe: {  	s4 =	ssub.s32 s4, s10;
	s12 =	sadd.s32 s20, s2;
	[dreg:$0x4] =	wrdreg s13  }
0xf: {  	s21 =	sadd.s32 s11, s2;
	s22 =	sadd.s32 s7, s2;
	[dreg:$0x5] =	wrdreg s23  }
0x10: {  	s0 =	sadd.s32 $0x18BE00, s0;
	s10 =	sshrl.u32 s20, $0x2;
	[dreg:$0x6] =	wrdreg s12  }
0x11: {  	s11 =	sshrl.u32 s11, $0x2;
	s7 =	sshrl.u32 s7, $0x2;
	[dreg:$0x7] =	wrdreg s21  }
0x12: {  	s20 =	simm.s32 $0x1B880;
	[dreg:$0x8] =	wrdreg s22;
	s4 =	smax.u32 s4, $0x1  }
0x13: {  	s13 =	simm.s32 $0x5;
	s1 =	sadd.s32 s24, s0;
	[dreg:$0x9] =	wrdreg s4  }
0x14: {  	s12 =	sadd.s32 $0xFA0, s8;
	s25 =	sadd.s32 s10, s0;
	[dreg:$0xa] =	wrdreg s1  }
0x15: {  	s26 =	sadd.s32 s11, s0;
	s0 =	sadd.s32 s7, s0;
	[dreg:$0xb] =	wrdreg s25  }
0x16: {  	s21 =	simm.s32 $0x6;
	s22 =	simm.s32 $0x1E880;
	[dreg:$0xc] =	wrdreg s26  }
0x17: {  	[dreg:$0xd] =	wrdreg s0;
	s25 =	simm.s32 $0x1;
	s26 =	simm.s32 $0x2  }
0x18: {  	v0 =	vimm.f32 $0.0e+00;
	s0 =	simm.s32 $0x1C080;
	s4 =	simm.s32 $0x1C880;
	s1 =	simm.s32 $0x1E080  }
.LBB2_1:
0x19: {  	s7 =	simm.s32 $0x40;
	s9 =	simm.s32 $0x0  }
.LBB2_2:
0x1a: {  	p0 =	sne.s32 s7, $0x1F00;
	[tilespmem:s9+$0x1D080] =	vst v0;
	s9 =	smov.u32 s7;
	s7 =	sadd.s32 $0x40, s7  }
.Ltmp0:
0x1b: {  	(pc) =	sbr.rel @p0 .LBB2_2-.Ltmp0, $2  }
0x1c: {  	_ =	sdelay $0x2  }
0x1d: {  	s9 =	sshra.s32 s9, $0x2  }
0x1e: {  	[tilespmem:s9+$0x1D080] =	vst v0  }
0x1f: {  	[spmem:s23] =	stream.linear.scatter [tilespmem:s14], [sflag:$0xB], $0x780, $0x38;
	[tilespmem:$0x1F080] =	vst v63  }
0x20: {  	_ =	swait.ge [sflag:s15], $0x780  }
0x21: {  	[sflag:s15] =	ssyncset.done $0x0  }
0x22: {  	s7 =	rddreg [dreg:$0x6];
	[sflag:s15] =	ssyncadd.s32 $0xFFFFF880  }
0x23: {  	[spmem:s7] =	stream.linear.scatter [tilespmem:s14], [sflag:$0xB], $0x780, $0x38;
	[tilespmem:$0x1F080] =	vst v63  }
0x24: {  	_ =	swait.ge [sflag:s15], $0x780  }
0x25: {  	[sflag:s15] =	ssyncset.done $0x0  }
0x26: {  	s11 =	rddreg [dreg:$0x7];
	[sflag:s15] =	ssyncadd.s32 $0xFFFFF880  }
0x27: {  	[spmem:s11] =	stream.linear.scatter [tilespmem:s14], [sflag:$0xB], $0x780, $0x38;
	[tilespmem:$0x1F080] =	vst v63  }
0x28: {  	_ =	swait.ge [sflag:s15], $0x780  }
0x29: {  	[sflag:s15] =	ssyncset.done $0x0  }
0x2a: {  	s23 =	rddreg [dreg:$0x8];
	[sflag:s15] =	ssyncadd.s32 $0xFFFFF880  }
0x2b: {  	[spmem:s23] =	stream.linear.scatter [tilespmem:s14], [sflag:$0xB], $0x200, $0x38;
	[tilespmem:$0x1F080] =	vst v63  }
0x2c: {  	_ =	swait.ge [sflag:s15], $0x200  }
0x2d: {  	[sflag:s15] =	ssyncset.done $0x0  }
0x2e: {  	s7 =	simm.s32 $0x0;
	s24 =	rddreg [dreg:$0x4];
	[sflag:s15] =	ssyncadd.s32 $0xFFFFFE00  }
0x2f: {  	[tilespmem:s16], [sflag:$0xB] =	stream.linear.gather [hbm4b:s24+s7], $0x18800, $0x38;
	[tilespmem:$0x1F080] =	vst v63  }
0x30: {  	_ =	swait.ge [sflag:s15], $0x18800  }
0x31: {  	[sflag:s15] =	ssyncset.done $0x0  }
0x32: {  	[sflag:s15] =	ssyncadd.s32 $0xFFFE7800  }
0x33: {  	s9 =	simm.s32 $0x0;
	[bflag:$0x0] =	sbarrier.arrive $0xFFFF  }
.LBB2_4:
0x34: {  	p0 =	seq.s32 s9, $0x0  }
0x35: {  	s11 =	simm.s32 @!p0 $0x7  }
0x36: {  	_ =	swait.ge @!p0 [sflag:s11], $0x7D0  }
0x37: {  	s10 =	smul.u32 $0x1F40, s9;
	[sflag:s11] =	ssyncset.done @!p0 $0x0  }
0x38: {  	[sflag:s11] =	ssyncadd.s32 @!p0 $0xFFFFF830;
	s11 =	simm.s32 @!p0 $0x8  }
0x39: {  	s23 =	sadd.s32 s8, s10;
	_ =	swait.ge @!p0 [sflag:s11], $0x7D0  }
0x3a: {  	s24 =	sshrl.u32 s23, $0x3;
	[sflag:s11] =	ssyncset.done @!p0 $0x0  }
0x3b: {  	[sflag:s11] =	ssyncadd.s32 @!p0 $0xFFFFF830;
	s11 =	sadd.s32 s5, s24  }
0x3c: {  	[tilespmem:s17], [sflag:$0x1] =	stream.linear.gather [hbm4b:s11+s7], $0x7D0, $0x38;
	[tilespmem:$0x1F080] =	vst v63  }
0x3d: {  	s11 =	sadd.s32 $0x7D0, s23  }
0x3e: {  	s24 =	sadd.s32 s6, s24;
	s11 =	sshrl.u32 s11, $0x3  }
0x3f: {  	[tilespmem:s18], [sflag:$0x3] =	stream.linear.gather [hbm4b:s24+s7], $0x7D0, $0x38;
	[tilespmem:$0x1F080] =	vst v63  }
0x40: {  	s24 =	sadd.s32 s5, s11  }
0x41: {  	[tilespmem:s19], [sflag:$0x2] =	stream.linear.gather [hbm4b:s24+s7], $0x7D0, $0x38;
	[tilespmem:$0x1F080] =	vst v63  }
0x42: {  	s11 =	sadd.s32 s6, s11  }
0x43: {  	[tilespmem:s20], [sflag:$0x4] =	stream.linear.gather [hbm4b:s11+s7], $0x7D0, $0x38;
	[tilespmem:$0x1F080] =	vst v63  }
0x44: {  	_ =	swait.ge [sflag:s25], $0x7D0  }
0x45: {  	[sflag:s25] =	ssyncset.done $0x0  }
0x46: {  	s11 =	simm.s32 $0x0;
	[sflag:s25] =	ssyncadd.s32 $0xFFFFF830  }
0x47: {  	v1 =	vld [tilespmem:s11+$0x1A080];
	_ =	sdelay $0x6  }
0x48: {  	v2 =	vld [tilespmem:s11+$0x1A090]  }
0x49: {  	v1 =	vld.idx.msk [tilespmem:v1+s16+$0x0], $0xffff;
	_ =	sdelay $0x4  }
0x4a: {  	[tilespmem:s11+$0x1D080] =	vst v1;
	v1 =	vld [tilespmem:s11+$0x1A0A0];
	_ =	sdelay $0x1  }
0x4b: {  	v2 =	vld.idx.msk [tilespmem:v2+s16+$0x0], $0xffff;
	_ =	sdelay $0x4  }
0x4c: {  	[tilespmem:s11+$0x1D090] =	vst v2;
	v2 =	vld [tilespmem:s11+$0x1A0B0]  }
0x4d: {  	v1 =	vld.idx.msk [tilespmem:v1+s16+$0x0], $0xffff;
	_ =	sdelay $0x4  }
0x4e: {  	[tilespmem:s11+$0x1D0A0] =	vst v1;
	v1 =	vld [tilespmem:s11+$0x1A0C0];
	_ =	sdelay $0x1  }
0x4f: {  	v2 =	vld.idx.msk [tilespmem:v2+s16+$0x0], $0xffff;
	_ =	sdelay $0x3  }
0x50: {  	s23 =	simm.s32 $0x280;
	s24 =	simm.s32 $0x50  }
.LBB2_5:
0x51: {  	p1 =	sne.s32 s23, $0x1E00;
	v3 =	vld [tilespmem:s24+$0x1A080];
	[tilespmem:s11+$0x1D0B0] =	vst v2  }
0x52: {  	v1 =	vld.idx.msk [tilespmem:v1+s16+$0x0], $0xffff;
	_ =	sdelay $0x5  }
0x53: {  	v2 =	vld [tilespmem:s24+$0x1A090];
	[tilespmem:s11+$0x1D0C0] =	vst v1;
	s11 =	smov.u32 s24  }
0x54: {  	v1 =	vld.idx.msk [tilespmem:v3+s16+$0x0], $0xffff;
	_ =	sdelay $0x5  }
0x55: {  	[tilespmem:s11+$0x1D080] =	vst v1;
	v1 =	vld [tilespmem:s11+$0x1A0A0]  }
0x56: {  	v2 =	vld.idx.msk [tilespmem:v2+s16+$0x0], $0xffff;
	_ =	sdelay $0x5  }
0x57: {  	[tilespmem:s11+$0x1D090] =	vst v2;
	v2 =	vld [tilespmem:s11+$0x1A0B0]  }
0x58: {  	v1 =	vld.idx.msk [tilespmem:v1+s16+$0x0], $0xffff;
	_ =	sdelay $0x5  }
0x59: {  	[tilespmem:s11+$0x1D0A0] =	vst v1;
	v1 =	vld [tilespmem:s11+$0x1A0C0]  }
0x5a: {  	v2 =	vld.idx.msk [tilespmem:v2+s16+$0x0], $0xffff  }
.Ltmp1:
0x5b: {  	(pc) =	sbr.rel @p1 .LBB2_5-.Ltmp1, $2  }
0x5c: {  	_ =	sdelay $0x2  }
0x5d: {  	s24 =	sshra.s32 s23, $0x2;
	s23 =	sadd.s32 $0x140, s23  }
0x5e: {  	_ =	sdelay $0x1  }
0x5f: {  	v3 =	vld [tilespmem:s24+$0x1A080]  }
0x60: {  	[tilespmem:s11+$0x1D0B0] =	vst v2  }
0x61: {  	v1 =	vld.idx.msk [tilespmem:v1+s16+$0x0], $0xffff;
	_ =	sdelay $0x4  }
0x62: {  	v2 =	vld [tilespmem:s24+$0x1A090];
	[tilespmem:s11+$0x1D0C0] =	vst v1  }
0x63: {  	v1 =	vld.idx.msk [tilespmem:v3+s16+$0x0], $0xffff;
	_ =	sdelay $0x4  }
0x64: {  	[tilespmem:s24+$0x1D080] =	vst v1;
	v1 =	vld [tilespmem:s24+$0x1A0A0];
	_ =	sdelay $0x1  }
0x65: {  	v2 =	vld.idx.msk [tilespmem:v2+s16+$0x0], $0xffff;
	_ =	sdelay $0x4  }
0x66: {  	[tilespmem:s24+$0x1D090] =	vst v2;
	v2 =	vld [tilespmem:s24+$0x1A0B0]  }
0x67: {  	v1 =	vld.idx.msk [tilespmem:v1+s16+$0x0], $0xffff;
	_ =	sdelay $0x4  }
0x68: {  	[tilespmem:s24+$0x1D0A0] =	vst v1;
	v1 =	vld [tilespmem:s24+$0x1A0C0];
	_ =	sdelay $0x1  }
0x69: {  	v2 =	vld.idx.msk [tilespmem:v2+s16+$0x0], $0xffff;
	_ =	sdelay $0x4  }
0x6a: {  	[tilespmem:s24+$0x1D0B0] =	vst v2  }
0x6b: {  	v1 =	vld.idx.msk [tilespmem:v1+s16+$0x0], $0xffff;
	_ =	sdelay $0x4  }
0x6c: {  	[tilespmem:s24+$0x1D0C0] =	vst v1  }
0x6d: {  	_ =	swait.ge [sflag:s26], $0x7D0  }
0x6e: {  	[sflag:s26] =	ssyncset.done $0x0  }
0x6f: {  	s11 =	simm.s32 $0x0;
	[sflag:s26] =	ssyncadd.s32 $0xFFFFF830  }
0x70: {  	v1 =	vld [tilespmem:s11+$0x1A880];
	_ =	sdelay $0x6  }
0x71: {  	v2 =	vld [tilespmem:s11+$0x1A890]  }
0x72: {  	v1 =	vld.idx.msk [tilespmem:v1+s16+$0x0], $0xffff;
	_ =	sdelay $0x4  }
0x73: {  	[tilespmem:s11+$0x1D880] =	vst v1;
	v1 =	vld [tilespmem:s11+$0x1A8A0];
	_ =	sdelay $0x1  }
0x74: {  	v2 =	vld.idx.msk [tilespmem:v2+s16+$0x0], $0xffff;
	_ =	sdelay $0x4  }
0x75: {  	[tilespmem:s11+$0x1D890] =	vst v2;
	v2 =	vld [tilespmem:s11+$0x1A8B0]  }
0x76: {  	v1 =	vld.idx.msk [tilespmem:v1+s16+$0x0], $0xffff;
	_ =	sdelay $0x4  }
0x77: {  	[tilespmem:s11+$0x1D8A0] =	vst v1;
	v1 =	vld [tilespmem:s11+$0x1A8C0];
	_ =	sdelay $0x1  }
0x78: {  	v2 =	vld.idx.msk [tilespmem:v2+s16+$0x0], $0xffff;
	_ =	sdelay $0x3  }
0x79: {  	s23 =	simm.s32 $0x280;
	s24 =	simm.s32 $0x50  }
.LBB2_7:
0x7a: {  	p1 =	sne.s32 s23, $0x1E00;
	v3 =	vld [tilespmem:s24+$0x1A880];
	[tilespmem:s11+$0x1D8B0] =	vst v2  }
0x7b: {  	v1 =	vld.idx.msk [tilespmem:v1+s16+$0x0], $0xffff;
	_ =	sdelay $0x5  }
0x7c: {  	v2 =	vld [tilespmem:s24+$0x1A890];
	[tilespmem:s11+$0x1D8C0] =	vst v1;
	s11 =	smov.u32 s24  }
0x7d: {  	v1 =	vld.idx.msk [tilespmem:v3+s16+$0x0], $0xffff;
	_ =	sdelay $0x5  }
0x7e: {  	[tilespmem:s11+$0x1D880] =	vst v1;
	v1 =	vld [tilespmem:s11+$0x1A8A0]  }
0x7f: {  	v2 =	vld.idx.msk [tilespmem:v2+s16+$0x0], $0xffff;
	_ =	sdelay $0x5  }
0x80: {  	[tilespmem:s11+$0x1D890] =	vst v2;
	v2 =	vld [tilespmem:s11+$0x1A8B0]  }
0x81: {  	v1 =	vld.idx.msk [tilespmem:v1+s16+$0x0], $0xffff;
	_ =	sdelay $0x5  }
0x82: {  	[tilespmem:s11+$0x1D8A0] =	vst v1;
	v1 =	vld [tilespmem:s11+$0x1A8C0]  }
0x83: {  	v2 =	vld.idx.msk [tilespmem:v2+s16+$0x0], $0xffff  }
.Ltmp2:
0x84: {  	(pc) =	sbr.rel @p1 .LBB2_7-.Ltmp2, $2  }
0x85: {  	_ =	sdelay $0x2  }
0x86: {  	s24 =	sshra.s32 s23, $0x2;
	s23 =	sadd.s32 $0x140, s23  }
0x87: {  	_ =	sdelay $0x1  }
0x88: {  	v3 =	vld [tilespmem:s24+$0x1A880]  }
0x89: {  	[tilespmem:s11+$0x1D8B0] =	vst v2  }
0x8a: {  	v1 =	vld.idx.msk [tilespmem:v1+s16+$0x0], $0xffff;
	_ =	sdelay $0x4  }
0x8b: {  	v2 =	vld [tilespmem:s24+$0x1A890];
	[tilespmem:s11+$0x1D8C0] =	vst v1  }
0x8c: {  	v1 =	vld.idx.msk [tilespmem:v3+s16+$0x0], $0xffff;
	_ =	sdelay $0x4  }
0x8d: {  	[tilespmem:s24+$0x1D880] =	vst v1;
	v1 =	vld [tilespmem:s24+$0x1A8A0];
	_ =	sdelay $0x1  }
0x8e: {  	v2 =	vld.idx.msk [tilespmem:v2+s16+$0x0], $0xffff;
	_ =	sdelay $0x4  }
0x8f: {  	[tilespmem:s24+$0x1D890] =	vst v2;
	v2 =	vld [tilespmem:s24+$0x1A8B0]  }
0x90: {  	v1 =	vld.idx.msk [tilespmem:v1+s16+$0x0], $0xffff;
	_ =	sdelay $0x4  }
0x91: {  	[tilespmem:s24+$0x1D8A0] =	vst v1;
	v1 =	vld [tilespmem:s24+$0x1A8C0];
	_ =	sdelay $0x1  }
0x92: {  	v2 =	vld.idx.msk [tilespmem:v2+s16+$0x0], $0xffff;
	_ =	sdelay $0x4  }
0x93: {  	[tilespmem:s24+$0x1D8B0] =	vst v2  }
0x94: {  	v1 =	vld.idx.msk [tilespmem:v1+s16+$0x0], $0xffff;
	_ =	sdelay $0x4  }
0x95: {  	[tilespmem:s24+$0x1D8C0] =	vst v1  }
0x96: {  	_ =	swait.ge [sflag:s28], $0x7D0  }
0x97: {  	[sflag:s28] =	ssyncset.done $0x0  }
0x98: {  	[sflag:s28] =	ssyncadd.s32 $0xFFFFF830  }
0x99: {  	[spmem:s2] =	stream.indirect.scatter.add.f32 [tilespmem:s14], [sflag:$0x7], $0x1, s18, s29, $0xb8;
	[tilespmem:$0x1F080] =	vst v63  }
0x9a: {  	_ =	swait.ge [sflag:s30], $0x7D0  }
0x9b: {  	[sflag:s30] =	ssyncset.done $0x0  }
0x9c: {  	s11 =	simm.s32 @!p0 $0x9;
	[sflag:s30] =	ssyncadd.s32 $0xFFFFF830  }
0x9d: {  	[spmem:s2] =	stream.indirect.scatter.add.f32 [tilespmem:s31], [sflag:$0x8], $0x1, s20, s29, $0xb8;
	[tilespmem:$0x1F080] =	vst v63  }
0x9e: {  	_ =	swait.ge @!p0 [sflag:s11], $0x7D0  }
0x9f: {  	[sflag:s11] =	ssyncset.done @!p0 $0x0  }
0xa0: {  	[sflag:s11] =	ssyncadd.s32 @!p0 $0xFFFFF830;
	s11 =	simm.s32 @!p0 $0xA  }
0xa1: {  	s10 =	sadd.s32 s10, s12;
	_ =	swait.ge @!p0 [sflag:s11], $0x7D0  }
0xa2: {  	s23 =	sshrl.u32 s10, $0x3;
	s10 =	sadd.s32 $0x7D0, s10;
	[sflag:s11] =	ssyncset.done @!p0 $0x0  }
0xa3: {  	s24 =	simm.s32 $0x0;
	[sflag:s11] =	ssyncadd.s32 @!p0 $0xFFFFF830;
	s11 =	sadd.s32 s5, s23  }
0xa4: {  	[tilespmem:s17], [sflag:$0x1] =	stream.linear.gather [hbm4b:s11+s24], $0x7D0, $0x38;
	[tilespmem:$0x1F080] =	vst v63  }
0xa5: {  	s10 =	sshrl.u32 s10, $0x3;
	s23 =	sadd.s32 s6, s23  }
0xa6: {  	[tilespmem:s0], [sflag:$0x5] =	stream.linear.gather [hbm4b:s23+s24], $0x7D0, $0x38;
	[tilespmem:$0x1F080] =	vst v63  }
0xa7: {  	s23 =	sadd.s32 s5, s10  }
0xa8: {  	[tilespmem:s19], [sflag:$0x2] =	stream.linear.gather [hbm4b:s23+s24], $0x7D0, $0x38;
	[tilespmem:$0x1F080] =	vst v63  }
0xa9: {  	s10 =	sadd.s32 s6, s10  }
0xaa: {  	[tilespmem:s4], [sflag:$0x6] =	stream.linear.gather [hbm4b:s10+s24], $0x7D0, $0x38;
	[tilespmem:$0x1F080] =	vst v63  }
0xab: {  	_ =	swait.ge [sflag:s25], $0x7D0  }
0xac: {  	[sflag:s25] =	ssyncset.done $0x0  }
0xad: {  	s10 =	simm.s32 $0x0;
	[sflag:s25] =	ssyncadd.s32 $0xFFFFF830  }
0xae: {  	v1 =	vld [tilespmem:s10+$0x1A080];
	_ =	sdelay $0x6  }
0xaf: {  	v2 =	vld [tilespmem:s10+$0x1A090]  }
0xb0: {  	v1 =	vld.idx.msk [tilespmem:v1+s16+$0x0], $0xffff;
	_ =	sdelay $0x4  }
0xb1: {  	[tilespmem:s10+$0x1E080] =	vst v1;
	v1 =	vld [tilespmem:s10+$0x1A0A0];
	_ =	sdelay $0x1  }
0xb2: {  	v2 =	vld.idx.msk [tilespmem:v2+s16+$0x0], $0xffff;
	_ =	sdelay $0x4  }
0xb3: {  	[tilespmem:s10+$0x1E090] =	vst v2;
	v2 =	vld [tilespmem:s10+$0x1A0B0]  }
0xb4: {  	v1 =	vld.idx.msk [tilespmem:v1+s16+$0x0], $0xffff;
	_ =	sdelay $0x4  }
0xb5: {  	[tilespmem:s10+$0x1E0A0] =	vst v1;
	v1 =	vld [tilespmem:s10+$0x1A0C0];
	_ =	sdelay $0x1  }
0xb6: {  	v2 =	vld.idx.msk [tilespmem:v2+s16+$0x0], $0xffff;
	_ =	sdelay $0x3  }
0xb7: {  	s11 =	simm.s32 $0x280;
	s23 =	simm.s32 $0x50  }
.LBB2_9:
0xb8: {  	p0 =	sne.s32 s11, $0x1E00;
	v3 =	vld [tilespmem:s23+$0x1A080];
	[tilespmem:s10+$0x1E0B0] =	vst v2  }
0xb9: {  	v1 =	vld.idx.msk [tilespmem:v1+s16+$0x0], $0xffff;
	_ =	sdelay $0x5  }
0xba: {  	v2 =	vld [tilespmem:s23+$0x1A090];
	[tilespmem:s10+$0x1E0C0] =	vst v1;
	s10 =	smov.u32 s23  }
0xbb: {  	v1 =	vld.idx.msk [tilespmem:v3+s16+$0x0], $0xffff;
	_ =	sdelay $0x5  }
0xbc: {  	[tilespmem:s10+$0x1E080] =	vst v1;
	v1 =	vld [tilespmem:s10+$0x1A0A0]  }
0xbd: {  	v2 =	vld.idx.msk [tilespmem:v2+s16+$0x0], $0xffff;
	_ =	sdelay $0x5  }
0xbe: {  	[tilespmem:s10+$0x1E090] =	vst v2;
	v2 =	vld [tilespmem:s10+$0x1A0B0]  }
0xbf: {  	v1 =	vld.idx.msk [tilespmem:v1+s16+$0x0], $0xffff;
	_ =	sdelay $0x5  }
0xc0: {  	[tilespmem:s10+$0x1E0A0] =	vst v1;
	v1 =	vld [tilespmem:s10+$0x1A0C0]  }
0xc1: {  	v2 =	vld.idx.msk [tilespmem:v2+s16+$0x0], $0xffff  }
.Ltmp3:
0xc2: {  	(pc) =	sbr.rel @p0 .LBB2_9-.Ltmp3, $2  }
0xc3: {  	_ =	sdelay $0x2  }
0xc4: {  	s23 =	sshra.s32 s11, $0x2;
	s11 =	sadd.s32 $0x140, s11  }
0xc5: {  	_ =	sdelay $0x1  }
0xc6: {  	v3 =	vld [tilespmem:s23+$0x1A080]  }
0xc7: {  	[tilespmem:s10+$0x1E0B0] =	vst v2  }
0xc8: {  	v1 =	vld.idx.msk [tilespmem:v1+s16+$0x0], $0xffff;
	_ =	sdelay $0x4  }
0xc9: {  	v2 =	vld [tilespmem:s23+$0x1A090];
	[tilespmem:s10+$0x1E0C0] =	vst v1  }
0xca: {  	v1 =	vld.idx.msk [tilespmem:v3+s16+$0x0], $0xffff;
	_ =	sdelay $0x4  }
0xcb: {  	[tilespmem:s23+$0x1E080] =	vst v1;
	v1 =	vld [tilespmem:s23+$0x1A0A0];
	_ =	sdelay $0x1  }
0xcc: {  	v2 =	vld.idx.msk [tilespmem:v2+s16+$0x0], $0xffff;
	_ =	sdelay $0x4  }
0xcd: {  	[tilespmem:s23+$0x1E090] =	vst v2;
	v2 =	vld [tilespmem:s23+$0x1A0B0]  }
0xce: {  	v1 =	vld.idx.msk [tilespmem:v1+s16+$0x0], $0xffff;
	_ =	sdelay $0x4  }
0xcf: {  	[tilespmem:s23+$0x1E0A0] =	vst v1;
	v1 =	vld [tilespmem:s23+$0x1A0C0];
	_ =	sdelay $0x1  }
0xd0: {  	v2 =	vld.idx.msk [tilespmem:v2+s16+$0x0], $0xffff;
	_ =	sdelay $0x4  }
0xd1: {  	[tilespmem:s23+$0x1E0B0] =	vst v2  }
0xd2: {  	v1 =	vld.idx.msk [tilespmem:v1+s16+$0x0], $0xffff;
	_ =	sdelay $0x4  }
0xd3: {  	[tilespmem:s23+$0x1E0C0] =	vst v1  }
0xd4: {  	_ =	swait.ge [sflag:s26], $0x7D0  }
0xd5: {  	[sflag:s26] =	ssyncset.done $0x0  }
0xd6: {  	s10 =	simm.s32 $0x0;
	[sflag:s26] =	ssyncadd.s32 $0xFFFFF830  }
0xd7: {  	v1 =	vld [tilespmem:s10+$0x1A880];
	_ =	sdelay $0x6  }
0xd8: {  	v2 =	vld [tilespmem:s10+$0x1A890]  }
0xd9: {  	v1 =	vld.idx.msk [tilespmem:v1+s16+$0x0], $0xffff;
	_ =	sdelay $0x4  }
0xda: {  	[tilespmem:s10+$0x1E880] =	vst v1;
	v1 =	vld [tilespmem:s10+$0x1A8A0];
	_ =	sdelay $0x1  }
0xdb: {  	v2 =	vld.idx.msk [tilespmem:v2+s16+$0x0], $0xffff;
	_ =	sdelay $0x4  }
0xdc: {  	[tilespmem:s10+$0x1E890] =	vst v2;
	v2 =	vld [tilespmem:s10+$0x1A8B0]  }
0xdd: {  	v1 =	vld.idx.msk [tilespmem:v1+s16+$0x0], $0xffff;
	_ =	sdelay $0x4  }
0xde: {  	[tilespmem:s10+$0x1E8A0] =	vst v1;
	v1 =	vld [tilespmem:s10+$0x1A8C0];
	_ =	sdelay $0x1  }
0xdf: {  	v2 =	vld.idx.msk [tilespmem:v2+s16+$0x0], $0xffff;
	_ =	sdelay $0x3  }
0xe0: {  	s11 =	simm.s32 $0x280;
	s23 =	simm.s32 $0x50  }
.LBB2_11:
0xe1: {  	p0 =	sne.s32 s11, $0x1E00;
	v3 =	vld [tilespmem:s23+$0x1A880];
	[tilespmem:s10+$0x1E8B0] =	vst v2  }
0xe2: {  	v1 =	vld.idx.msk [tilespmem:v1+s16+$0x0], $0xffff;
	_ =	sdelay $0x5  }
0xe3: {  	v2 =	vld [tilespmem:s23+$0x1A890];
	[tilespmem:s10+$0x1E8C0] =	vst v1;
	s10 =	smov.u32 s23  }
0xe4: {  	v1 =	vld.idx.msk [tilespmem:v3+s16+$0x0], $0xffff;
	_ =	sdelay $0x5  }
0xe5: {  	[tilespmem:s10+$0x1E880] =	vst v1;
	v1 =	vld [tilespmem:s10+$0x1A8A0]  }
0xe6: {  	v2 =	vld.idx.msk [tilespmem:v2+s16+$0x0], $0xffff;
	_ =	sdelay $0x5  }
0xe7: {  	[tilespmem:s10+$0x1E890] =	vst v2;
	v2 =	vld [tilespmem:s10+$0x1A8B0]  }
0xe8: {  	v1 =	vld.idx.msk [tilespmem:v1+s16+$0x0], $0xffff;
	_ =	sdelay $0x5  }
0xe9: {  	[tilespmem:s10+$0x1E8A0] =	vst v1;
	v1 =	vld [tilespmem:s10+$0x1A8C0]  }
0xea: {  	v2 =	vld.idx.msk [tilespmem:v2+s16+$0x0], $0xffff  }
.Ltmp4:
0xeb: {  	(pc) =	sbr.rel @p0 .LBB2_11-.Ltmp4, $2  }
0xec: {  	_ =	sdelay $0x2  }
0xed: {  	s23 =	sshra.s32 s11, $0x2;
	s11 =	sadd.s32 $0x140, s11  }
0xee: {  	_ =	sdelay $0x1  }
0xef: {  	v3 =	vld [tilespmem:s23+$0x1A880]  }
0xf0: {  	[tilespmem:s10+$0x1E8B0] =	vst v2  }
0xf1: {  	v1 =	vld.idx.msk [tilespmem:v1+s16+$0x0], $0xffff;
	_ =	sdelay $0x4  }
0xf2: {  	v2 =	vld [tilespmem:s23+$0x1A890];
	[tilespmem:s10+$0x1E8C0] =	vst v1  }
0xf3: {  	v1 =	vld.idx.msk [tilespmem:v3+s16+$0x0], $0xffff;
	_ =	sdelay $0x4  }
0xf4: {  	[tilespmem:s23+$0x1E880] =	vst v1;
	v1 =	vld [tilespmem:s23+$0x1A8A0];
	_ =	sdelay $0x1  }
0xf5: {  	v2 =	vld.idx.msk [tilespmem:v2+s16+$0x0], $0xffff;
	_ =	sdelay $0x4  }
0xf6: {  	[tilespmem:s23+$0x1E890] =	vst v2;
	v2 =	vld [tilespmem:s23+$0x1A8B0]  }
0xf7: {  	v1 =	vld.idx.msk [tilespmem:v1+s16+$0x0], $0xffff;
	_ =	sdelay $0x4  }
0xf8: {  	[tilespmem:s23+$0x1E8A0] =	vst v1;
	v1 =	vld [tilespmem:s23+$0x1A8C0];
	_ =	sdelay $0x1  }
0xf9: {  	v2 =	vld.idx.msk [tilespmem:v2+s16+$0x0], $0xffff;
	_ =	sdelay $0x4  }
0xfa: {  	[tilespmem:s23+$0x1E8B0] =	vst v2  }
0xfb: {  	v1 =	vld.idx.msk [tilespmem:v1+s16+$0x0], $0xffff;
	_ =	sdelay $0x4  }
0xfc: {  	[tilespmem:s23+$0x1E8C0] =	vst v1  }
0xfd: {  	_ =	swait.ge [sflag:s13], $0x7D0  }
0xfe: {  	s9 =	sadd.s32 $0x1, s9;
	[sflag:s13] =	ssyncset.done $0x0  }
0xff: {  	p0 =	sne.s32 s9, $0x32;
	[sflag:s13] =	ssyncadd.s32 $0xFFFFF830  }
0x100: {  	[spmem:s2] =	stream.indirect.scatter.add.f32 [tilespmem:s1], [sflag:$0x9], $0x1, s0, s29, $0xb8;
	[tilespmem:$0x1F080] =	vst v63  }
.Ltmp5:
0x101: {  	_ = 	snop;
	(pc) =	sbr.rel @p0 .LBB2_4-.Ltmp5, $4  }
0x102: {  	_ =	swait.ge [sflag:s21], $0x7D0  }
0x103: {  	[sflag:s21] =	ssyncset.done $0x0  }
0x104: {  	[sflag:s21] =	ssyncadd.s32 $0xFFFFF830  }
0x105: {  	[spmem:s2] =	stream.indirect.scatter.add.f32 [tilespmem:s22], [sflag:$0xA], $0x1, s4, s29, $0xb8;
	[tilespmem:$0x1F080] =	vst v63  }
0x106: {  	s7 =	simm.s32 $0x7  }
0x107: {  	_ =	swait.ge [sflag:s7], $0x7D0  }
0x108: {  	[sflag:s7] =	ssyncset.done $0x0  }
0x109: {  	s24 =	simm.s32 $0x8;
	[sflag:s7] =	ssyncadd.s32 $0xFFFFF830  }
0x10a: {  	_ =	swait.ge [sflag:s24], $0x7D0  }
0x10b: {  	[sflag:s24] =	ssyncset.done $0x0  }
0x10c: {  	s9 =	simm.s32 $0x9;
	[sflag:s24] =	ssyncadd.s32 $0xFFFFF830  }
0x10d: {  	_ =	swait.ge [sflag:s9], $0x7D0  }
0x10e: {  	[sflag:s9] =	ssyncset.done $0x0  }
0x10f: {  	s10 =	simm.s32 $0xA;
	[sflag:s9] =	ssyncadd.s32 $0xFFFFF830  }
0x110: {  	_ =	swait.ge [sflag:s10], $0x7D0  }
0x111: {  	[sflag:s10] =	ssyncset.done $0x0  }
0x112: {  	[sflag:s10] =	ssyncadd.s32 $0xFFFFF830  }
0x113: {  	[bflag:$0x0] =	sbarrier.arrive $0xFFFF  }
0x114: {  	s23 =	rddreg [dreg:$0x5]  }
0x115: {  	[tilespmem:s14], [sflag:$0xB] =	stream.linear.gather [spmem:s23], $0x780, $0x38;
	[tilespmem:$0x1F080] =	vst v63  }
0x116: {  	_ =	swait.ge [sflag:s15], $0x780  }
0x117: {  	s9 =	simm.s32 $0x80;
	[sflag:s15] =	ssyncset.done $0x0  }
0x118: {  	s10 =	simm.s32 $0x100;
	s11 =	rddreg [dreg:$0xa];
	[sflag:s15] =	ssyncadd.s32 $0xFFFFF880  }
0x119: {  	[hbm4b:s11+s9] =	stream.strided.scatter [tilespmem:s14], [sflag:$0xB], $0x780, s10, s9, $0x38;
	[tilespmem:$0x1F080] =	vst v63  }
0x11a: {  	_ =	swait.ge [sflag:s15], $0x780  }
0x11b: {  	[sflag:s15] =	ssyncset.done $0x0  }
0x11c: {  	s24 =	rddreg [dreg:$0x6];
	[sflag:s15] =	ssyncadd.s32 $0xFFFFF880  }
0x11d: {  	[tilespmem:s14], [sflag:$0xB] =	stream.linear.gather [spmem:s24], $0x780, $0x38;
	[tilespmem:$0x1F080] =	vst v63  }
0x11e: {  	_ =	swait.ge [sflag:s15], $0x780  }
0x11f: {  	[sflag:s15] =	ssyncset.done $0x0  }
0x120: {  	s11 =	rddreg [dreg:$0xb];
	[sflag:s15] =	ssyncadd.s32 $0xFFFFF880  }
0x121: {  	[hbm4b:s11+s9] =	stream.strided.scatter [tilespmem:s14], [sflag:$0xB], $0x780, s10, s9, $0x38;
	[tilespmem:$0x1F080] =	vst v63  }
0x122: {  	_ =	swait.ge [sflag:s15], $0x780  }
0x123: {  	[sflag:s15] =	ssyncset.done $0x0  }
0x124: {  	s24 =	rddreg [dreg:$0x7];
	[sflag:s15] =	ssyncadd.s32 $0xFFFFF880  }
0x125: {  	[tilespmem:s14], [sflag:$0xB] =	stream.linear.gather [spmem:s24], $0x780, $0x38;
	[tilespmem:$0x1F080] =	vst v63  }
0x126: {  	_ =	swait.ge [sflag:s15], $0x780  }
0x127: {  	[sflag:s15] =	ssyncset.done $0x0  }
0x128: {  	s11 =	rddreg [dreg:$0xc];
	[sflag:s15] =	ssyncadd.s32 $0xFFFFF880  }
0x129: {  	[hbm4b:s11+s9] =	stream.strided.scatter [tilespmem:s14], [sflag:$0xB], $0x780, s10, s9, $0x38;
	[tilespmem:$0x1F080] =	vst v63  }
0x12a: {  	_ =	swait.ge [sflag:s15], $0x780  }
0x12b: {  	[sflag:s15] =	ssyncset.done $0x0  }
0x12c: {  	s24 =	rddreg [dreg:$0x8];
	[sflag:s15] =	ssyncadd.s32 $0xFFFFF880  }
0x12d: {  	[tilespmem:s14], [sflag:$0xB] =	stream.linear.gather [spmem:s24], $0x200, $0x38;
	[tilespmem:$0x1F080] =	vst v63  }
0x12e: {  	_ =	swait.ge [sflag:s15], $0x200  }
0x12f: {  	[sflag:s15] =	ssyncset.done $0x0  }
0x130: {  	s11 =	rddreg [dreg:$0xd];
	[sflag:s15] =	ssyncadd.s32 $0xFFFFFE00  }
0x131: {  	[hbm4b:s11+s9] =	stream.strided.scatter [tilespmem:s14], [sflag:$0xB], $0x200, s10, s9, $0x38;
	[tilespmem:$0x1F080] =	vst v63  }
0x132: {  	_ =	swait.ge [sflag:s15], $0x200  }
0x133: {  	s3 =	sadd.s32 $0x1, s3;
	s24 =	rddreg [dreg:$0x9]  }
0x134: {  	p0 =	sne.s32 s3, s24  }
.Ltmp6:
0x135: {  	_ = 	snop;
	(pc) =	sbr.rel @p0 .LBB2_1-.Ltmp6, $3  }
0x136: {  	_ =	sdelay $0x1  }
0x137: {  	[sflag:s15] =	ssyncset.done $0x0  }
0x138: {  	[sflag:s15] =	ssyncadd.s32 $0xFFFFFE00  }
0x139: {  	_ =	sfence.sel $0x180000  }
0x13a: {  	[bflag:$0x0] =	sbarrier.arrive $0xFFFF  }
0x13b: {  	_ =	strace $0x9000004D  }
0x13c: {  	s0 =	stileid.u32;
	[bflag:$0x2] =	sbarrier.arrive $0xFFFF  }
0x13d: {  	p0 =	sne.s32 s0, $0x0;
	s0 =	rddreg [dreg:$0x3]  }
0x13e: {  	s0 =	sadd.s32 @!p0 $0x100000, s0  }
0x13f: {  	[sflag:s0] =	ssyncadd.tile.s32 @!p0 $0x1;
	_ =	shalt  }
.Lfunc_end2:
_tile_overlayer_lowered:
.L_overlay_start_2:
0x140: {  	(tag) =	ssettag $0x2  }
0x141: {  	s0 =	rddreg [dreg:$0x0];
	s2 =	stileid.u32  }
0x142: {  	s1 =	rddreg [dreg:$0x1];
	p0 =	sne.s32 s2, $0x0  }
0x143: {  	s3 =	rddreg [dreg:$0x2];
	[bflag:$0x3] =	sbarrier.arrive $0xFFFF;
	s2 =	simm.s32 @!p0 $0x1C0B  }
0x144: {  	[timem:s3], [sflag:s2] =	dma.local @!p0 [hbm:s0], s1  }
0x145: {  	s0 =	simm.s32 @!p0 $0xB  }
0x146: {  	_ =	swait.ge @!p0 [sflag:s0], s1  }
0x147: {  	s1 =	ssub.s32 @!p0 $0x0, s1;
	[sflag:s0] =	ssyncset.done @!p0 $0x0  }
0x148: {  	[sflag:s0] =	ssyncadd.s32 @!p0 s1  }
0x149: {  	[bflag:$0x3] =	sbarrier.arrive $0xFFFF  }
0x14a: {  	_ =	shalt  }

// kernel: kernel.8.cloned.1.call-start
scs
__scs_entry_jumppad:
0x0: {  	(pc) =	sbr.rel $0x88, $3  }
0x1: {  	(tag) =	ssettag $0x0;
	lr =	simm.s32 $0x1  }
0x2: {  	[smem:$0x3F9B] =	sst lr;
	_ =	strace $0xD0000000  }
0x3: {  	_ = 	snop  }
0x4: {  	_ = 	snop  }
0x5: {  	_ = 	snop  }
0x6: {  	_ = 	snop  }
0x7: {  	_ = 	snop  }
__scs_overlays_trampoline_lowered:
0x8: {  	[smem:$0x3FAA] =	sst s0  }
0x9: {  	[smem:$0x3FAB] =	sst s1  }
0xa: {  	[smem:$0x3FAC] =	sst s2  }
0xb: {  	[smem:$0x3FAD] =	sst s3  }
0xc: {  	[smem:$0x3FAE] =	sst s4  }
0xd: {  	[smem:$0x3FAF] =	sst s5  }
0xe: {  	[smem:$0x3FB0] =	sst s6  }
0xf: {  	[smem:$0x3FB1] =	sst s7  }
0x10: {  	[smem:$0x3FB2] =	sst s8  }
0x11: {  	[smem:$0x3FB3] =	sst s9;
	s0 =	simm.s32 @!p0 $0x0  }
0x12: {  	s1 =	sld [smem:$0x3F99];
	s0 =	simm.s32 @p0 $0x1  }
0x13: {  	[smem:$0x3FB4] =	sst s0;
	s0 =	simm.s32 @!p1 $0x0  }
0x14: {  	s2 =	sld [smem:$0x3F98];
	s0 =	simm.s32 @p1 $0x1  }
0x15: {  	[smem:$0x3FB5] =	sst s0;
	s0 =	simm.s32 @!p2 $0x0  }
0x16: {  	s3 =	sld [smem:$0x3FDB];
	s0 =	simm.s32 @p2 $0x1  }
0x17: {  	s4 =	simm.s32 $0x1BF5;
	[smem:$0x3FB7] =	sst s0  }
0x18: {  	s0 =	sld [smem:$0x3F9A];
	_ =	swait.ge [sflag:s4], $0x0  }
0x19: {  	s7 =	sld [smem:$0x3F9B]  }
0x1a: {  	s8 =	sadd.s32 $0xFFFFE003, lr  }
0x1b: {  	s9 =	sadd.s32 $0xFFFFFEF7, lr;
	s5 =	simm.s32 $0xFFFFFFFF;
	p2 =	slt.u32 s8, $0xFFFFF086  }
0x1c: {  	p1 =	slt.u32 s9, $0xF7A;
	s5 =	simm.s32 @!p2 $0x0  }
0x1d: {  	s5 =	simm.s32 @p1 $0x1;
	p0 =	seq.s32 s7, s2  }
0x1e: {  	s7 =	smul.u32 @!p0 $0xF7A, s2;
	p2 =	seq.s32 @!p0 s5, $0x0  }
0x1f: {  	s9 =	smul.u32 $0xF7A, s1;
	s8 =	simm.s32 @!p0 $0x1BF5;
	p2 =	por !p2, p0  }
0x20: {  	[sflag:s8] =	ssyncset.s32 @!p0 $0xFFFFF086;
	s6 =	sadd.s32 @!p0 s3, s7;
	s7 =	simm.s32 @!p0 $0x108  }
0x21: {  	s3 =	sadd.s32 s3, s9;
	s6 =	sadd.s32 @!p0 $0x88, s6;
	s7 =	simm.s32 @p2 $0x1082  }
0x22: {  	[simem:s7], [sflag:s8] =	dma.local @!p0 [hbm:s6], $0xF7A  }
0x23: {  	s9 =	sor.u32 $0xD0000000, s2;
	s6 =	simm.s32 $0x108;
	_ =	swait.ge @!p0 [sflag:s8], $0x0  }
0x24: {  	s3 =	sadd.s32 $0x88, s3;
	s6 =	simm.s32 @!p1 $0x1082;
	[sflag:s4] =	ssyncset.s32 $0xFFFFF086  }
0x25: {  	[simem:s6], [sflag:s4] =	dma.local [hbm:s3], $0xF7A  }
0x26: {  	[smem:$0x3F9B] =	sst s1;
	(tag) =	ssettag s2;
	_ =	strace s9  }
0x27: {  	s1 =	sld [smem:$0x3FAB]  }
0x28: {  	s2 =	sld [smem:$0x3FAC]  }
0x29: {  	s4 =	sld [smem:$0x3FAE]  }
0x2a: {  	p0 =	seq.s32 s5, $0x0;
	s5 =	sld [smem:$0x3FAF]  }
0x2b: {  	s6 =	sld [smem:$0x3FB0]  }
0x2c: {  	s7 =	sld [smem:$0x3FB1]  }
0x2d: {  	s3 =	simm.s32 $0x108;
	s8 =	sld [smem:$0x3FB2]  }
0x2e: {  	s3 =	simm.s32 @!p0 $0x1082;
	s9 =	sld [smem:$0x3FB3]  }
0x2f: {  	lr =	sadd.s32 s0, s3;
	s0 =	sld [smem:$0x3FAA]  }
0x30: {  	s3 =	sld [smem:$0x3FAD]  }
0x31: {  	[smem:$0x3FB6] =	sst s10  }
0x32: {  	s10 =	sld [smem:$0x3FB4];
	_ =	sdelay $0x3  }
0x33: {  	p0 =	seq.s32 s10, $0x1;
	s10 =	sld [smem:$0x3FB6];
	_ =	sdelay $0x3  }
0x34: {  	[smem:$0x3FB6] =	sst s10  }
0x35: {  	s10 =	sld [smem:$0x3FB5];
	_ =	sdelay $0x3  }
0x36: {  	p1 =	seq.s32 s10, $0x1;
	s10 =	sld [smem:$0x3FB6];
	_ =	sdelay $0x3  }
0x37: {  	[smem:$0x3FB6] =	sst s10  }
0x38: {  	s10 =	sld [smem:$0x3FB7]  }
0x39: {  	_ = 	snop;
	(pc) =	sbr.ind lr, $3  }
0x3a: {  	_ = 	snop  }
0x3b: {  	_ = 	snop  }
0x3c: {  	p2 =	seq.s32 s10, $0x1;
	s10 =	sld [smem:$0x3FB6]  }
0x3d: {  	_ =	shalt  }
0x3e: {  	_ =	shalt  }
0x3f: {  	_ =	shalt  }
0x40: {  	_ =	shalt  }
0x41: {  	_ =	shalt  }
0x42: {  	_ =	shalt  }
0x43: {  	_ =	shalt  }
0x44: {  	_ =	shalt  }
0x45: {  	_ =	shalt  }
0x46: {  	_ =	shalt  }
0x47: {  	_ =	shalt  }
0x48: {  	_ =	shalt  }
0x49: {  	_ =	shalt  }
0x4a: {  	_ =	shalt  }
0x4b: {  	_ =	shalt  }
0x4c: {  	_ =	shalt  }
0x4d: {  	_ =	shalt  }
0x4e: {  	_ =	shalt  }
0x4f: {  	_ =	shalt  }
0x50: {  	_ =	shalt  }
0x51: {  	_ =	shalt  }
0x52: {  	_ =	shalt  }
0x53: {  	_ =	shalt  }
0x54: {  	_ =	shalt  }
0x55: {  	_ =	shalt  }
0x56: {  	_ =	shalt  }
0x57: {  	_ =	shalt  }
0x58: {  	_ =	shalt  }
0x59: {  	_ =	shalt  }
0x5a: {  	_ =	shalt  }
0x5b: {  	_ =	shalt  }
0x5c: {  	_ =	shalt  }
0x5d: {  	_ =	shalt  }
0x5e: {  	_ =	shalt  }
0x5f: {  	_ =	shalt  }
0x60: {  	_ =	shalt  }
0x61: {  	_ =	shalt  }
0x62: {  	_ =	shalt  }
0x63: {  	_ =	shalt  }
0x64: {  	_ =	shalt  }
0x65: {  	_ =	shalt  }
0x66: {  	_ =	shalt  }
0x67: {  	_ =	shalt  }
0x68: {  	_ =	shalt  }
0x69: {  	_ =	shalt  }
0x6a: {  	_ =	shalt  }
0x6b: {  	_ =	shalt  }
0x6c: {  	_ =	shalt  }
0x6d: {  	_ =	shalt  }
0x6e: {  	_ =	shalt  }
0x6f: {  	_ =	shalt  }
0x70: {  	_ =	shalt  }
0x71: {  	_ =	shalt  }
0x72: {  	_ =	shalt  }
0x73: {  	_ =	shalt  }
0x74: {  	_ =	shalt  }
0x75: {  	_ =	shalt  }
0x76: {  	_ =	shalt  }
0x77: {  	_ =	shalt  }
0x78: {  	_ =	shalt  }
0x79: {  	_ =	shalt  }
0x7a: {  	_ =	shalt  }
0x7b: {  	_ =	shalt  }
0x7c: {  	_ =	shalt  }
0x7d: {  	_ =	shalt  }
0x7e: {  	_ =	shalt  }
0x7f: {  	_ =	shalt  }
0x80: {  	_ =	shalt  }
0x81: {  	_ =	shalt  }
0x82: {  	_ =	shalt  }
0x83: {  	_ =	shalt  }
0x84: {  	_ =	shalt  }
0x85: {  	_ =	shalt  }
0x86: {  	_ =	shalt  }
0x87: {  	_ =	shalt  }
.Lfunc_end0:
.L_simem_size_0:
called_computation_lowered:
.L_overlay_start_0:
0x88: {  	s2 =	sld [smem:$0x3FD9]  }
0x89: {  	s3 =	sld [smem:$0x3FFE];
	_ =	sdelay $0x1  }
0x8a: {  	s1 =	srdreg.scid  }
0x8b: {  	s0 =	sand.u32 $0x1, s1  }
0x8c: {  	s16 =	sshll.u32 s0, $0xA;
	s2 =	sadd.s32 s3, s2  }
0x8d: {  	s2 =	sadd.s32 s2, s16  }
0x8e: {  	[smem:$0x3FC2] =	sst s2  }
0x8f: {  	_ = 	snop  }
0x90: {  	(tm) =	ssettm $0x1  }
0x91: {  	s17 =	sld [smem:$0x3FFB];
	_ =	sdelay $0x3  }
0x92: {  	_ =	strace s17  }
0x93: {  	s2 =	sld [smem:$0x3FFC];
	_ =	sdelay $0x3  }
0x94: {  	_ =	strace s2  }
0x95: {  	s2 =	sld [smem:$0x3FFD];
	_ =	sdelay $0x3  }
0x96: {  	_ =	strace s2  }
0x97: {  	_ =	strace $0x8FFFFFFF  }
0x98: {  	s18 =	sld [smem:$0x3FDB];
	_ =	sdelay $0x1  }
0x99: {  	s19 =	simm.s32 $_scs_section_size  }
0x9a: {  	s4 =	simm.s32 $_size__tile_overlayer_lowered;
	s5 =	simm.s32 $_tile_overlayer_lowered  }
0x9b: {  	s22 =	simm.s32 $0x1BFF;
	s21 =	sshll.u32 s5, $0x1;
	s2 =	sadd.s32 s19, s18  }
0x9c: {  	s6 =	simm.s32 $0x0;
	s20 =	sshll.u32 s4, $0x1;
	s4 =	sadd.s32 s21, s2  }
0x9d: {  	[timem:s6], [sflag:s22] =	dma.local [hbm:s4], s20  }
0x9e: {  	_ =	swait.ge [sflag:s22], s20  }
0x9f: {  	s3 =	ssub.s32 $0x0, s20;
	[sflag:s22] =	ssyncset.done $0x0  }
0xa0: {  	[sflag:s22] =	ssyncadd.s32 s3;
	_ =	sdelay $0x1  }
0xa1: {  	s23 =	simm.s32 $0x1B8B  }
0xa2: {  	_ =	swait.ge [sflag:s23], $0x1  }
0xa3: {  	[sflag:s23] =	ssyncset.done $0x0  }
0xa4: {  	s25 =	simm.s32 $0x1B8E;
	s24 =	sld [smem:$0x3FFE];
	[sflag:s23] =	ssyncadd.s32 $0xFFFFFFFF  }
0xa5: {  	s26 =	simm.s32 $execute0_lowered;
	[smem:$0x3FD2] =	sst s25  }
0xa6: {  	s4 =	sshll.u32 s26, $0x1;
	_ =	strace $0x80000046;
	[dreg:$0x1] =	wrdreg $0xFFFFFFFF  }
0xa7: {  	s28 =	simm.s32 $_size_execute0_lowered;
	s2 =	sadd.s32 s2, s4;
	[dreg:$0x0] =	wrdreg $0x0  }
0xa8: {  	s4 =	sshll.u32 s28, $0x1;
	[dreg:$0x2] =	wrdreg s2  }
0xa9: {  	[dreg:$0x3] =	wrdreg s4  }
0xaa: {  	[dreg:$0x4] =	wrdreg $0xC0  }
0xab: {  	_ =	task [dreg:s6], $0x5FFFF  }
0xac: {  	[dreg:$0x1] =	wrdreg $0xFFFFFFFF  }
0xad: {  	[dreg:$0x0] =	wrdreg $0x60  }
0xae: {  	[dreg:$0x2] =	wrdreg s24  }
0xaf: {  	[dreg:$0x3] =	wrdreg $0x0  }
0xb0: {  	[dreg:$0x4] =	wrdreg $0x9  }
0xb1: {  	_ =	task.clear_ibuf [dreg:s6], $0x5FFFF;
	_ =	strace $0x90000046  }
0xb2: {  	s29 =	simm.s32 $0x9;
	_ =	strace $0x80000048  }
0xb3: {  	_ =	swait.ge [sflag:s29], $0x1  }
0xb4: {  	[sflag:s29] =	ssyncadd.s32 $0xFFFFFFFF  }
0xb5: {  	_ =	strace $0x90000048  }
0xb6: {  	_ =	sfence  }
0xb7: {  	s30 =	sld [smem:$0x0];
	_ =	sdelay $0x2  }
0xb8: {  	s31 =	sshll.u32 s1, $0xD;
	s1 =	sshrl.u32 s1, $0x2  }
0xb9: {  	s3 =	sand.u32 $0x4000, s31;
	s1 =	sadd.s32 s1, s30  }
0xba: {  	s0 =	sor.u32 s3, s0;
	s1 =	sshll.u32 s1, $0x11  }
0xbb: {  	s0 =	sor.u32 s1, s0  }
0xbc: {  	s0 =	sadd.s32 $0x8F2B, s0  }
0xbd: {  	[sflag:s0] =	ssyncadd.remote.s32 $0x1  }
0xbe: {  	_ =	sfence.sel $0xFFFF  }
0xbf: {  	[dreg:$0x0] =	wrdreg $0xFFFFFFFF;
	(pc) =	sbr.abs _section_cstart, $3  }
0xc0: {  	[dreg:$0x1] =	wrdreg $0xFFFFFFFF  }
0xc1: {  	_ =	task.clear_ibuf [dreg:s6], $0x2FFFF;
	_ =	strace $0x9FFFFFFF  }
0xc2: {  	(tm) =	ssettm $0x7FFFFFFF  }
0xc3: {  	_ =	shalt  }
tec
execute0_lowered:
.L_overlay_start_1:
0x0: {  	(tag) =	ssettag $0x1  }
0x1: {  	s0 =	rddreg [dreg:$0x0]  }
0x2: {  	s2 =	rddreg [dreg:$0x1]  }
0x3: {  	s1 =	srdreg.scid;
	s9 =	stileid.u32  }
0x4: {  	s3 =	simm.s32 $0x0;
	s16 =	simm.s32 $0x4080;
	s17 =	simm.s32 $0x9  }
0x5: {  	s28 =	simm.s32 $0x4;
	s29 =	simm.s32 $0x5;
	s4 =	smul.u32 $0x3100, s9  }
0x6: {  	s30 =	simm.s32 $0x6;
	s31 =	simm.s32 $0x7;
	s8 =	smul.u32 $0x6200, s9  }
0x7: {  	s1 =	sand.u32 $0x1, s1;
	[smem:$0x7FF] =	sst s3;
	s11 =	smul.u32 $0x30D40, s9  }
0x8: {  	s5 =	sshll.u32 s1, $0x7;
	_ =	strace $0x80000047;
	s6 =	sshll.u32 s1, $0x4  }
0x9: {  	s7 =	ssub.s32 $0x2, s1;
	s1 =	smul.u32 $0x30D400, s1;
	s5 =	sor.u32 s5, s4  }
0xa: {  	s4 =	sadd.s32 $0x2000, s0;
	s6 =	sor.u32 s9, s6;
	s18 =	sshrl.u32 s7, $0x1  }
0xb: {  	s19 =	sshrl.u32 s8, $0x2;
	s5 =	sshrl.u32 s5, $0x3;
	s6 =	smul.u32 $0x30D40, s6  }
0xc: {  	s7 =	ssub.s32 s7, s18;
	s23 =	sadd.s32 s11, s1;
	s18 =	simm.s32 $0x1880  }
0xd: {  	s0 =	sadd.s32 s5, s0;
	s5 =	sadd.s32 s19, s2;
	s20 =	smax.u32 s7, $0x1  }
0xe: {  	s1 =	sadd.s32 $0x2EE0, s23;
	s24 =	sadd.s32 $0x36B0, s23;
	s25 =	sadd.s32 $0x2710, s23  }
0xf: {  	s14 =	sadd.s32 $0x1F40, s23;
	s19 =	simm.s32 $0x2080;
	s23 =	simm.s32 $0x2  }
0x10: {  	s6 =	sshrl.u32 s6, $0x3;
	s0 =	sadd.s32 $0x188C00, s0;
	[dreg:$0x4] =	wrdreg s20  }
0x11: {  	s1 =	sshrl.u32 s1, $0x3;
	s26 =	sshrl.u32 s25, $0x3;
	s20 =	simm.s32 $0x1  }
0x12: {  	s25 =	simm.s32 $0x3080;
	[dreg:$0x3] =	wrdreg s0;
	s8 =	sadd.s32 s4, s6  }
0x13: {  	s6 =	sshrl.u32 s24, $0x3;
	s12 =	sadd.s32 s1, s4;
	s15 =	sadd.s32 s26, s4  }
0x14: {  	s24 =	simm.s32 $0x2880;
	s26 =	simm.s32 $0x3;
	s0 =	simm.s32 $0x8  }
0x15: {  	s1 =	simm.s32 $0x0;
	s21 =	sadd.s32 $0xFA, s8;
	s22 =	sadd.s32 $0x1F4, s8  }
0x16: {  	s11 =	sadd.s32 $0x2EE, s8;
	s13 =	sadd.s32 s6, s4;
	[dreg:$0x5] =	wrdreg s21  }
0x17: {  	v0 =	vimm.f32 $1.000000000e+00;
	v1 =	vimm.f32 $0.0e+00;
	[dreg:$0x6] =	wrdreg s22;
	s21 =	simm.s32 $0x7D0;
	s22 =	simm.s32 $0x3880  }
.LBB2_1:
0x18: {  	s6 =	simm.s32 $0x0  }
.LBB2_2:
0x19: {  	p0 =	sne.s32 s6, $0x1F00  }
.Ltmp0:
0x1a: {  	_ = 	snop;
	(pc) =	sbr.rel @p0 .LBB2_2-.Ltmp0, $3  }
0x1b: {  	_ =	sdelay $0x1  }
0x1c: {  	s7 =	sshra.s32 s6, $0x2  }
0x1d: {  	s6 =	sadd.s32 $0x40, s6;
	[tilespmem:s7+$0x3880] =	vst v0  }
0x1e: {  	s6 =	simm.s32 $0x40;
	s7 =	simm.s32 $0x0  }
.LBB2_4:
0x1f: {  	p0 =	sne.s32 s6, $0x61C0;
	[tilespmem:s7+$0x4080] =	vst v1;
	s7 =	smov.u32 s6;
	s6 =	sadd.s32 $0x40, s6  }
.Ltmp1:
0x20: {  	(pc) =	sbr.rel @p0 .LBB2_4-.Ltmp1, $2  }
0x21: {  	_ =	sdelay $0x2  }
0x22: {  	s7 =	sshra.s32 s7, $0x2  }
0x23: {  	[tilespmem:s7+$0x4080] =	vst v1  }
0x24: {  	[spmem:s5] =	stream.linear.scatter [tilespmem:s16], [sflag:$0x9], $0x1880, $0x38;
	[tilespmem:$0x5900] =	vst v63  }
0x25: {  	_ =	swait.ge [sflag:s17], $0x1880  }
0x26: {  	[sflag:s17] =	ssyncset.done $0x0  }
0x27: {  	[sflag:s17] =	ssyncadd.s32 $0xFFFFE780  }
0x28: {  	s6 =	simm.s32 $0x0;
	[bflag:$0x0] =	sbarrier.arrive $0xFFFF  }
0x29: {  	[tilespmem:s18], [sflag:$0x1] =	stream.linear.gather [hbm4b:s8+s6], $0x7D0, $0x38;
	[tilespmem:$0x5900] =	vst v63  }
0x2a: {  	s10 =	rddreg [dreg:$0x5]  }
0x2b: {  	[tilespmem:s19], [sflag:$0x2] =	stream.linear.gather [hbm4b:s10+s6], $0x7D0, $0x38;
	[tilespmem:$0x5900] =	vst v63  }
0x2c: {  	_ =	swait.ge [sflag:s20], $0x7D0  }
0x2d: {  	[sflag:s20] =	ssyncset.done $0x0  }
0x2e: {  	[sflag:s20] =	ssyncadd.s32 $0xFFFFF830  }
0x2f: {  	[spmem:s2] =	stream.indirect.scatter.add.f32 [tilespmem:s22], [sflag:$0x5], $0x1, s18, s21, $0xb8;
	[tilespmem:$0x5900] =	vst v63  }
0x30: {  	_ =	swait.ge [sflag:s23], $0x7D0  }
0x31: {  	[sflag:s23] =	ssyncset.done $0x0  }
0x32: {  	[sflag:s23] =	ssyncadd.s32 $0xFFFFF830  }
0x33: {  	[spmem:s2] =	stream.indirect.scatter.add.f32 [tilespmem:s22], [sflag:$0x6], $0x1, s19, s21, $0xb8;
	[tilespmem:$0x5900] =	vst v63  }
0x34: {  	s9 =	rddreg [dreg:$0x6]  }
0x35: {  	[tilespmem:s24], [sflag:$0x3] =	stream.linear.gather [hbm4b:s9+s6], $0x7D0, $0x38;
	[tilespmem:$0x5900] =	vst v63  }
0x36: {  	_ = 	snop  }
0x37: {  	[tilespmem:s25], [sflag:$0x4] =	stream.linear.gather [hbm4b:s11+s6], $0x7D0, $0x38;
	[tilespmem:$0x5900] =	vst v63  }
0x38: {  	_ =	swait.ge [sflag:s26], $0x7D0  }
0x39: {  	[sflag:s26] =	ssyncset.done $0x0  }
0x3a: {  	[sflag:s26] =	ssyncadd.s32 $0xFFFFF830  }
0x3b: {  	[spmem:s2] =	stream.indirect.scatter.add.f32 [tilespmem:s22], [sflag:$0x7], $0x1, s24, s21, $0xb8;
	[tilespmem:$0x5900] =	vst v63  }
0x3c: {  	_ =	swait.ge [sflag:s28], $0x7D0  }
0x3d: {  	[sflag:s28] =	ssyncset.done $0x0  }
0x3e: {  	[sflag:s28] =	ssyncadd.s32 $0xFFFFF830  }
0x3f: {  	[spmem:s2] =	stream.indirect.scatter.add.f32 [tilespmem:s22], [sflag:$0x8], $0x1, s25, s21, $0xb8;
	[tilespmem:$0x5900] =	vst v63  }
0x40: {  	_ =	swait.ge [sflag:s29], $0x7D0  }
0x41: {  	[sflag:s29] =	ssyncset.done $0x0  }
0x42: {  	[sflag:s29] =	ssyncadd.s32 $0xFFFFF830  }
0x43: {  	_ =	swait.ge [sflag:s30], $0x7D0  }
0x44: {  	s10 =	sshrl.u32 s14, $0x3;
	[sflag:s30] =	ssyncset.done $0x0  }
0x45: {  	s6 =	sadd.s32 s4, s10;
	[sflag:s30] =	ssyncadd.s32 $0xFFFFF830  }
0x46: {  	[tilespmem:s18], [sflag:$0x1] =	stream.linear.gather [hbm4b:s6+s3], $0x7D0, $0x38;
	[tilespmem:$0x5900] =	vst v63  }
0x47: {  	s7 =	sadd.s32 $0x0, s15  }
0x48: {  	[tilespmem:s19], [sflag:$0x2] =	stream.linear.gather [hbm4b:s7+s3], $0x7D0, $0x38;
	[tilespmem:$0x5900] =	vst v63  }
0x49: {  	_ =	swait.ge [sflag:s20], $0x7D0  }
0x4a: {  	[sflag:s20] =	ssyncset.done $0x0  }
0x4b: {  	[sflag:s20] =	ssyncadd.s32 $0xFFFFF830  }
0x4c: {  	[spmem:s2] =	stream.indirect.scatter.add.f32 [tilespmem:s22], [sflag:$0x5], $0x1, s18, s21, $0xb8;
	[tilespmem:$0x5900] =	vst v63  }
0x4d: {  	_ =	swait.ge [sflag:s23], $0x7D0  }
0x4e: {  	[sflag:s23] =	ssyncset.done $0x0  }
0x4f: {  	[sflag:s23] =	ssyncadd.s32 $0xFFFFF830  }
0x50: {  	[spmem:s2] =	stream.indirect.scatter.add.f32 [tilespmem:s22], [sflag:$0x6], $0x1, s19, s21, $0xb8;
	[tilespmem:$0x5900] =	vst v63  }
0x51: {  	_ =	swait.ge [sflag:s31], $0x7D0  }
0x52: {  	[sflag:s31] =	ssyncset.done $0x0  }
0x53: {  	[sflag:s31] =	ssyncadd.s32 $0xFFFFF830  }
0x54: {  	_ =	swait.ge [sflag:s0], $0x7D0  }
0x55: {  	[sflag:s0] =	ssyncset.done $0x0  }
0x56: {  	s9 =	sadd.s32 $0x0, s12;
	[sflag:s0] =	ssyncadd.s32 $0xFFFFF830  }
0x57: {  	[tilespmem:s24], [sflag:$0x3] =	stream.linear.gather [hbm4b:s9+s3], $0x7D0, $0x38;
	[tilespmem:$0x5900] =	vst v63  }
0x58: {  	s10 =	sadd.s32 $0x0, s13  }
0x59: {  	[tilespmem:s25], [sflag:$0x4] =	stream.linear.gather [hbm4b:s10+s3], $0x7D0, $0x38;
	[tilespmem:$0x5900] =	vst v63  }
0x5a: {  	_ =	swait.ge [sflag:s26], $0x7D0  }
0x5b: {  	[sflag:s26] =	ssyncset.done $0x0  }
0x5c: {  	[sflag:s26] =	ssyncadd.s32 $0xFFFFF830  }
0x5d: {  	[spmem:s2] =	stream.indirect.scatter.add.f32 [tilespmem:s22], [sflag:$0x7], $0x1, s24, s21, $0xb8;
	[tilespmem:$0x5900] =	vst v63  }
0x5e: {  	_ =	swait.ge [sflag:s28], $0x7D0  }
0x5f: {  	[sflag:s28] =	ssyncset.done $0x0  }
0x60: {  	s6 =	simm.s32 $0x3E8;
	s7 =	sadd.s32 $0x1F40, s14;
	[sflag:s28] =	ssyncadd.s32 $0xFFFFF830  }
.LBB2_6:
0x61: {  	[spmem:s2] =	stream.indirect.scatter.add.f32 [tilespmem:s22], [sflag:$0x8], $0x1, s25, s21, $0xb8;
	[tilespmem:$0x5900] =	vst v63  }
0x62: {  	s9 =	smov.u32 s6  }
0x63: {  	p0 =	sne.s32 s6, $0x59D8;
	s6 =	sadd.s32 $0x3E8, s6;
	_ =	swait.ge [sflag:s29], $0x7D0  }
0x64: {  	[sflag:s29] =	ssyncset.done $0x0  }
0x65: {  	[sflag:s29] =	ssyncadd.s32 $0xFFFFF830  }
0x66: {  	_ =	swait.ge [sflag:s30], $0x7D0  }
0x67: {  	s10 =	sshrl.u32 s7, $0x3;
	[sflag:s30] =	ssyncset.done $0x0  }
0x68: {  	s10 =	sadd.s32 s4, s10;
	[sflag:s30] =	ssyncadd.s32 $0xFFFFF830  }
0x69: {  	[tilespmem:s18], [sflag:$0x1] =	stream.linear.gather [hbm4b:s10+s3], $0x7D0, $0x38;
	[tilespmem:$0x5900] =	vst v63  }
0x6a: {  	s10 =	sadd.s32 s9, s15  }
0x6b: {  	[tilespmem:s19], [sflag:$0x2] =	stream.linear.gather [hbm4b:s10+s3], $0x7D0, $0x38;
	[tilespmem:$0x5900] =	vst v63  }
0x6c: {  	_ =	swait.ge [sflag:s20], $0x7D0  }
0x6d: {  	[sflag:s20] =	ssyncset.done $0x0  }
0x6e: {  	[sflag:s20] =	ssyncadd.s32 $0xFFFFF830  }
0x6f: {  	[spmem:s2] =	stream.indirect.scatter.add.f32 [tilespmem:s22], [sflag:$0x5], $0x1, s18, s21, $0xb8;
	[tilespmem:$0x5900] =	vst v63  }
0x70: {  	_ =	swait.ge [sflag:s23], $0x7D0  }
0x71: {  	[sflag:s23] =	ssyncset.done $0x0  }
0x72: {  	[sflag:s23] =	ssyncadd.s32 $0xFFFFF830  }
0x73: {  	[spmem:s2] =	stream.indirect.scatter.add.f32 [tilespmem:s22], [sflag:$0x6], $0x1, s19, s21, $0xb8;
	[tilespmem:$0x5900] =	vst v63  }
0x74: {  	_ =	swait.ge [sflag:s31], $0x7D0  }
0x75: {  	[sflag:s31] =	ssyncset.done $0x0  }
0x76: {  	[sflag:s31] =	ssyncadd.s32 $0xFFFFF830  }
0x77: {  	_ =	swait.ge [sflag:s0], $0x7D0  }
0x78: {  	[sflag:s0] =	ssyncset.done $0x0  }
0x79: {  	s10 =	sadd.s32 s9, s12;
	[sflag:s0] =	ssyncadd.s32 $0xFFFFF830  }
0x7a: {  	[tilespmem:s24], [sflag:$0x3] =	stream.linear.gather [hbm4b:s10+s3], $0x7D0, $0x38;
	[tilespmem:$0x5900] =	vst v63  }
0x7b: {  	s9 =	sadd.s32 s9, s13  }
0x7c: {  	[tilespmem:s25], [sflag:$0x4] =	stream.linear.gather [hbm4b:s9+s3], $0x7D0, $0x38;
	[tilespmem:$0x5900] =	vst v63  }
0x7d: {  	_ =	swait.ge [sflag:s26], $0x7D0  }
0x7e: {  	[sflag:s26] =	ssyncset.done $0x0  }
.Ltmp2:
0x7f: {  	[sflag:s26] =	ssyncadd.s32 $0xFFFFF830;
	(pc) =	sbr.rel @p0 .LBB2_6-.Ltmp2, $4  }
0x80: {  	[spmem:s2] =	stream.indirect.scatter.add.f32 [tilespmem:s22], [sflag:$0x7], $0x1, s24, s21, $0xb8;
	[tilespmem:$0x5900] =	vst v63  }
0x81: {  	_ =	swait.ge [sflag:s28], $0x7D0  }
0x82: {  	[sflag:s28] =	ssyncset.done $0x0  }
0x83: {  	s7 =	sadd.s32 $0x1F40, s7;
	[sflag:s28] =	ssyncadd.s32 $0xFFFFF830  }
0x84: {  	[spmem:s2] =	stream.indirect.scatter.add.f32 [tilespmem:s22], [sflag:$0x8], $0x1, s25, s21, $0xb8;
	[tilespmem:$0x5900] =	vst v63  }
0x85: {  	_ =	swait.ge [sflag:s29], $0x7D0  }
0x86: {  	[sflag:s29] =	ssyncset.done $0x0  }
0x87: {  	[sflag:s29] =	ssyncadd.s32 $0xFFFFF830  }
0x88: {  	_ =	swait.ge [sflag:s30], $0x7D0  }
0x89: {  	[sflag:s30] =	ssyncset.done $0x0  }
0x8a: {  	[sflag:s30] =	ssyncadd.s32 $0xFFFFF830  }
0x8b: {  	_ =	swait.ge [sflag:s31], $0x7D0  }
0x8c: {  	[sflag:s31] =	ssyncset.done $0x0  }
0x8d: {  	[sflag:s31] =	ssyncadd.s32 $0xFFFFF830  }
0x8e: {  	_ =	swait.ge [sflag:s0], $0x7D0  }
0x8f: {  	[sflag:s0] =	ssyncset.done $0x0  }
0x90: {  	[sflag:s0] =	ssyncadd.s32 $0xFFFFF830  }
0x91: {  	[bflag:$0x0] =	sbarrier.arrive $0xFFFF  }
0x92: {  	[tilespmem:s16], [sflag:$0x9] =	stream.linear.gather [spmem:s5], $0x1880, $0x38;
	[tilespmem:$0x5900] =	vst v63  }
0x93: {  	_ =	swait.ge [sflag:s17], $0x1880  }
0x94: {  	s7 =	simm.s32 $0x80;
	[sflag:s17] =	ssyncset.done $0x0  }
0x95: {  	s9 =	simm.s32 $0x100;
	s6 =	rddreg [dreg:$0x3];
	[sflag:s17] =	ssyncadd.s32 $0xFFFFE780  }
0x96: {  	[hbm4b:s6+s7] =	stream.strided.scatter [tilespmem:s16], [sflag:$0x9], $0x1880, s9, s7, $0x38;
	[tilespmem:$0x5900] =	vst v63  }
0x97: {  	_ =	swait.ge [sflag:s17], $0x1880  }
0x98: {  	s1 =	sadd.s32 $0x1, s1;
	s10 =	rddreg [dreg:$0x4]  }
0x99: {  	p0 =	sne.s32 s1, s10  }
.Ltmp3:
0x9a: {  	_ = 	snop;
	(pc) =	sbr.rel @p0 .LBB2_1-.Ltmp3, $3  }
0x9b: {  	_ =	sdelay $0x1  }
0x9c: {  	[sflag:s17] =	ssyncset.done $0x0  }
0x9d: {  	[sflag:s17] =	ssyncadd.s32 $0xFFFFE780  }
0x9e: {  	_ =	sfence.sel $0x180000  }
0x9f: {  	[bflag:$0x0] =	sbarrier.arrive $0xFFFF  }
0xa0: {  	_ =	strace $0x90000047  }
0xa1: {  	s0 =	stileid.u32;
	[bflag:$0x2] =	sbarrier.arrive $0xFFFF  }
0xa2: {  	p0 =	sne.s32 s0, $0x0;
	s0 =	rddreg [dreg:$0x2]  }
0xa3: {  	s0 =	sadd.s32 @!p0 $0x100000, s0  }
0xa4: {  	[sflag:s0] =	ssyncadd.tile.s32 @!p0 $0x1;
	_ =	shalt  }
.Lfunc_end2:
_tile_overlayer_lowered:
.L_overlay_start_2:
0xa5: {  	(tag) =	ssettag $0x2  }
0xa6: {  	s0 =	rddreg [dreg:$0x0];
	s2 =	stileid.u32  }
0xa7: {  	s1 =	rddreg [dreg:$0x1];
	p0 =	sne.s32 s2, $0x0  }
0xa8: {  	s3 =	rddreg [dreg:$0x2];
	[bflag:$0x3] =	sbarrier.arrive $0xFFFF;
	s2 =	simm.s32 @!p0 $0x1C09  }
0xa9: {  	[timem:s3], [sflag:s2] =	dma.local @!p0 [hbm:s0], s1  }
0xaa: {  	s0 =	simm.s32 @!p0 $0x9  }
0xab: {  	_ =	swait.ge @!p0 [sflag:s0], s1  }
0xac: {  	s1 =	ssub.s32 @!p0 $0x0, s1;
	[sflag:s0] =	ssyncset.done @!p0 $0x0  }
0xad: {  	[sflag:s0] =	ssyncadd.s32 @!p0 s1  }
0xae: {  	[bflag:$0x3] =	sbarrier.arrive $0xFFFF  }
0xaf: {  	_ =	shalt  }

</sc_bundles>
